<compile_context>
chip_gen: v7x
topology: tpu7x:2x2x1
jax: 0.10.2.dev20260603
libtpu: 0.0.44.dev20260713+nightly
codegen_flags: <defaults>
</compile_context>

<pallas_src>
import functools

import jax
import jax.numpy as jnp
from jax import lax
from jax.experimental import pallas as pl
from jax.experimental.pallas import tpu as pltpu
from jax.experimental.pallas import tpu_sc as plsc

N = 10000
D = 128
E = 320000
NP = 10240
EP = 327680
PADN = EP - E
PADR = 240

C_SQ = 1.0
EPS = 4e-3
MIN_NORM = 1e-15

NC = 2
NS = 16
NW = NC * NS
EPW = EP // NW
CH = 64
CHA = 2048
RPS = NP // NS

_mesh = plsc.VectorSubcoreMesh(core_axis_name="c", subcore_axis_name="s")
_sc_params = pltpu.CompilerParams(needs_layout_passes=False)


@functools.partial(
    pl.kernel,
    mesh=_mesh,
    out_type=jax.ShapeDtypeStruct((NW * NP,), jnp.float32),
    scratch_types=[
        pltpu.VMEM((CHA,), jnp.int32),
        pltpu.VMEM((NP,), jnp.float32),
    ],
    compiler_params=_sc_params,
)
def _hist_kernel(dst_hbm, out_hbm, idx_v, hist_v):
    c = lax.axis_index("c")
    s = lax.axis_index("s")
    wid = c * NS + s
    zeros16 = jnp.zeros((16,), jnp.float32)
    ones16 = jnp.ones((16,), jnp.float32)

    def zero_body(i, _):
        hist_v[pl.ds(i * 16, 16)] = zeros16
        return 0

    lax.fori_loop(0, NP // 16, zero_body, 0)

    def chunk_body(k, _):
        base = wid * EPW + k * CHA
        pltpu.sync_copy(dst_hbm.at[pl.ds(base, CHA)], idx_v)

        def inner(j, _):
            idx = idx_v[pl.ds(j * 16, 16)]
            plsc.addupdate_scatter(hist_v, [idx], ones16)
            return 0

        lax.fori_loop(0, CHA // 16, inner, 0)
        return 0

    lax.fori_loop(0, EPW // CHA, chunk_body, 0)
    pltpu.sync_copy(hist_v, out_hbm.at[pl.ds(wid * NP, NP)])


NCH = EPW // CH
NHALF = 4
HCH = NCH // NHALF
NBUF = 4


@functools.partial(
    pl.kernel,
    mesh=_mesh,
    out_type=jax.ShapeDtypeStruct((NC * NP, D), jnp.float32),
    scratch_types=[
        pltpu.VMEM((HCH, CH), jnp.int32),
        pltpu.VMEM((HCH, CH), jnp.int32),
        pltpu.VMEM((NBUF, CH, D), jnp.float32),
        pltpu.VMEM_SHARED((NP, D), jnp.float32),
        [pltpu.SemaphoreType.DMA] * NBUF,
        [pltpu.SemaphoreType.DMA] * NBUF,
    ],
    compiler_params=_sc_params,
)
def _agg_kernel(src_hbm, dst_hbm, y_hbm, out_hbm, idx_s, idx_d, rows, acc_sh,
                gsem, ssem):
    c = lax.axis_index("c")
    s = lax.axis_index("s")
    wid = c * NS + s
    zeros16 = jnp.zeros((16,), jnp.float32)

    def zero_rows(i, _):
        rows[0, i // 8, pl.ds((i % 8) * 16, 16)] = zeros16
        return 0

    lax.fori_loop(0, CH * D // 16, zero_rows, 0)

    def zero_acc(i, _):
        pltpu.sync_copy(rows.at[0], acc_sh.at[pl.ds(s * RPS + i * CH, CH)])
        return 0

    lax.fori_loop(0, RPS // CH, zero_acc, 0)
    plsc.subcore_barrier()

    for h in range(NHALF):
        pltpu.sync_copy(src_hbm.at[wid, pl.ds(h * HCH, HCH)], idx_s)
        pltpu.sync_copy(dst_hbm.at[wid, pl.ds(h * HCH, HCH)], idx_d)

        for b in range(NBUF):
            pltpu.async_copy(y_hbm.at[idx_s.at[b]], rows.at[b], gsem[b])

        def ring_body(kk, _):
            for b in range(NBUF):
                k = kk * NBUF + b
                pltpu.make_async_copy(y_hbm.at[idx_s.at[b]], rows.at[b],
                                      gsem[b]).wait()
                pltpu.async_copy(rows.at[b], acc_sh.at[idx_d.at[k]], ssem[b],
                                 add=True)
                pltpu.make_async_copy(rows.at[b], acc_sh.at[idx_d.at[b]],
                                      ssem[b]).wait()

                @pl.when(kk < HCH // NBUF - 1)
                def _():
                    pltpu.async_copy(y_hbm.at[idx_s.at[k + NBUF]], rows.at[b],
                                     gsem[b])
            return 0

        lax.fori_loop(0, HCH // NBUF, ring_body, 0)
    plsc.subcore_barrier()

    def export_body(i, _):
        off = s * RPS + i * CH
        pltpu.sync_copy(acc_sh.at[pl.ds(off, CH)], rows.at[0])
        pltpu.sync_copy(rows.at[0], out_hbm.at[pl.ds(c * NP + off, CH)])
        return 0

    lax.fori_loop(0, RPS // CH, export_body, 0)


def _dense_body(x_ref, w_ref, hist_ref, y_ref):
    deg = jnp.sum(hist_ref[...], axis=0)[:N] + 1.0
    dinv = lax.rsqrt(deg)
    y = jnp.dot(x_ref[...], w_ref[...],
                preferred_element_type=jnp.float32) * dinv[:, None]
    y_ref[0:N, :] = y
    y_ref[N:NP, :] = jnp.zeros((NP - N, D), jnp.float32)


def _final_body(acc_ref, y_ref, hist_ref, b_ref, o_ref):
    deg = jnp.sum(hist_ref[...], axis=0)[:N] + 1.0
    dinv = lax.rsqrt(deg)
    agg = acc_ref[0:N, :] + acc_ref[NP:NP + N, :] + y_ref[0:N, :]
    s_t = agg * dinv[:, None] + b_ref[...][None, :]
    nrm = jnp.maximum(
        jnp.sqrt(jnp.sum(s_t * s_t, axis=1, keepdims=True)), MIN_NORM)
    e = jnp.tanh(nrm) * s_t / nrm
    n2 = jnp.maximum(
        jnp.sqrt(jnp.sum(e * e, axis=1, keepdims=True)), MIN_NORM)
    maxnorm = 1.0 - EPS
    o_ref[...] = jnp.where(n2 > maxnorm, e / n2 * maxnorm, e)


def kernel(x, adj, W, b):
    src = adj[0]
    dst = adj[1]
    pad = (N + (lax.iota(jnp.int32, PADN) % PADR)).astype(adj.dtype)
    src_e = jnp.concatenate([src, pad])
    dst_e = jnp.concatenate([dst, pad])

    src3 = src_e.reshape(NW, NCH, CH)
    dst3 = dst_e.reshape(NW, NCH, CH)

    hist_flat = _hist_kernel(dst_e)
    hist = hist_flat.reshape(NW, NP)

    y = pl.pallas_call(
        _dense_body,
        out_shape=jax.ShapeDtypeStruct((NP, D), jnp.float32),
    )(x, W, hist)

    acc = _agg_kernel(src3, dst3, y)

    out = pl.pallas_call(
        _final_body,
        out_shape=jax.ShapeDtypeStruct((N, D), jnp.float32),
    )(acc, y, hist, b)
    return out

# --- scband reference (transcript-rebuilt; emitter-appended) ---
"""Pipeline reference for scband-hyp-agg-pyg-89996744721065 (READ-ONLY COPY).

The authoritative reference and input builder live on the scoring server;
editing this copy changes nothing except your own understanding.
"""

import jax, jax.numpy as jnp
import numpy as np

N = 10000
D = 128
E = 320000
C = 1.0
EPS = 4e-3
MIN_NORM = 1e-15


def artanh(x):
    x = jnp.clip(x, -1.0 + 1e-7, 1.0 - 1e-7)
    return jnp.arctanh(x)


def logmap0(x, c):
    sqrt_c = c ** 0.5
    norm = jnp.maximum(jnp.linalg.norm(x, axis=-1, keepdims=True), MIN_NORM)
    return x / (sqrt_c * norm) * artanh(sqrt_c * norm)


def expmap0(u, c):
    sqrt_c = c ** 0.5
    norm = jnp.maximum(jnp.linalg.norm(u, axis=-1, keepdims=True), MIN_NORM)
    return jnp.tanh(sqrt_c * norm) * u / (sqrt_c * norm)


def proj(x, c):
    norm = jnp.maximum(jnp.linalg.norm(x, axis=-1, keepdims=True), MIN_NORM)
    maxnorm = (1.0 - EPS) / (c ** 0.5)
    cond = norm > maxnorm
    projected = x / norm * maxnorm
    return jnp.where(cond, projected, x)


def gcn_conv(x, edge_index, W, b):
    # PyG GCNConv: add self-loops, symmetric normalization, scatter-add aggregation
    src = edge_index[0]
    dst = edge_index[1]
    loop = jnp.arange(N, dtype=edge_index.dtype)
    src = jnp.concatenate([src, loop])
    dst = jnp.concatenate([dst, loop])
    xw = x @ W
    deg = jnp.zeros((N,), dtype=xw.dtype).at[dst].add(1.0)
    dinv = jnp.where(deg > 0, 1.0 / jnp.sqrt(deg), 0.0)
    norm = dinv[src] * dinv[dst]
    msg = jnp.take(xw, src, axis=0) * norm[:, None]
    out = jnp.zeros_like(xw).at[dst].add(msg)
    return out + b


def setup_inputs(seed: int = 0):
    key = jax.random.key(seed)
    k1, k2, k3 = jax.random.split(key, 3)
    # points near the origin of the Poincare ball
    x = jax.random.normal(k1, (N, D), dtype=jnp.float32) * 0.01
    adj = jax.random.randint(k2, (2, E), 0, N, dtype=jnp.int32)
    # GCNConv learned parameters (glorot weight, zero bias)
    W = jax.random.normal(k3, (D, D), dtype=jnp.float32) * (1.0 / np.sqrt(D))
    b = jnp.zeros((D,), dtype=jnp.float32)
    return {"x": x, "adj": adj, "W": W, "b": b}


def reference(x, adj, W, b):
    # x_tangent computed in the original forward (result unused by the output path)
    x_tangent = logmap0(x, C)
    support_t = gcn_conv(x, adj, W, b)
    output = proj(expmap0(support_t, C), C)
    return output

if __name__ == "__main__":
    import jax
    _d = setup_inputs()
    print(jax.jit(kernel)(*tuple(_d.values())))

</pallas_src>

<mosaic_0001>
#map = affine_map<(d0, d1) -> (0)>
module attributes {stable_mosaic.version = 14 : i64} {
  func.func @_hist_kernel(%arg0: i32, %arg1: i32, %arg2: memref<327680xi32, #tpu.memory_space<hbm>>, %arg3: memref<327680xf32, #tpu.memory_space<hbm>>, %arg4: memref<2048xi32, #tpu.memory_space<vmem>>, %arg5: memref<10240xf32, #tpu.memory_space<vmem>>) attributes {dimension_semantics = [#tpu.dimension_semantics<core_parallel>, #tpu.dimension_semantics<subcore_parallel>], iteration_bounds = array<i64: 2, 16>, scalar_prefetch = 0 : i64, scratch_operands = 2 : i64, tpu.core_type = #tpu.core_type<sc_vector_subcore>, window_params = [{transform_indices = #map}, {transform_indices = #map}]} {
    %mul3A = arith.constant 16 : i32
    %mul3A_0 = arith.muli %arg0, %mul3A : i32
    %add3A = arith.addi %mul3A_0, %arg1 : i32
    %broadcast_in_dim3A = arith.constant 0.000000e+00 : f32
    %broadcast_in_dim3A_1 = vector.broadcast %broadcast_in_dim3A : f32 to vector<16xf32>
    %broadcast_in_dim3A_2 = arith.constant 1.000000e+00 : f32
    %broadcast_in_dim3A_3 = vector.broadcast %broadcast_in_dim3A_2 : f32 to vector<16xf32>
    %scan3A = arith.constant 0 : i32
    %scan3A_4 = arith.constant 0 : i32
    %scan3A_5 = arith.constant 640 : i32
    %scan3A_6 = arith.addi %scan3A_4, %scan3A_5 : i32
    %scan3A_7 = arith.constant 1 : i32
    %scan3A_8 = scf.for %scan3A_19 = %scan3A_4 to %scan3A_6 step %scan3A_7 iter_args(%scan3A_20 = %scan3A) -> (i32)  : i32 {
      %mul3A_21 = arith.constant 16 : i32
      %mul3A_22 = arith.muli %scan3A_19, %mul3A_21 : i32
      %swap3A = arith.index_cast %mul3A_22 : i32 to index
      %swap3A_23 = tpu.vector_load %arg5[%swap3A] {strides = array<i32>} : memref<10240xf32, #tpu.memory_space<vmem>>, vector<16xf32>,
      tpu.vector_store %arg5[%swap3A], %broadcast_in_dim3A_1 {strides = array<i32>} : memref<10240xf32, #tpu.memory_space<vmem>>, vector<16xf32>,
      %scan3A_24 = arith.constant 0 : i32
      scf.yield %scan3A_24 : i32
    }
    %scan3A_9 = arith.constant 640 : i32
    %scan3A_10 = arith.constant 0 : i32
    %scan3A_11 = arith.constant 0 : i32
    %scan3A_12 = arith.constant 5 : i32
    %scan3A_13 = arith.addi %scan3A_11, %scan3A_12 : i32
    %scan3A_14 = arith.constant 1 : i32
    %scan3A_15 = scf.for %scan3A_19 = %scan3A_11 to %scan3A_13 step %scan3A_14 iter_args(%scan3A_20 = %scan3A_10) -> (i32)  : i32 {
      %mul3A_21 = arith.constant 10240 : i32
      %mul3A_22 = arith.muli %add3A, %mul3A_21 : i32
      %mul3A_23 = arith.constant 2048 : i32
      %mul3A_24 = arith.muli %scan3A_19, %mul3A_23 : i32
      %add3A_25 = arith.addi %mul3A_22, %mul3A_24 : i32
      "tpu.region"() ({
        %run_scoped3A = tpu.sem_alloc : memref<!tpu.dma_semaphore, #tpu.memory_space<semaphore_mem>>
        %dma_start3A = tpu.memref_slice %arg2[%add3A_25] : memref<327680xi32, #tpu.memory_space<hbm>> -> memref<2048xi32, #tpu.memory_space<hbm>>
        %dma_start3A_34 = tpu.memref_slice %arg2[%add3A_25] : memref<327680xi32, #tpu.memory_space<hbm>> -> memref<2048xi32, #tpu.memory_space<hbm>>
        tpu.enqueue_dma source(%dma_start3A_34 : memref<2048xi32, #tpu.memory_space<hbm>>) target(%arg4 : memref<2048xi32, #tpu.memory_space<vmem>>) target_semaphore(%run_scoped3A : memref<!tpu.dma_semaphore, #tpu.memory_space<semaphore_mem>>)
        %dma_wait3A = tpu.memref_slice %arg2[%add3A_25] : memref<327680xi32, #tpu.memory_space<hbm>> -> memref<2048xi32, #tpu.memory_space<hbm>>
        %dma_wait3A_35 = tpu.memref_slice %arg2[%add3A_25] : memref<327680xi32, #tpu.memory_space<hbm>> -> memref<2048xi32, #tpu.memory_space<hbm>>
        tpu.wait_dma2 semaphore(%run_scoped3A : memref<!tpu.dma_semaphore, #tpu.memory_space<semaphore_mem>>) src(%dma_wait3A_35 : memref<2048xi32, #tpu.memory_space<hbm>>) dst(%arg4 : memref<2048xi32, #tpu.memory_space<vmem>>)
        tpu.yield
      }) : () -> ()
      %scan3A_26 = arith.constant 0 : i32
      %scan3A_27 = arith.constant 0 : i32
      %scan3A_28 = arith.constant 128 : i32
      %scan3A_29 = arith.addi %scan3A_27, %scan3A_28 : i32
      %scan3A_30 = arith.constant 1 : i32
      %scan3A_31 = scf.for %scan3A_34 = %scan3A_27 to %scan3A_29 step %scan3A_30 iter_args(%scan3A_35 = %scan3A_26) -> (i32)  : i32 {
        %mul3A_36 = arith.constant 16 : i32
        %mul3A_37 = arith.muli %scan3A_34, %mul3A_36 : i32
        %get3A = arith.index_cast %mul3A_37 : i32 to index
        %get3A_38 = tpu.vector_load %arg4[%get3A] {strides = array<i32>} : memref<2048xi32, #tpu.memory_space<vmem>>, vector<16xi32>,
        tpu.vector_store_idx %arg5[%get3A_38], %broadcast_in_dim3A_3 {add = true} : memref<10240xf32, #tpu.memory_space<vmem>>[vector<16xi32>], vector<16xf32>,
        %scan3A_39 = arith.constant 0 : i32
        scf.yield %scan3A_39 : i32
      }
      %scan3A_32 = arith.constant 128 : i32
      %scan3A_33 = arith.constant 0 : i32
      scf.yield %scan3A_33 : i32
    }
    %scan3A_16 = arith.constant 5 : i32
    %mul3A_17 = arith.constant 10240 : i32
    %mul3A_18 = arith.muli %add3A, %mul3A_17 : i32
    "tpu.region"() ({
      %run_scoped3A = tpu.sem_alloc : memref<!tpu.dma_semaphore, #tpu.memory_space<semaphore_mem>>
      %dma_start3A = tpu.memref_slice %arg3[%mul3A_18] : memref<327680xf32, #tpu.memory_space<hbm>> -> memref<10240xf32, #tpu.memory_space<hbm>>
      %dma_start3A_19 = tpu.memref_slice %arg3[%mul3A_18] : memref<327680xf32, #tpu.memory_space<hbm>> -> memref<10240xf32, #tpu.memory_space<hbm>>
      tpu.enqueue_dma source(%arg5 : memref<10240xf32, #tpu.memory_space<vmem>>) target(%dma_start3A_19 : memref<10240xf32, #tpu.memory_space<hbm>>) target_semaphore(%run_scoped3A : memref<!tpu.dma_semaphore, #tpu.memory_space<semaphore_mem>>)
      %dma_wait3A = tpu.memref_slice %arg3[%mul3A_18] : memref<327680xf32, #tpu.memory_space<hbm>> -> memref<10240xf32, #tpu.memory_space<hbm>>
      %dma_wait3A_20 = tpu.memref_slice %arg3[%mul3A_18] : memref<327680xf32, #tpu.memory_space<hbm>> -> memref<10240xf32, #tpu.memory_space<hbm>>
      tpu.wait_dma2 semaphore(%run_scoped3A : memref<!tpu.dma_semaphore, #tpu.memory_space<semaphore_mem>>) src(%arg5 : memref<10240xf32, #tpu.memory_space<vmem>>) dst(%dma_wait3A_20 : memref<10240xf32, #tpu.memory_space<hbm>>)
      tpu.yield
    }) : () -> ()
    return
  }
}

#map = affine_map<(d0, d1) -> (0, 0, 0)>
#map1 = affine_map<(d0, d1) -> (0, 0)>
module attributes {stable_mosaic.version = 14 : i64} {
  func.func @_agg_kernel(%arg0: i32, %arg1: i32, %arg2: memref<32x160x64xi32, #tpu.memory_space<hbm>>, %arg3: memref<32x160x64xi32, #tpu.memory_space<hbm>>, %arg4: memref<10240x128xf32, #tpu.memory_space<hbm>>, %arg5: memref<20480x128xf32, #tpu.memory_space<hbm>>, %arg6: memref<40x64xi32, #tpu.memory_space<vmem>>, %arg7: memref<40x64xi32, #tpu.memory_space<vmem>>, %arg8: memref<4x64x128xf32, #tpu.memory_space<vmem>>, %arg9: memref<10240x128xf32, #tpu.memory_space<vmem_shared>>, %arg10: memref<!tpu.dma_semaphore, #tpu.memory_space<semaphore_mem>>, %arg11: memref<!tpu.dma_semaphore, #tpu.memory_space<semaphore_mem>>, %arg12: memref<!tpu.dma_semaphore, #tpu.memory_space<semaphore_mem>>, %arg13: memref<!tpu.dma_semaphore, #tpu.memory_space<semaphore_mem>>, %arg14: memref<!tpu.dma_semaphore, #tpu.memory_space<semaphore_mem>>, %arg15: memref<!tpu.dma_semaphore, #tpu.memory_space<semaphore_mem>>, %arg16: memref<!tpu.dma_semaphore, #tpu.memory_space<semaphore_mem>>, %arg17: memref<!tpu.dma_semaphore, #tpu.memory_space<semaphore_mem>>) attributes {dimension_semantics = [#tpu.dimension_semantics<core_parallel>, #tpu.dimension_semantics<subcore_parallel>], iteration_bounds = array<i64: 2, 16>, scalar_prefetch = 0 : i64, scratch_operands = 12 : i64, tpu.core_type = #tpu.core_type<sc_vector_subcore>, window_params = [{transform_indices = #map}, {transform_indices = #map}, {transform_indices = #map1}, {transform_indices = #map1}]} {
    %mul3A = arith.constant 16 : i32
    %mul3A_0 = arith.muli %arg0, %mul3A : i32
    %add3A = arith.addi %mul3A_0, %arg1 : i32
    %broadcast_in_dim3A = arith.constant 0.000000e+00 : f32
    %broadcast_in_dim3A_1 = vector.broadcast %broadcast_in_dim3A : f32 to vector<16xf32>
    %scan3A = arith.constant 0 : i32
    %scan3A_2 = arith.constant 0 : i32
    %scan3A_3 = arith.constant 512 : i32
    %scan3A_4 = arith.addi %scan3A_2, %scan3A_3 : i32
    %scan3A_5 = arith.constant 1 : i32
    %scan3A_6 = scf.for %scan3A_242 = %scan3A_2 to %scan3A_4 step %scan3A_5 iter_args(%scan3A_243 = %scan3A) -> (i32)  : i32 {
      %jit3A = arith.constant 8 : i32
      %div3A = arith.divsi %scan3A_242, %jit3A : i32
      %sign3A = arith.constant 0 : i32
      %sign3A_244 = arith.cmpi sgt, %scan3A_242, %sign3A : i32
      %sign3A_245 = arith.extui %sign3A_244 : i1 to i32
      %sign3A_246 = arith.constant 0 : i32
      %sign3A_247 = arith.cmpi slt, %scan3A_242, %sign3A_246 : i32
      %sign3A_248 = arith.extui %sign3A_247 : i1 to i32
      %sign3A_249 = arith.subi %sign3A_245, %sign3A_248 : i32
      %sign3A_250 = arith.constant 0 : i32
      %sign3A_251 = arith.cmpi sgt, %jit3A, %sign3A_250 : i32
      %sign3A_252 = arith.extui %sign3A_251 : i1 to i32
      %sign3A_253 = arith.constant 0 : i32
      %sign3A_254 = arith.cmpi slt, %jit3A, %sign3A_253 : i32
      %sign3A_255 = arith.extui %sign3A_254 : i1 to i32
      %sign3A_256 = arith.subi %sign3A_252, %sign3A_255 : i32
      %ne3A = arith.cmpi ne, %sign3A_249, %sign3A_256 : i32
      %rem3A = arith.remsi %scan3A_242, %jit3A : i32
      %ne3A_257 = arith.constant 0 : i32
      %ne3A_258 = arith.cmpi ne, %rem3A, %ne3A_257 : i32
      %and3A = arith.andi %ne3A, %ne3A_258 : i1
      %sub3A = arith.constant 1 : i32
      %sub3A_259 = arith.subi %div3A, %sub3A : i32
      %select_n3A = arith.select %and3A, %sub3A_259, %div3A : i32
      %jit3A_260 = arith.constant 8 : i32
      %eq3A = arith.constant 0 : i32
      %eq3A_261 = arith.cmpi eq, %jit3A_260, %eq3A : i32
      %jit3A_262 = arith.constant 1 : i32
      %select_n3A_263 = arith.select %eq3A_261, %jit3A_262, %jit3A_260 : i32
      %rem3A_264 = arith.remsi %scan3A_242, %select_n3A_263 : i32
      %ne3A_265 = arith.constant 0 : i32
      %ne3A_266 = arith.cmpi ne, %rem3A_264, %ne3A_265 : i32
      %lt3A = arith.constant 0 : i32
      %lt3A_267 = arith.cmpi slt, %rem3A_264, %lt3A : i32
      %lt3A_268 = arith.constant 0 : i32
      %lt3A_269 = arith.cmpi slt, %select_n3A_263, %lt3A_268 : i32
      %ne3A_270 = arith.xori %lt3A_267, %lt3A_269 : i1
      %and3A_271 = arith.andi %ne3A_270, %ne3A_266 : i1
      %add3A_272 = arith.addi %rem3A_264, %select_n3A_263 : i32
      %select_n3A_273 = arith.select %and3A_271, %add3A_272, %rem3A_264 : i32
      %mul3A_274 = arith.constant 16 : i32
      %mul3A_275 = arith.muli %select_n3A_273, %mul3A_274 : i32
      %swap3A = arith.constant 0 : i32
      %swap3A_276 = arith.index_cast %swap3A : i32 to index
      %swap3A_277 = arith.index_cast %select_n3A : i32 to index
      %swap3A_278 = arith.index_cast %mul3A_275 : i32 to index
      %swap3A_279 = tpu.vector_load %arg8[%swap3A_276, %swap3A_277, %swap3A_278] {strides = array<i32>} : memref<4x64x128xf32, #tpu.memory_space<vmem>>, vector<16xf32>,
      tpu.vector_store %arg8[%swap3A_276, %swap3A_277, %swap3A_278], %broadcast_in_dim3A_1 {strides = array<i32>} : memref<4x64x128xf32, #tpu.memory_space<vmem>>, vector<16xf32>,
      %scan3A_280 = arith.constant 0 : i32
      scf.yield %scan3A_280 : i32
    }
    %scan3A_7 = arith.constant 512 : i32
    %scan3A_8 = arith.constant 0 : i32
    %scan3A_9 = arith.constant 0 : i32
    %scan3A_10 = arith.constant 10 : i32
    %scan3A_11 = arith.addi %scan3A_9, %scan3A_10 : i32
    %scan3A_12 = arith.constant 1 : i32
    %scan3A_13 = scf.for %scan3A_242 = %scan3A_9 to %scan3A_11 step %scan3A_12 iter_args(%scan3A_243 = %scan3A_8) -> (i32)  : i32 {
      %mul3A_244 = arith.constant 640 : i32
      %mul3A_245 = arith.muli %arg1, %mul3A_244 : i32
      %mul3A_246 = arith.constant 64 : i32
      %mul3A_247 = arith.muli %scan3A_242, %mul3A_246 : i32
      %add3A_248 = arith.addi %mul3A_245, %mul3A_247 : i32
      %run_scoped3A = arith.constant 0 : i32
      "tpu.region"() ({
        %run_scoped3A_250 = tpu.sem_alloc : memref<!tpu.dma_semaphore, #tpu.memory_space<semaphore_mem>>
        %dma_start3A_251 = arith.constant 0 : i32
        %dma_start3A_252 = arith.constant 0 : i32
        %dma_start3A_253 = tpu.memref_slice %arg8[%run_scoped3A, %dma_start3A_251, %dma_start3A_252] : memref<4x64x128xf32, #tpu.memory_space<vmem>> -> memref<1x64x128xf32, #tpu.memory_space<vmem>>
        %dma_start3A_254 = tpu.memref_squeeze %dma_start3A_253 : memref<1x64x128xf32, #tpu.memory_space<vmem>> -> memref<64x128xf32, #tpu.memory_space<vmem>>
        %dma_start3A_255 = arith.constant 0 : i32
        %dma_start3A_256 = tpu.memref_slice %arg9[%add3A_248, %dma_start3A_255] : memref<10240x128xf32, #tpu.memory_space<vmem_shared>> -> memref<64x128xf32, #tpu.memory_space<vmem_shared>>
        %dma_start3A_257 = arith.constant 0 : i32
        %dma_start3A_258 = tpu.memref_slice %arg9[%add3A_248, %dma_start3A_257] : memref<10240x128xf32, #tpu.memory_space<vmem_shared>> -> memref<64x128xf32, #tpu.memory_space<vmem_shared>>
        %dma_start3A_259 = arith.constant 0 : i32
        %dma_start3A_260 = arith.constant 0 : i32
        %dma_start3A_261 = tpu.memref_slice %arg8[%run_scoped3A, %dma_start3A_259, %dma_start3A_260] : memref<4x64x128xf32, #tpu.memory_space<vmem>> -> memref<1x64x128xf32, #tpu.memory_space<vmem>>
        %dma_start3A_262 = tpu.memref_squeeze %dma_start3A_261 : memref<1x64x128xf32, #tpu.memory_space<vmem>> -> memref<64x128xf32, #tpu.memory_space<vmem>>
        tpu.enqueue_dma source(%dma_start3A_262 : memref<64x128xf32, #tpu.memory_space<vmem>>) target(%dma_start3A_258 : memref<64x128xf32, #tpu.memory_space<vmem_shared>>) target_semaphore(%run_scoped3A_250 : memref<!tpu.dma_semaphore, #tpu.memory_space<semaphore_mem>>)
        %dma_wait3A = arith.constant 0 : i32
        %dma_wait3A_263 = arith.constant 0 : i32
        %dma_wait3A_264 = tpu.memref_slice %arg8[%run_scoped3A, %dma_wait3A, %dma_wait3A_263] : memref<4x64x128xf32, #tpu.memory_space<vmem>> -> memref<1x64x128xf32, #tpu.memory_space<vmem>>
        %dma_wait3A_265 = tpu.memref_squeeze %dma_wait3A_264 : memref<1x64x128xf32, #tpu.memory_space<vmem>> -> memref<64x128xf32, #tpu.memory_space<vmem>>
        %dma_wait3A_266 = arith.constant 0 : i32
        %dma_wait3A_267 = tpu.memref_slice %arg9[%add3A_248, %dma_wait3A_266] : memref<10240x128xf32, #tpu.memory_space<vmem_shared>> -> memref<64x128xf32, #tpu.memory_space<vmem_shared>>
        %dma_wait3A_268 = arith.constant 0 : i32
        %dma_wait3A_269 = tpu.memref_slice %arg9[%add3A_248, %dma_wait3A_268] : memref<10240x128xf32, #tpu.memory_space<vmem_shared>> -> memref<64x128xf32, #tpu.memory_space<vmem_shared>>
        %dma_wait3A_270 = arith.constant 0 : i32
        %dma_wait3A_271 = arith.constant 0 : i32
        %dma_wait3A_272 = tpu.memref_slice %arg8[%run_scoped3A, %dma_wait3A_270, %dma_wait3A_271] : memref<4x64x128xf32, #tpu.memory_space<vmem>> -> memref<1x64x128xf32, #tpu.memory_space<vmem>>
        %dma_wait3A_273 = tpu.memref_squeeze %dma_wait3A_272 : memref<1x64x128xf32, #tpu.memory_space<vmem>> -> memref<64x128xf32, #tpu.memory_space<vmem>>
        tpu.wait_dma2 semaphore(%run_scoped3A_250 : memref<!tpu.dma_semaphore, #tpu.memory_space<semaphore_mem>>) src(%dma_wait3A_273 : memref<64x128xf32, #tpu.memory_space<vmem>>) dst(%dma_wait3A_269 : memref<64x128xf32, #tpu.memory_space<vmem_shared>>)
        tpu.yield
      }) : () -> ()
      %scan3A_249 = arith.constant 0 : i32
      scf.yield %scan3A_249 : i32
    }
    %scan3A_14 = arith.constant 10 : i32
    %barrier3A = arith.constant 0 : index
    tpu.barrier barrier_id(%barrier3A)
    "tpu.region"() ({
      %run_scoped3A = tpu.sem_alloc : memref<!tpu.dma_semaphore, #tpu.memory_space<semaphore_mem>>
      %dma_start3A_242 = arith.constant 0 : i32
      %dma_start3A_243 = arith.constant 0 : i32
      %dma_start3A_244 = tpu.memref_slice %arg2[%add3A, %dma_start3A_242, %dma_start3A_243] : memref<32x160x64xi32, #tpu.memory_space<hbm>> -> memref<1x40x64xi32, #tpu.memory_space<hbm>>
      %dma_start3A_245 = tpu.memref_squeeze %dma_start3A_244 : memref<1x40x64xi32, #tpu.memory_space<hbm>> -> memref<40x64xi32, #tpu.memory_space<hbm>>
      %dma_start3A_246 = arith.constant 0 : i32
      %dma_start3A_247 = arith.constant 0 : i32
      %dma_start3A_248 = tpu.memref_slice %arg2[%add3A, %dma_start3A_246, %dma_start3A_247] : memref<32x160x64xi32, #tpu.memory_space<hbm>> -> memref<1x40x64xi32, #tpu.memory_space<hbm>>
      %dma_start3A_249 = tpu.memref_squeeze %dma_start3A_248 : memref<1x40x64xi32, #tpu.memory_space<hbm>> -> memref<40x64xi32, #tpu.memory_space<hbm>>
      tpu.enqueue_dma source(%dma_start3A_249 : memref<40x64xi32, #tpu.memory_space<hbm>>) target(%arg6 : memref<40x64xi32, #tpu.memory_space<vmem>>) target_semaphore(%run_scoped3A : memref<!tpu.dma_semaphore, #tpu.memory_space<semaphore_mem>>)
      %dma_wait3A = arith.constant 0 : i32
      %dma_wait3A_250 = arith.constant 0 : i32
      %dma_wait3A_251 = tpu.memref_slice %arg2[%add3A, %dma_wait3A, %dma_wait3A_250] : memref<32x160x64xi32, #tpu.memory_space<hbm>> -> memref<1x40x64xi32, #tpu.memory_space<hbm>>
      %dma_wait3A_252 = tpu.memref_squeeze %dma_wait3A_251 : memref<1x40x64xi32, #tpu.memory_space<hbm>> -> memref<40x64xi32, #tpu.memory_space<hbm>>
      %dma_wait3A_253 = arith.constant 0 : i32
      %dma_wait3A_254 = arith.constant 0 : i32
      %dma_wait3A_255 = tpu.memref_slice %arg2[%add3A, %dma_wait3A_253, %dma_wait3A_254] : memref<32x160x64xi32, #tpu.memory_space<hbm>> -> memref<1x40x64xi32, #tpu.memory_space<hbm>>
      %dma_wait3A_256 = tpu.memref_squeeze %dma_wait3A_255 : memref<1x40x64xi32, #tpu.memory_space<hbm>> -> memref<40x64xi32, #tpu.memory_space<hbm>>
      tpu.wait_dma2 semaphore(%run_scoped3A : memref<!tpu.dma_semaphore, #tpu.memory_space<semaphore_mem>>) src(%dma_wait3A_256 : memref<40x64xi32, #tpu.memory_space<hbm>>) dst(%arg6 : memref<40x64xi32, #tpu.memory_space<vmem>>)
      tpu.yield
    }) : () -> ()
    "tpu.region"() ({
      %run_scoped3A = tpu.sem_alloc : memref<!tpu.dma_semaphore, #tpu.memory_space<semaphore_mem>>
      %dma_start3A_242 = arith.constant 0 : i32
      %dma_start3A_243 = arith.constant 0 : i32
      %dma_start3A_244 = tpu.memref_slice %arg3[%add3A, %dma_start3A_242, %dma_start3A_243] : memref<32x160x64xi32, #tpu.memory_space<hbm>> -> memref<1x40x64xi32, #tpu.memory_space<hbm>>
      %dma_start3A_245 = tpu.memref_squeeze %dma_start3A_244 : memref<1x40x64xi32, #tpu.memory_space<hbm>> -> memref<40x64xi32, #tpu.memory_space<hbm>>
      %dma_start3A_246 = arith.constant 0 : i32
      %dma_start3A_247 = arith.constant 0 : i32
      %dma_start3A_248 = tpu.memref_slice %arg3[%add3A, %dma_start3A_246, %dma_start3A_247] : memref<32x160x64xi32, #tpu.memory_space<hbm>> -> memref<1x40x64xi32, #tpu.memory_space<hbm>>
      %dma_start3A_249 = tpu.memref_squeeze %dma_start3A_248 : memref<1x40x64xi32, #tpu.memory_space<hbm>> -> memref<40x64xi32, #tpu.memory_space<hbm>>
      tpu.enqueue_dma source(%dma_start3A_249 : memref<40x64xi32, #tpu.memory_space<hbm>>) target(%arg7 : memref<40x64xi32, #tpu.memory_space<vmem>>) target_semaphore(%run_scoped3A : memref<!tpu.dma_semaphore, #tpu.memory_space<semaphore_mem>>)
      %dma_wait3A = arith.constant 0 : i32
      %dma_wait3A_250 = arith.constant 0 : i32
      %dma_wait3A_251 = tpu.memref_slice %arg3[%add3A, %dma_wait3A, %dma_wait3A_250] : memref<32x160x64xi32, #tpu.memory_space<hbm>> -> memref<1x40x64xi32, #tpu.memory_space<hbm>>
      %dma_wait3A_252 = tpu.memref_squeeze %dma_wait3A_251 : memref<1x40x64xi32, #tpu.memory_space<hbm>> -> memref<40x64xi32, #tpu.memory_space<hbm>>
      %dma_wait3A_253 = arith.constant 0 : i32
      %dma_wait3A_254 = arith.constant 0 : i32
      %dma_wait3A_255 = tpu.memref_slice %arg3[%add3A, %dma_wait3A_253, %dma_wait3A_254] : memref<32x160x64xi32, #tpu.memory_space<hbm>> -> memref<1x40x64xi32, #tpu.memory_space<hbm>>
      %dma_wait3A_256 = tpu.memref_squeeze %dma_wait3A_255 : memref<1x40x64xi32, #tpu.memory_space<hbm>> -> memref<40x64xi32, #tpu.memory_space<hbm>>
      tpu.wait_dma2 semaphore(%run_scoped3A : memref<!tpu.dma_semaphore, #tpu.memory_space<semaphore_mem>>) src(%dma_wait3A_256 : memref<40x64xi32, #tpu.memory_space<hbm>>) dst(%arg7 : memref<40x64xi32, #tpu.memory_space<vmem>>)
      tpu.yield
    }) : () -> ()
    %dma_start3A = arith.constant 0 : i32
    %dma_start3A_15 = arith.constant 0 : i32
    %dma_start3A_16 = arith.constant 0 : i32
    %dma_start3A_17 = arith.constant 0 : i32
    %dma_start3A_18 = tpu.memref_slice %arg8[%dma_start3A_15, %dma_start3A_16, %dma_start3A_17] : memref<4x64x128xf32, #tpu.memory_space<vmem>> -> memref<1x64x128xf32, #tpu.memory_space<vmem>>
    %dma_start3A_19 = tpu.memref_squeeze %dma_start3A_18 : memref<1x64x128xf32, #tpu.memory_space<vmem>> -> memref<64x128xf32, #tpu.memory_space<vmem>>
    %dma_start3A_20 = arith.constant 0 : i32
    %dma_start3A_21 = tpu.memref_slice %arg6[%dma_start3A, %dma_start3A_20] : memref<40x64xi32, #tpu.memory_space<vmem>> -> memref<1x64xi32, #tpu.memory_space<vmem>>
    %dma_start3A_22 = tpu.memref_squeeze %dma_start3A_21 : memref<1x64xi32, #tpu.memory_space<vmem>> -> memref<64xi32, #tpu.memory_space<vmem>>
    %dma_start3A_23 = arith.constant 0 : i32
    %dma_start3A_24 = arith.constant 0 : i32
    %dma_start3A_25 = tpu.memref_slice %arg4[%dma_start3A_23, %dma_start3A_24] : memref<10240x128xf32, #tpu.memory_space<hbm>> -> memref<10240x128xf32, #tpu.memory_space<hbm>>
    tpu.enqueue_indirect_dma source(%dma_start3A_25 : memref<10240x128xf32, #tpu.memory_space<hbm>>) target(%dma_start3A_19 : memref<64x128xf32, #tpu.memory_space<vmem>>) offsets(%dma_start3A_22 : memref<64xi32, #tpu.memory_space<vmem>>) semaphore(%arg10 : memref<!tpu.dma_semaphore, #tpu.memory_space<semaphore_mem>>)
    %dma_start3A_26 = arith.constant 1 : i32
    %dma_start3A_27 = arith.constant 1 : i32
    %dma_start3A_28 = arith.constant 0 : i32
    %dma_start3A_29 = arith.constant 0 : i32
    %dma_start3A_30 = tpu.memref_slice %arg8[%dma_start3A_27, %dma_start3A_28, %dma_start3A_29] : memref<4x64x128xf32, #tpu.memory_space<vmem>> -> memref<1x64x128xf32, #tpu.memory_space<vmem>>
    %dma_start3A_31 = tpu.memref_squeeze %dma_start3A_30 : memref<1x64x128xf32, #tpu.memory_space<vmem>> -> memref<64x128xf32, #tpu.memory_space<vmem>>
    %dma_start3A_32 = arith.constant 0 : i32
    %dma_start3A_33 = tpu.memref_slice %arg6[%dma_start3A_26, %dma_start3A_32] : memref<40x64xi32, #tpu.memory_space<vmem>> -> memref<1x64xi32, #tpu.memory_space<vmem>>
    %dma_start3A_34 = tpu.memref_squeeze %dma_start3A_33 : memref<1x64xi32, #tpu.memory_space<vmem>> -> memref<64xi32, #tpu.memory_space<vmem>>
    %dma_start3A_35 = arith.constant 0 : i32
    %dma_start3A_36 = arith.constant 0 : i32
    %dma_start3A_37 = tpu.memref_slice %arg4[%dma_start3A_35, %dma_start3A_36] : memref<10240x128xf32, #tpu.memory_space<hbm>> -> memref<10240x128xf32, #tpu.memory_space<hbm>>
    tpu.enqueue_indirect_dma source(%dma_start3A_37 : memref<10240x128xf32, #tpu.memory_space<hbm>>) target(%dma_start3A_31 : memref<64x128xf32, #tpu.memory_space<vmem>>) offsets(%dma_start3A_34 : memref<64xi32, #tpu.memory_space<vmem>>) semaphore(%arg11 : memref<!tpu.dma_semaphore, #tpu.memory_space<semaphore_mem>>)
    %dma_start3A_38 = arith.constant 2 : i32
    %dma_start3A_39 = arith.constant 2 : i32
    %dma_start3A_40 = arith.constant 0 : i32
    %dma_start3A_41 = arith.constant 0 : i32
    %dma_start3A_42 = tpu.memref_slice %arg8[%dma_start3A_39, %dma_start3A_40, %dma_start3A_41] : memref<4x64x128xf32, #tpu.memory_space<vmem>> -> memref<1x64x128xf32, #tpu.memory_space<vmem>>
    %dma_start3A_43 = tpu.memref_squeeze %dma_start3A_42 : memref<1x64x128xf32, #tpu.memory_space<vmem>> -> memref<64x128xf32, #tpu.memory_space<vmem>>
    %dma_start3A_44 = arith.constant 0 : i32
    %dma_start3A_45 = tpu.memref_slice %arg6[%dma_start3A_38, %dma_start3A_44] : memref<40x64xi32, #tpu.memory_space<vmem>> -> memref<1x64xi32, #tpu.memory_space<vmem>>
    %dma_start3A_46 = tpu.memref_squeeze %dma_start3A_45 : memref<1x64xi32, #tpu.memory_space<vmem>> -> memref<64xi32, #tpu.memory_space<vmem>>
    %dma_start3A_47 = arith.constant 0 : i32
    %dma_start3A_48 = arith.constant 0 : i32
    %dma_start3A_49 = tpu.memref_slice %arg4[%dma_start3A_47, %dma_start3A_48] : memref<10240x128xf32, #tpu.memory_space<hbm>> -> memref<10240x128xf32, #tpu.memory_space<hbm>>
    tpu.enqueue_indirect_dma source(%dma_start3A_49 : memref<10240x128xf32, #tpu.memory_space<hbm>>) target(%dma_start3A_43 : memref<64x128xf32, #tpu.memory_space<vmem>>) offsets(%dma_start3A_46 : memref<64xi32, #tpu.memory_space<vmem>>) semaphore(%arg12 : memref<!tpu.dma_semaphore, #tpu.memory_space<semaphore_mem>>)
    %dma_start3A_50 = arith.constant 3 : i32
    %dma_start3A_51 = arith.constant 3 : i32
    %dma_start3A_52 = arith.constant 0 : i32
    %dma_start3A_53 = arith.constant 0 : i32
    %dma_start3A_54 = tpu.memref_slice %arg8[%dma_start3A_51, %dma_start3A_52, %dma_start3A_53] : memref<4x64x128xf32, #tpu.memory_space<vmem>> -> memref<1x64x128xf32, #tpu.memory_space<vmem>>
    %dma_start3A_55 = tpu.memref_squeeze %dma_start3A_54 : memref<1x64x128xf32, #tpu.memory_space<vmem>> -> memref<64x128xf32, #tpu.memory_space<vmem>>
    %dma_start3A_56 = arith.constant 0 : i32
    %dma_start3A_57 = tpu.memref_slice %arg6[%dma_start3A_50, %dma_start3A_56] : memref<40x64xi32, #tpu.memory_space<vmem>> -> memref<1x64xi32, #tpu.memory_space<vmem>>
    %dma_start3A_58 = tpu.memref_squeeze %dma_start3A_57 : memref<1x64xi32, #tpu.memory_space<vmem>> -> memref<64xi32, #tpu.memory_space<vmem>>
    %dma_start3A_59 = arith.constant 0 : i32
    %dma_start3A_60 = arith.constant 0 : i32
    %dma_start3A_61 = tpu.memref_slice %arg4[%dma_start3A_59, %dma_start3A_60] : memref<10240x128xf32, #tpu.memory_space<hbm>> -> memref<10240x128xf32, #tpu.memory_space<hbm>>
    tpu.enqueue_indirect_dma source(%dma_start3A_61 : memref<10240x128xf32, #tpu.memory_space<hbm>>) target(%dma_start3A_55 : memref<64x128xf32, #tpu.memory_space<vmem>>) offsets(%dma_start3A_58 : memref<64xi32, #tpu.memory_space<vmem>>) semaphore(%arg13 : memref<!tpu.dma_semaphore, #tpu.memory_space<semaphore_mem>>)
    %scan3A_62 = arith.constant 0 : i32
    %scan3A_63 = arith.constant 0 : i32
    %scan3A_64 = arith.constant 10 : i32
    %scan3A_65 = arith.addi %scan3A_63, %scan3A_64 : i32
    %scan3A_66 = arith.constant 1 : i32
    %scan3A_67 = scf.for %scan3A_242 = %scan3A_63 to %scan3A_65 step %scan3A_66 iter_args(%scan3A_243 = %scan3A_62) -> (i32)  : i32 {
      %mul3A_244 = arith.constant 4 : i32
      %mul3A_245 = arith.muli %scan3A_242, %mul3A_244 : i32
      %add3A_246 = arith.constant 0 : i32
      %add3A_247 = arith.addi %mul3A_245, %add3A_246 : i32
      %dma_wait3A = arith.constant 0 : i32
      %dma_wait3A_248 = arith.constant 0 : i32
      %dma_wait3A_249 = arith.constant 0 : i32
      %dma_wait3A_250 = arith.constant 0 : i32
      %dma_wait3A_251 = tpu.memref_slice %arg8[%dma_wait3A_248, %dma_wait3A_249, %dma_wait3A_250] : memref<4x64x128xf32, #tpu.memory_space<vmem>> -> memref<1x64x128xf32, #tpu.memory_space<vmem>>
      %dma_wait3A_252 = tpu.memref_squeeze %dma_wait3A_251 : memref<1x64x128xf32, #tpu.memory_space<vmem>> -> memref<64x128xf32, #tpu.memory_space<vmem>>
      %dma_wait3A_253 = arith.constant 0 : i32
      %dma_wait3A_254 = tpu.memref_slice %arg6[%dma_wait3A, %dma_wait3A_253] : memref<40x64xi32, #tpu.memory_space<vmem>> -> memref<1x64xi32, #tpu.memory_space<vmem>>
      %dma_wait3A_255 = tpu.memref_squeeze %dma_wait3A_254 : memref<1x64xi32, #tpu.memory_space<vmem>> -> memref<64xi32, #tpu.memory_space<vmem>>
      %dma_wait3A_256 = arith.constant 0 : i32
      %dma_wait3A_257 = arith.constant 0 : i32
      %dma_wait3A_258 = tpu.memref_slice %arg4[%dma_wait3A_256, %dma_wait3A_257] : memref<10240x128xf32, #tpu.memory_space<hbm>> -> memref<10240x128xf32, #tpu.memory_space<hbm>>
      tpu.wait_indirect_dma semaphore(%arg10 : memref<!tpu.dma_semaphore, #tpu.memory_space<semaphore_mem>>) src(%dma_wait3A_258 : memref<10240x128xf32, #tpu.memory_space<hbm>>) dst(%dma_wait3A_252 : memref<64x128xf32, #tpu.memory_space<vmem>>)
      %dma_start3A_259 = arith.constant 0 : i32
      %dma_start3A_260 = arith.constant 0 : i32
      %dma_start3A_261 = arith.constant 0 : i32
      %dma_start3A_262 = tpu.memref_slice %arg8[%dma_start3A_259, %dma_start3A_260, %dma_start3A_261] : memref<4x64x128xf32, #tpu.memory_space<vmem>> -> memref<1x64x128xf32, #tpu.memory_space<vmem>>
      %dma_start3A_263 = tpu.memref_squeeze %dma_start3A_262 : memref<1x64x128xf32, #tpu.memory_space<vmem>> -> memref<64x128xf32, #tpu.memory_space<vmem>>
      %dma_start3A_264 = arith.constant 0 : i32
      %dma_start3A_265 = tpu.memref_slice %arg7[%add3A_247, %dma_start3A_264] : memref<40x64xi32, #tpu.memory_space<vmem>> -> memref<1x64xi32, #tpu.memory_space<vmem>>
      %dma_start3A_266 = tpu.memref_squeeze %dma_start3A_265 : memref<1x64xi32, #tpu.memory_space<vmem>> -> memref<64xi32, #tpu.memory_space<vmem>>
      %dma_start3A_267 = arith.constant 0 : i32
      %dma_start3A_268 = arith.constant 0 : i32
      %dma_start3A_269 = tpu.memref_slice %arg9[%dma_start3A_267, %dma_start3A_268] : memref<10240x128xf32, #tpu.memory_space<vmem_shared>> -> memref<10240x128xf32, #tpu.memory_space<vmem_shared>>
      tpu.enqueue_indirect_dma source(%dma_start3A_263 : memref<64x128xf32, #tpu.memory_space<vmem>>) target(%dma_start3A_269 : memref<10240x128xf32, #tpu.memory_space<vmem_shared>>) offsets(%dma_start3A_266 : memref<64xi32, #tpu.memory_space<vmem>>) semaphore(%arg14 : memref<!tpu.dma_semaphore, #tpu.memory_space<semaphore_mem>>) {add = true}
      %dma_wait3A_270 = arith.constant 0 : i32
      %dma_wait3A_271 = arith.constant 0 : i32
      %dma_wait3A_272 = arith.constant 0 : i32
      %dma_wait3A_273 = arith.constant 0 : i32
      %dma_wait3A_274 = tpu.memref_slice %arg8[%dma_wait3A_270, %dma_wait3A_272, %dma_wait3A_273] : memref<4x64x128xf32, #tpu.memory_space<vmem>> -> memref<1x64x128xf32, #tpu.memory_space<vmem>>
      %dma_wait3A_275 = tpu.memref_squeeze %dma_wait3A_274 : memref<1x64x128xf32, #tpu.memory_space<vmem>> -> memref<64x128xf32, #tpu.memory_space<vmem>>
      %dma_wait3A_276 = arith.constant 0 : i32
      %dma_wait3A_277 = tpu.memref_slice %arg7[%dma_wait3A_271, %dma_wait3A_276] : memref<40x64xi32, #tpu.memory_space<vmem>> -> memref<1x64xi32, #tpu.memory_space<vmem>>
      %dma_wait3A_278 = tpu.memref_squeeze %dma_wait3A_277 : memref<1x64xi32, #tpu.memory_space<vmem>> -> memref<64xi32, #tpu.memory_space<vmem>>
      %dma_wait3A_279 = arith.constant 0 : i32
      %dma_wait3A_280 = arith.constant 0 : i32
      %dma_wait3A_281 = tpu.memref_slice %arg9[%dma_wait3A_279, %dma_wait3A_280] : memref<10240x128xf32, #tpu.memory_space<vmem_shared>> -> memref<10240x128xf32, #tpu.memory_space<vmem_shared>>
      tpu.wait_indirect_dma semaphore(%arg14 : memref<!tpu.dma_semaphore, #tpu.memory_space<semaphore_mem>>) src(%dma_wait3A_275 : memref<64x128xf32, #tpu.memory_space<vmem>>) dst(%dma_wait3A_281 : memref<10240x128xf32, #tpu.memory_space<vmem_shared>>)
      %lt3A = arith.constant 9 : i32
      %lt3A_282 = arith.cmpi slt, %scan3A_242, %lt3A : i32
      %convert_element_type3A = arith.extui %lt3A_282 : i1 to i32
      %cond3A = arith.constant 0 : i32
      %cond3A_283 = arith.cmpi ne, %convert_element_type3A, %cond3A : i32
      scf.if %cond3A_283 {
        %add3A_417 = arith.constant 4 : i32
        %add3A_418 = arith.addi %add3A_247, %add3A_417 : i32
        %dma_start3A_419 = arith.constant 0 : i32
        %dma_start3A_420 = arith.constant 0 : i32
        %dma_start3A_421 = arith.constant 0 : i32
        %dma_start3A_422 = tpu.memref_slice %arg8[%dma_start3A_419, %dma_start3A_420, %dma_start3A_421] : memref<4x64x128xf32, #tpu.memory_space<vmem>> -> memref<1x64x128xf32, #tpu.memory_space<vmem>>
        %dma_start3A_423 = tpu.memref_squeeze %dma_start3A_422 : memref<1x64x128xf32, #tpu.memory_space<vmem>> -> memref<64x128xf32, #tpu.memory_space<vmem>>
        %dma_start3A_424 = arith.constant 0 : i32
        %dma_start3A_425 = tpu.memref_slice %arg6[%add3A_418, %dma_start3A_424] : memref<40x64xi32, #tpu.memory_space<vmem>> -> memref<1x64xi32, #tpu.memory_space<vmem>>
        %dma_start3A_426 = tpu.memref_squeeze %dma_start3A_425 : memref<1x64xi32, #tpu.memory_space<vmem>> -> memref<64xi32, #tpu.memory_space<vmem>>
        %dma_start3A_427 = arith.constant 0 : i32
        %dma_start3A_428 = arith.constant 0 : i32
        %dma_start3A_429 = tpu.memref_slice %arg4[%dma_start3A_427, %dma_start3A_428] : memref<10240x128xf32, #tpu.memory_space<hbm>> -> memref<10240x128xf32, #tpu.memory_space<hbm>>
        tpu.enqueue_indirect_dma source(%dma_start3A_429 : memref<10240x128xf32, #tpu.memory_space<hbm>>) target(%dma_start3A_423 : memref<64x128xf32, #tpu.memory_space<vmem>>) offsets(%dma_start3A_426 : memref<64xi32, #tpu.memory_space<vmem>>) semaphore(%arg10 : memref<!tpu.dma_semaphore, #tpu.memory_space<semaphore_mem>>)
      } else {
      }
      %mul3A_284 = arith.constant 4 : i32
      %mul3A_285 = arith.muli %scan3A_242, %mul3A_284 : i32
      %add3A_286 = arith.constant 1 : i32
      %add3A_287 = arith.addi %mul3A_285, %add3A_286 : i32
      %dma_wait3A_288 = arith.constant 1 : i32
      %dma_wait3A_289 = arith.constant 1 : i32
      %dma_wait3A_290 = arith.constant 0 : i32
      %dma_wait3A_291 = arith.constant 0 : i32
      %dma_wait3A_292 = tpu.memref_slice %arg8[%dma_wait3A_289, %dma_wait3A_290, %dma_wait3A_291] : memref<4x64x128xf32, #tpu.memory_space<vmem>> -> memref<1x64x128xf32, #tpu.memory_space<vmem>>
      %dma_wait3A_293 = tpu.memref_squeeze %dma_wait3A_292 : memref<1x64x128xf32, #tpu.memory_space<vmem>> -> memref<64x128xf32, #tpu.memory_space<vmem>>
      %dma_wait3A_294 = arith.constant 0 : i32
      %dma_wait3A_295 = tpu.memref_slice %arg6[%dma_wait3A_288, %dma_wait3A_294] : memref<40x64xi32, #tpu.memory_space<vmem>> -> memref<1x64xi32, #tpu.memory_space<vmem>>
      %dma_wait3A_296 = tpu.memref_squeeze %dma_wait3A_295 : memref<1x64xi32, #tpu.memory_space<vmem>> -> memref<64xi32, #tpu.memory_space<vmem>>
      %dma_wait3A_297 = arith.constant 0 : i32
      %dma_wait3A_298 = arith.constant 0 : i32
      %dma_wait3A_299 = tpu.memref_slice %arg4[%dma_wait3A_297, %dma_wait3A_298] : memref<10240x128xf32, #tpu.memory_space<hbm>> -> memref<10240x128xf32, #tpu.memory_space<hbm>>
      tpu.wait_indirect_dma semaphore(%arg11 : memref<!tpu.dma_semaphore, #tpu.memory_space<semaphore_mem>>) src(%dma_wait3A_299 : memref<10240x128xf32, #tpu.memory_space<hbm>>) dst(%dma_wait3A_293 : memref<64x128xf32, #tpu.memory_space<vmem>>)
      %dma_start3A_300 = arith.constant 1 : i32
      %dma_start3A_301 = arith.constant 0 : i32
      %dma_start3A_302 = arith.constant 0 : i32
      %dma_start3A_303 = tpu.memref_slice %arg8[%dma_start3A_300, %dma_start3A_301, %dma_start3A_302] : memref<4x64x128xf32, #tpu.memory_space<vmem>> -> memref<1x64x128xf32, #tpu.memory_space<vmem>>
      %dma_start3A_304 = tpu.memref_squeeze %dma_start3A_303 : memref<1x64x128xf32, #tpu.memory_space<vmem>> -> memref<64x128xf32, #tpu.memory_space<vmem>>
      %dma_start3A_305 = arith.constant 0 : i32
      %dma_start3A_306 = tpu.memref_slice %arg7[%add3A_287, %dma_start3A_305] : memref<40x64xi32, #tpu.memory_space<vmem>> -> memref<1x64xi32, #tpu.memory_space<vmem>>
      %dma_start3A_307 = tpu.memref_squeeze %dma_start3A_306 : memref<1x64xi32, #tpu.memory_space<vmem>> -> memref<64xi32, #tpu.memory_space<vmem>>
      %dma_start3A_308 = arith.constant 0 : i32
      %dma_start3A_309 = arith.constant 0 : i32
      %dma_start3A_310 = tpu.memref_slice %arg9[%dma_start3A_308, %dma_start3A_309] : memref<10240x128xf32, #tpu.memory_space<vmem_shared>> -> memref<10240x128xf32, #tpu.memory_space<vmem_shared>>
      tpu.enqueue_indirect_dma source(%dma_start3A_304 : memref<64x128xf32, #tpu.memory_space<vmem>>) target(%dma_start3A_310 : memref<10240x128xf32, #tpu.memory_space<vmem_shared>>) offsets(%dma_start3A_307 : memref<64xi32, #tpu.memory_space<vmem>>) semaphore(%arg15 : memref<!tpu.dma_semaphore, #tpu.memory_space<semaphore_mem>>) {add = true}
      %dma_wait3A_311 = arith.constant 1 : i32
      %dma_wait3A_312 = arith.constant 1 : i32
      %dma_wait3A_313 = arith.constant 0 : i32
      %dma_wait3A_314 = arith.constant 0 : i32
      %dma_wait3A_315 = tpu.memref_slice %arg8[%dma_wait3A_311, %dma_wait3A_313, %dma_wait3A_314] : memref<4x64x128xf32, #tpu.memory_space<vmem>> -> memref<1x64x128xf32, #tpu.memory_space<vmem>>
      %dma_wait3A_316 = tpu.memref_squeeze %dma_wait3A_315 : memref<1x64x128xf32, #tpu.memory_space<vmem>> -> memref<64x128xf32, #tpu.memory_space<vmem>>
      %dma_wait3A_317 = arith.constant 0 : i32
      %dma_wait3A_318 = tpu.memref_slice %arg7[%dma_wait3A_312, %dma_wait3A_317] : memref<40x64xi32, #tpu.memory_space<vmem>> -> memref<1x64xi32, #tpu.memory_space<vmem>>
      %dma_wait3A_319 = tpu.memref_squeeze %dma_wait3A_318 : memref<1x64xi32, #tpu.memory_space<vmem>> -> memref<64xi32, #tpu.memory_space<vmem>>
      %dma_wait3A_320 = arith.constant 0 : i32
      %dma_wait3A_321 = arith.constant 0 : i32
      %dma_wait3A_322 = tpu.memref_slice %arg9[%dma_wait3A_320, %dma_wait3A_321] : memref<10240x128xf32, #tpu.memory_space<vmem_shared>> -> memref<10240x128xf32, #tpu.memory_space<vmem_shared>>
      tpu.wait_indirect_dma semaphore(%arg15 : memref<!tpu.dma_semaphore, #tpu.memory_space<semaphore_mem>>) src(%dma_wait3A_316 : memref<64x128xf32, #tpu.memory_space<vmem>>) dst(%dma_wait3A_322 : memref<10240x128xf32, #tpu.memory_space<vmem_shared>>)
      %lt3A_323 = arith.constant 9 : i32
      %lt3A_324 = arith.cmpi slt, %scan3A_242, %lt3A_323 : i32
      %convert_element_type3A_325 = arith.extui %lt3A_324 : i1 to i32
      %cond3A_326 = arith.constant 0 : i32
      %cond3A_327 = arith.cmpi ne, %convert_element_type3A_325, %cond3A_326 : i32
      scf.if %cond3A_327 {
        %add3A_417 = arith.constant 4 : i32
        %add3A_418 = arith.addi %add3A_287, %add3A_417 : i32
        %dma_start3A_419 = arith.constant 1 : i32
        %dma_start3A_420 = arith.constant 0 : i32
        %dma_start3A_421 = arith.constant 0 : i32
        %dma_start3A_422 = tpu.memref_slice %arg8[%dma_start3A_419, %dma_start3A_420, %dma_start3A_421] : memref<4x64x128xf32, #tpu.memory_space<vmem>> -> memref<1x64x128xf32, #tpu.memory_space<vmem>>
        %dma_start3A_423 = tpu.memref_squeeze %dma_start3A_422 : memref<1x64x128xf32, #tpu.memory_space<vmem>> -> memref<64x128xf32, #tpu.memory_space<vmem>>
        %dma_start3A_424 = arith.constant 0 : i32
        %dma_start3A_425 = tpu.memref_slice %arg6[%add3A_418, %dma_start3A_424] : memref<40x64xi32, #tpu.memory_space<vmem>> -> memref<1x64xi32, #tpu.memory_space<vmem>>
        %dma_start3A_426 = tpu.memref_squeeze %dma_start3A_425 : memref<1x64xi32, #tpu.memory_space<vmem>> -> memref<64xi32, #tpu.memory_space<vmem>>
        %dma_start3A_427 = arith.constant 0 : i32
        %dma_start3A_428 = arith.constant 0 : i32
        %dma_start3A_429 = tpu.memref_slice %arg4[%dma_start3A_427, %dma_start3A_428] : memref<10240x128xf32, #tpu.memory_space<hbm>> -> memref<10240x128xf32, #tpu.memory_space<hbm>>
        tpu.enqueue_indirect_dma source(%dma_start3A_429 : memref<10240x128xf32, #tpu.memory_space<hbm>>) target(%dma_start3A_423 : memref<64x128xf32, #tpu.memory_space<vmem>>) offsets(%dma_start3A_426 : memref<64xi32, #tpu.memory_space<vmem>>) semaphore(%arg11 : memref<!tpu.dma_semaphore, #tpu.memory_space<semaphore_mem>>)
      } else {
      }
      %mul3A_328 = arith.constant 4 : i32
      %mul3A_329 = arith.muli %scan3A_242, %mul3A_328 : i32
      %add3A_330 = arith.constant 2 : i32
      %add3A_331 = arith.addi %mul3A_329, %add3A_330 : i32
      %dma_wait3A_332 = arith.constant 2 : i32
      %dma_wait3A_333 = arith.constant 2 : i32
      %dma_wait3A_334 = arith.constant 0 : i32
      %dma_wait3A_335 = arith.constant 0 : i32
      %dma_wait3A_336 = tpu.memref_slice %arg8[%dma_wait3A_333, %dma_wait3A_334, %dma_wait3A_335] : memref<4x64x128xf32, #tpu.memory_space<vmem>> -> memref<1x64x128xf32, #tpu.memory_space<vmem>>
      %dma_wait3A_337 = tpu.memref_squeeze %dma_wait3A_336 : memref<1x64x128xf32, #tpu.memory_space<vmem>> -> memref<64x128xf32, #tpu.memory_space<vmem>>
      %dma_wait3A_338 = arith.constant 0 : i32
      %dma_wait3A_339 = tpu.memref_slice %arg6[%dma_wait3A_332, %dma_wait3A_338] : memref<40x64xi32, #tpu.memory_space<vmem>> -> memref<1x64xi32, #tpu.memory_space<vmem>>
      %dma_wait3A_340 = tpu.memref_squeeze %dma_wait3A_339 : memref<1x64xi32, #tpu.memory_space<vmem>> -> memref<64xi32, #tpu.memory_space<vmem>>
      %dma_wait3A_341 = arith.constant 0 : i32
      %dma_wait3A_342 = arith.constant 0 : i32
      %dma_wait3A_343 = tpu.memref_slice %arg4[%dma_wait3A_341, %dma_wait3A_342] : memref<10240x128xf32, #tpu.memory_space<hbm>> -> memref<10240x128xf32, #tpu.memory_space<hbm>>
      tpu.wait_indirect_dma semaphore(%arg12 : memref<!tpu.dma_semaphore, #tpu.memory_space<semaphore_mem>>) src(%dma_wait3A_343 : memref<10240x128xf32, #tpu.memory_space<hbm>>) dst(%dma_wait3A_337 : memref<64x128xf32, #tpu.memory_space<vmem>>)
      %dma_start3A_344 = arith.constant 2 : i32
      %dma_start3A_345 = arith.constant 0 : i32
      %dma_start3A_346 = arith.constant 0 : i32
      %dma_start3A_347 = tpu.memref_slice %arg8[%dma_start3A_344, %dma_start3A_345, %dma_start3A_346] : memref<4x64x128xf32, #tpu.memory_space<vmem>> -> memref<1x64x128xf32, #tpu.memory_space<vmem>>
      %dma_start3A_348 = tpu.memref_squeeze %dma_start3A_347 : memref<1x64x128xf32, #tpu.memory_space<vmem>> -> memref<64x128xf32, #tpu.memory_space<vmem>>
      %dma_start3A_349 = arith.constant 0 : i32
      %dma_start3A_350 = tpu.memref_slice %arg7[%add3A_331, %dma_start3A_349] : memref<40x64xi32, #tpu.memory_space<vmem>> -> memref<1x64xi32, #tpu.memory_space<vmem>>
      %dma_start3A_351 = tpu.memref_squeeze %dma_start3A_350 : memref<1x64xi32, #tpu.memory_space<vmem>> -> memref<64xi32, #tpu.memory_space<vmem>>
      %dma_start3A_352 = arith.constant 0 : i32
      %dma_start3A_353 = arith.constant 0 : i32
      %dma_start3A_354 = tpu.memref_slice %arg9[%dma_start3A_352, %dma_start3A_353] : memref<10240x128xf32, #tpu.memory_space<vmem_shared>> -> memref<10240x128xf32, #tpu.memory_space<vmem_shared>>
      tpu.enqueue_indirect_dma source(%dma_start3A_348 : memref<64x128xf32, #tpu.memory_space<vmem>>) target(%dma_start3A_354 : memref<10240x128xf32, #tpu.memory_space<vmem_shared>>) offsets(%dma_start3A_351 : memref<64xi32, #tpu.memory_space<vmem>>) semaphore(%arg16 : memref<!tpu.dma_semaphore, #tpu.memory_space<semaphore_mem>>) {add = true}
      %dma_wait3A_355 = arith.constant 2 : i32
      %dma_wait3A_356 = arith.constant 2 : i32
      %dma_wait3A_357 = arith.constant 0 : i32
      %dma_wait3A_358 = arith.constant 0 : i32
      %dma_wait3A_359 = tpu.memref_slice %arg8[%dma_wait3A_355, %dma_wait3A_357, %dma_wait3A_358] : memref<4x64x128xf32, #tpu.memory_space<vmem>> -> memref<1x64x128xf32, #tpu.memory_space<vmem>>
      %dma_wait3A_360 = tpu.memref_squeeze %dma_wait3A_359 : memref<1x64x128xf32, #tpu.memory_space<vmem>> -> memref<64x128xf32, #tpu.memory_space<vmem>>
      %dma_wait3A_361 = arith.constant 0 : i32
      %dma_wait3A_362 = tpu.memref_slice %arg7[%dma_wait3A_356, %dma_wait3A_361] : memref<40x64xi32, #tpu.memory_space<vmem>> -> memref<1x64xi32, #tpu.memory_space<vmem>>
      %dma_wait3A_363 = tpu.memref_squeeze %dma_wait3A_362 : memref<1x64xi32, #tpu.memory_space<vmem>> -> memref<64xi32, #tpu.memory_space<vmem>>
      %dma_wait3A_364 = arith.constant 0 : i32
      %dma_wait3A_365 = arith.constant 0 : i32
      %dma_wait3A_366 = tpu.memref_slice %arg9[%dma_wait3A_364, %dma_wait3A_365] : memref<10240x128xf32, #tpu.memory_space<vmem_shared>> -> memref<10240x128xf32, #tpu.memory_space<vmem_shared>>
      tpu.wait_indirect_dma semaphore(%arg16 : memref<!tpu.dma_semaphore, #tpu.memory_space<semaphore_mem>>) src(%dma_wait3A_360 : memref<64x128xf32, #tpu.memory_space<vmem>>) dst(%dma_wait3A_366 : memref<10240x128xf32, #tpu.memory_space<vmem_shared>>)
      %lt3A_367 = arith.constant 9 : i32
      %lt3A_368 = arith.cmpi slt, %scan3A_242, %lt3A_367 : i32
      %convert_element_type3A_369 = arith.extui %lt3A_368 : i1 to i32
      %cond3A_370 = arith.constant 0 : i32
      %cond3A_371 = arith.cmpi ne, %convert_element_type3A_369, %cond3A_370 : i32
      scf.if %cond3A_371 {
        %add3A_417 = arith.constant 4 : i32
        %add3A_418 = arith.addi %add3A_331, %add3A_417 : i32
        %dma_start3A_419 = arith.constant 2 : i32
        %dma_start3A_420 = arith.constant 0 : i32
        %dma_start3A_421 = arith.constant 0 : i32
        %dma_start3A_422 = tpu.memref_slice %arg8[%dma_start3A_419, %dma_start3A_420, %dma_start3A_421] : memref<4x64x128xf32, #tpu.memory_space<vmem>> -> memref<1x64x128xf32, #tpu.memory_space<vmem>>
        %dma_start3A_423 = tpu.memref_squeeze %dma_start3A_422 : memref<1x64x128xf32, #tpu.memory_space<vmem>> -> memref<64x128xf32, #tpu.memory_space<vmem>>
        %dma_start3A_424 = arith.constant 0 : i32
        %dma_start3A_425 = tpu.memref_slice %arg6[%add3A_418, %dma_start3A_424] : memref<40x64xi32, #tpu.memory_space<vmem>> -> memref<1x64xi32, #tpu.memory_space<vmem>>
        %dma_start3A_426 = tpu.memref_squeeze %dma_start3A_425 : memref<1x64xi32, #tpu.memory_space<vmem>> -> memref<64xi32, #tpu.memory_space<vmem>>
        %dma_start3A_427 = arith.constant 0 : i32
        %dma_start3A_428 = arith.constant 0 : i32
        %dma_start3A_429 = tpu.memref_slice %arg4[%dma_start3A_427, %dma_start3A_428] : memref<10240x128xf32, #tpu.memory_space<hbm>> -> memref<10240x128xf32, #tpu.memory_space<hbm>>
        tpu.enqueue_indirect_dma source(%dma_start3A_429 : memref<10240x128xf32, #tpu.memory_space<hbm>>) target(%dma_start3A_423 : memref<64x128xf32, #tpu.memory_space<vmem>>) offsets(%dma_start3A_426 : memref<64xi32, #tpu.memory_space<vmem>>) semaphore(%arg12 : memref<!tpu.dma_semaphore, #tpu.memory_space<semaphore_mem>>)
      } else {
      }
      %mul3A_372 = arith.constant 4 : i32
      %mul3A_373 = arith.muli %scan3A_242, %mul3A_372 : i32
      %add3A_374 = arith.constant 3 : i32
      %add3A_375 = arith.addi %mul3A_373, %add3A_374 : i32
      %dma_wait3A_376 = arith.constant 3 : i32
      %dma_wait3A_377 = arith.constant 3 : i32
      %dma_wait3A_378 = arith.constant 0 : i32
      %dma_wait3A_379 = arith.constant 0 : i32
      %dma_wait3A_380 = tpu.memref_slice %arg8[%dma_wait3A_377, %dma_wait3A_378, %dma_wait3A_379] : memref<4x64x128xf32, #tpu.memory_space<vmem>> -> memref<1x64x128xf32, #tpu.memory_space<vmem>>
      %dma_wait3A_381 = tpu.memref_squeeze %dma_wait3A_380 : memref<1x64x128xf32, #tpu.memory_space<vmem>> -> memref<64x128xf32, #tpu.memory_space<vmem>>
      %dma_wait3A_382 = arith.constant 0 : i32
      %dma_wait3A_383 = tpu.memref_slice %arg6[%dma_wait3A_376, %dma_wait3A_382] : memref<40x64xi32, #tpu.memory_space<vmem>> -> memref<1x64xi32, #tpu.memory_space<vmem>>
      %dma_wait3A_384 = tpu.memref_squeeze %dma_wait3A_383 : memref<1x64xi32, #tpu.memory_space<vmem>> -> memref<64xi32, #tpu.memory_space<vmem>>
      %dma_wait3A_385 = arith.constant 0 : i32
      %dma_wait3A_386 = arith.constant 0 : i32
      %dma_wait3A_387 = tpu.memref_slice %arg4[%dma_wait3A_385, %dma_wait3A_386] : memref<10240x128xf32, #tpu.memory_space<hbm>> -> memref<10240x128xf32, #tpu.memory_space<hbm>>
      tpu.wait_indirect_dma semaphore(%arg13 : memref<!tpu.dma_semaphore, #tpu.memory_space<semaphore_mem>>) src(%dma_wait3A_387 : memref<10240x128xf32, #tpu.memory_space<hbm>>) dst(%dma_wait3A_381 : memref<64x128xf32, #tpu.memory_space<vmem>>)
      %dma_start3A_388 = arith.constant 3 : i32
      %dma_start3A_389 = arith.constant 0 : i32
      %dma_start3A_390 = arith.constant 0 : i32
      %dma_start3A_391 = tpu.memref_slice %arg8[%dma_start3A_388, %dma_start3A_389, %dma_start3A_390] : memref<4x64x128xf32, #tpu.memory_space<vmem>> -> memref<1x64x128xf32, #tpu.memory_space<vmem>>
      %dma_start3A_392 = tpu.memref_squeeze %dma_start3A_391 : memref<1x64x128xf32, #tpu.memory_space<vmem>> -> memref<64x128xf32, #tpu.memory_space<vmem>>
      %dma_start3A_393 = arith.constant 0 : i32
      %dma_start3A_394 = tpu.memref_slice %arg7[%add3A_375, %dma_start3A_393] : memref<40x64xi32, #tpu.memory_space<vmem>> -> memref<1x64xi32, #tpu.memory_space<vmem>>
      %dma_start3A_395 = tpu.memref_squeeze %dma_start3A_394 : memref<1x64xi32, #tpu.memory_space<vmem>> -> memref<64xi32, #tpu.memory_space<vmem>>
      %dma_start3A_396 = arith.constant 0 : i32
      %dma_start3A_397 = arith.constant 0 : i32
      %dma_start3A_398 = tpu.memref_slice %arg9[%dma_start3A_396, %dma_start3A_397] : memref<10240x128xf32, #tpu.memory_space<vmem_shared>> -> memref<10240x128xf32, #tpu.memory_space<vmem_shared>>
      tpu.enqueue_indirect_dma source(%dma_start3A_392 : memref<64x128xf32, #tpu.memory_space<vmem>>) target(%dma_start3A_398 : memref<10240x128xf32, #tpu.memory_space<vmem_shared>>) offsets(%dma_start3A_395 : memref<64xi32, #tpu.memory_space<vmem>>) semaphore(%arg17 : memref<!tpu.dma_semaphore, #tpu.memory_space<semaphore_mem>>) {add = true}
      %dma_wait3A_399 = arith.constant 3 : i32
      %dma_wait3A_400 = arith.constant 3 : i32
      %dma_wait3A_401 = arith.constant 0 : i32
      %dma_wait3A_402 = arith.constant 0 : i32
      %dma_wait3A_403 = tpu.memref_slice %arg8[%dma_wait3A_399, %dma_wait3A_401, %dma_wait3A_402] : memref<4x64x128xf32, #tpu.memory_space<vmem>> -> memref<1x64x128xf32, #tpu.memory_space<vmem>>
      %dma_wait3A_404 = tpu.memref_squeeze %dma_wait3A_403 : memref<1x64x128xf32, #tpu.memory_space<vmem>> -> memref<64x128xf32, #tpu.memory_space<vmem>>
      %dma_wait3A_405 = arith.constant 0 : i32
      %dma_wait3A_406 = tpu.memref_slice %arg7[%dma_wait3A_400, %dma_wait3A_405] : memref<40x64xi32, #tpu.memory_space<vmem>> -> memref<1x64xi32, #tpu.memory_space<vmem>>
      %dma_wait3A_407 = tpu.memref_squeeze %dma_wait3A_406 : memref<1x64xi32, #tpu.memory_space<vmem>> -> memref<64xi32, #tpu.memory_space<vmem>>
      %dma_wait3A_408 = arith.constant 0 : i32
      %dma_wait3A_409 = arith.constant 0 : i32
      %dma_wait3A_410 = tpu.memref_slice %arg9[%dma_wait3A_408, %dma_wait3A_409] : memref<10240x128xf32, #tpu.memory_space<vmem_shared>> -> memref<10240x128xf32, #tpu.memory_space<vmem_shared>>
      tpu.wait_indirect_dma semaphore(%arg17 : memref<!tpu.dma_semaphore, #tpu.memory_space<semaphore_mem>>) src(%dma_wait3A_404 : memref<64x128xf32, #tpu.memory_space<vmem>>) dst(%dma_wait3A_410 : memref<10240x128xf32, #tpu.memory_space<vmem_shared>>)
      %lt3A_411 = arith.constant 9 : i32
      %lt3A_412 = arith.cmpi slt, %scan3A_242, %lt3A_411 : i32
      %convert_element_type3A_413 = arith.extui %lt3A_412 : i1 to i32
      %cond3A_414 = arith.constant 0 : i32
      %cond3A_415 = arith.cmpi ne, %convert_element_type3A_413, %cond3A_414 : i32
      scf.if %cond3A_415 {
        %add3A_417 = arith.constant 4 : i32
        %add3A_418 = arith.addi %add3A_375, %add3A_417 : i32
        %dma_start3A_419 = arith.constant 3 : i32
        %dma_start3A_420 = arith.constant 0 : i32
        %dma_start3A_421 = arith.constant 0 : i32
        %dma_start3A_422 = tpu.memref_slice %arg8[%dma_start3A_419, %dma_start3A_420, %dma_start3A_421] : memref<4x64x128xf32, #tpu.memory_space<vmem>> -> memref<1x64x128xf32, #tpu.memory_space<vmem>>
        %dma_start3A_423 = tpu.memref_squeeze %dma_start3A_422 : memref<1x64x128xf32, #tpu.memory_space<vmem>> -> memref<64x128xf32, #tpu.memory_space<vmem>>
        %dma_start3A_424 = arith.constant 0 : i32
        %dma_start3A_425 = tpu.memref_slice %arg6[%add3A_418, %dma_start3A_424] : memref<40x64xi32, #tpu.memory_space<vmem>> -> memref<1x64xi32, #tpu.memory_space<vmem>>
        %dma_start3A_426 = tpu.memref_squeeze %dma_start3A_425 : memref<1x64xi32, #tpu.memory_space<vmem>> -> memref<64xi32, #tpu.memory_space<vmem>>
        %dma_start3A_427 = arith.constant 0 : i32
        %dma_start3A_428 = arith.constant 0 : i32
        %dma_start3A_429 = tpu.memref_slice %arg4[%dma_start3A_427, %dma_start3A_428] : memref<10240x128xf32, #tpu.memory_space<hbm>> -> memref<10240x128xf32, #tpu.memory_space<hbm>>
        tpu.enqueue_indirect_dma source(%dma_start3A_429 : memref<10240x128xf32, #tpu.memory_space<hbm>>) target(%dma_start3A_423 : memref<64x128xf32, #tpu.memory_space<vmem>>) offsets(%dma_start3A_426 : memref<64xi32, #tpu.memory_space<vmem>>) semaphore(%arg13 : memref<!tpu.dma_semaphore, #tpu.memory_space<semaphore_mem>>)
      } else {
      }
      %scan3A_416 = arith.constant 0 : i32
      scf.yield %scan3A_416 : i32
    }
    %scan3A_68 = arith.constant 10 : i32
    "tpu.region"() ({
      %run_scoped3A = tpu.sem_alloc : memref<!tpu.dma_semaphore, #tpu.memory_space<semaphore_mem>>
      %dma_start3A_242 = arith.constant 40 : i32
      %dma_start3A_243 = arith.constant 0 : i32
      %dma_start3A_244 = tpu.memref_slice %arg2[%add3A, %dma_start3A_242, %dma_start3A_243] : memref<32x160x64xi32, #tpu.memory_space<hbm>> -> memref<1x40x64xi32, #tpu.memory_space<hbm>>
      %dma_start3A_245 = tpu.memref_squeeze %dma_start3A_244 : memref<1x40x64xi32, #tpu.memory_space<hbm>> -> memref<40x64xi32, #tpu.memory_space<hbm>>
      %dma_start3A_246 = arith.constant 40 : i32
      %dma_start3A_247 = arith.constant 0 : i32
      %dma_start3A_248 = tpu.memref_slice %arg2[%add3A, %dma_start3A_246, %dma_start3A_247] : memref<32x160x64xi32, #tpu.memory_space<hbm>> -> memref<1x40x64xi32, #tpu.memory_space<hbm>>
      %dma_start3A_249 = tpu.memref_squeeze %dma_start3A_248 : memref<1x40x64xi32, #tpu.memory_space<hbm>> -> memref<40x64xi32, #tpu.memory_space<hbm>>
      tpu.enqueue_dma source(%dma_start3A_249 : memref<40x64xi32, #tpu.memory_space<hbm>>) target(%arg6 : memref<40x64xi32, #tpu.memory_space<vmem>>) target_semaphore(%run_scoped3A : memref<!tpu.dma_semaphore, #tpu.memory_space<semaphore_mem>>)
      %dma_wait3A = arith.constant 40 : i32
      %dma_wait3A_250 = arith.constant 0 : i32
      %dma_wait3A_251 = tpu.memref_slice %arg2[%add3A, %dma_wait3A, %dma_wait3A_250] : memref<32x160x64xi32, #tpu.memory_space<hbm>> -> memref<1x40x64xi32, #tpu.memory_space<hbm>>
      %dma_wait3A_252 = tpu.memref_squeeze %dma_wait3A_251 : memref<1x40x64xi32, #tpu.memory_space<hbm>> -> memref<40x64xi32, #tpu.memory_space<hbm>>
      %dma_wait3A_253 = arith.constant 40 : i32
      %dma_wait3A_254 = arith.constant 0 : i32
      %dma_wait3A_255 = tpu.memref_slice %arg2[%add3A, %dma_wait3A_253, %dma_wait3A_254] : memref<32x160x64xi32, #tpu.memory_space<hbm>> -> memref<1x40x64xi32, #tpu.memory_space<hbm>>
      %dma_wait3A_256 = tpu.memref_squeeze %dma_wait3A_255 : memref<1x40x64xi32, #tpu.memory_space<hbm>> -> memref<40x64xi32, #tpu.memory_space<hbm>>
      tpu.wait_dma2 semaphore(%run_scoped3A : memref<!tpu.dma_semaphore, #tpu.memory_space<semaphore_mem>>) src(%dma_wait3A_256 : memref<40x64xi32, #tpu.memory_space<hbm>>) dst(%arg6 : memref<40x64xi32, #tpu.memory_space<vmem>>)
      tpu.yield
    }) : () -> ()
    "tpu.region"() ({
      %run_scoped3A = tpu.sem_alloc : memref<!tpu.dma_semaphore, #tpu.memory_space<semaphore_mem>>
      %dma_start3A_242 = arith.constant 40 : i32
      %dma_start3A_243 = arith.constant 0 : i32
      %dma_start3A_244 = tpu.memref_slice %arg3[%add3A, %dma_start3A_242, %dma_start3A_243] : memref<32x160x64xi32, #tpu.memory_space<hbm>> -> memref<1x40x64xi32, #tpu.memory_space<hbm>>
      %dma_start3A_245 = tpu.memref_squeeze %dma_start3A_244 : memref<1x40x64xi32, #tpu.memory_space<hbm>> -> memref<40x64xi32, #tpu.memory_space<hbm>>
      %dma_start3A_246 = arith.constant 40 : i32
      %dma_start3A_247 = arith.constant 0 : i32
      %dma_start3A_248 = tpu.memref_slice %arg3[%add3A, %dma_start3A_246, %dma_start3A_247] : memref<32x160x64xi32, #tpu.memory_space<hbm>> -> memref<1x40x64xi32, #tpu.memory_space<hbm>>
      %dma_start3A_249 = tpu.memref_squeeze %dma_start3A_248 : memref<1x40x64xi32, #tpu.memory_space<hbm>> -> memref<40x64xi32, #tpu.memory_space<hbm>>
      tpu.enqueue_dma source(%dma_start3A_249 : memref<40x64xi32, #tpu.memory_space<hbm>>) target(%arg7 : memref<40x64xi32, #tpu.memory_space<vmem>>) target_semaphore(%run_scoped3A : memref<!tpu.dma_semaphore, #tpu.memory_space<semaphore_mem>>)
      %dma_wait3A = arith.constant 40 : i32
      %dma_wait3A_250 = arith.constant 0 : i32
      %dma_wait3A_251 = tpu.memref_slice %arg3[%add3A, %dma_wait3A, %dma_wait3A_250] : memref<32x160x64xi32, #tpu.memory_space<hbm>> -> memref<1x40x64xi32, #tpu.memory_space<hbm>>
      %dma_wait3A_252 = tpu.memref_squeeze %dma_wait3A_251 : memref<1x40x64xi32, #tpu.memory_space<hbm>> -> memref<40x64xi32, #tpu.memory_space<hbm>>
      %dma_wait3A_253 = arith.constant 40 : i32
      %dma_wait3A_254 = arith.constant 0 : i32
      %dma_wait3A_255 = tpu.memref_slice %arg3[%add3A, %dma_wait3A_253, %dma_wait3A_254] : memref<32x160x64xi32, #tpu.memory_space<hbm>> -> memref<1x40x64xi32, #tpu.memory_space<hbm>>
      %dma_wait3A_256 = tpu.memref_squeeze %dma_wait3A_255 : memref<1x40x64xi32, #tpu.memory_space<hbm>> -> memref<40x64xi32, #tpu.memory_space<hbm>>
      tpu.wait_dma2 semaphore(%run_scoped3A : memref<!tpu.dma_semaphore, #tpu.memory_space<semaphore_mem>>) src(%dma_wait3A_256 : memref<40x64xi32, #tpu.memory_space<hbm>>) dst(%arg7 : memref<40x64xi32, #tpu.memory_space<vmem>>)
      tpu.yield
    }) : () -> ()
    %dma_start3A_69 = arith.constant 0 : i32
    %dma_start3A_70 = arith.constant 0 : i32
    %dma_start3A_71 = arith.constant 0 : i32
    %dma_start3A_72 = arith.constant 0 : i32
    %dma_start3A_73 = tpu.memref_slice %arg8[%dma_start3A_70, %dma_start3A_71, %dma_start3A_72] : memref<4x64x128xf32, #tpu.memory_space<vmem>> -> memref<1x64x128xf32, #tpu.memory_space<vmem>>
    %dma_start3A_74 = tpu.memref_squeeze %dma_start3A_73 : memref<1x64x128xf32, #tpu.memory_space<vmem>> -> memref<64x128xf32, #tpu.memory_space<vmem>>
    %dma_start3A_75 = arith.constant 0 : i32
    %dma_start3A_76 = tpu.memref_slice %arg6[%dma_start3A_69, %dma_start3A_75] : memref<40x64xi32, #tpu.memory_space<vmem>> -> memref<1x64xi32, #tpu.memory_space<vmem>>
    %dma_start3A_77 = tpu.memref_squeeze %dma_start3A_76 : memref<1x64xi32, #tpu.memory_space<vmem>> -> memref<64xi32, #tpu.memory_space<vmem>>
    %dma_start3A_78 = arith.constant 0 : i32
    %dma_start3A_79 = arith.constant 0 : i32
    %dma_start3A_80 = tpu.memref_slice %arg4[%dma_start3A_78, %dma_start3A_79] : memref<10240x128xf32, #tpu.memory_space<hbm>> -> memref<10240x128xf32, #tpu.memory_space<hbm>>
    tpu.enqueue_indirect_dma source(%dma_start3A_80 : memref<10240x128xf32, #tpu.memory_space<hbm>>) target(%dma_start3A_74 : memref<64x128xf32, #tpu.memory_space<vmem>>) offsets(%dma_start3A_77 : memref<64xi32, #tpu.memory_space<vmem>>) semaphore(%arg10 : memref<!tpu.dma_semaphore, #tpu.memory_space<semaphore_mem>>)
    %dma_start3A_81 = arith.constant 1 : i32
    %dma_start3A_82 = arith.constant 1 : i32
    %dma_start3A_83 = arith.constant 0 : i32
    %dma_start3A_84 = arith.constant 0 : i32
    %dma_start3A_85 = tpu.memref_slice %arg8[%dma_start3A_82, %dma_start3A_83, %dma_start3A_84] : memref<4x64x128xf32, #tpu.memory_space<vmem>> -> memref<1x64x128xf32, #tpu.memory_space<vmem>>
    %dma_start3A_86 = tpu.memref_squeeze %dma_start3A_85 : memref<1x64x128xf32, #tpu.memory_space<vmem>> -> memref<64x128xf32, #tpu.memory_space<vmem>>
    %dma_start3A_87 = arith.constant 0 : i32
    %dma_start3A_88 = tpu.memref_slice %arg6[%dma_start3A_81, %dma_start3A_87] : memref<40x64xi32, #tpu.memory_space<vmem>> -> memref<1x64xi32, #tpu.memory_space<vmem>>
    %dma_start3A_89 = tpu.memref_squeeze %dma_start3A_88 : memref<1x64xi32, #tpu.memory_space<vmem>> -> memref<64xi32, #tpu.memory_space<vmem>>
    %dma_start3A_90 = arith.constant 0 : i32
    %dma_start3A_91 = arith.constant 0 : i32
    %dma_start3A_92 = tpu.memref_slice %arg4[%dma_start3A_90, %dma_start3A_91] : memref<10240x128xf32, #tpu.memory_space<hbm>> -> memref<10240x128xf32, #tpu.memory_space<hbm>>
    tpu.enqueue_indirect_dma source(%dma_start3A_92 : memref<10240x128xf32, #tpu.memory_space<hbm>>) target(%dma_start3A_86 : memref<64x128xf32, #tpu.memory_space<vmem>>) offsets(%dma_start3A_89 : memref<64xi32, #tpu.memory_space<vmem>>) semaphore(%arg11 : memref<!tpu.dma_semaphore, #tpu.memory_space<semaphore_mem>>)
    %dma_start3A_93 = arith.constant 2 : i32
    %dma_start3A_94 = arith.constant 2 : i32
    %dma_start3A_95 = arith.constant 0 : i32
    %dma_start3A_96 = arith.constant 0 : i32
    %dma_start3A_97 = tpu.memref_slice %arg8[%dma_start3A_94, %dma_start3A_95, %dma_start3A_96] : memref<4x64x128xf32, #tpu.memory_space<vmem>> -> memref<1x64x128xf32, #tpu.memory_space<vmem>>
    %dma_start3A_98 = tpu.memref_squeeze %dma_start3A_97 : memref<1x64x128xf32, #tpu.memory_space<vmem>> -> memref<64x128xf32, #tpu.memory_space<vmem>>
    %dma_start3A_99 = arith.constant 0 : i32
    %dma_start3A_100 = tpu.memref_slice %arg6[%dma_start3A_93, %dma_start3A_99] : memref<40x64xi32, #tpu.memory_space<vmem>> -> memref<1x64xi32, #tpu.memory_space<vmem>>
    %dma_start3A_101 = tpu.memref_squeeze %dma_start3A_100 : memref<1x64xi32, #tpu.memory_space<vmem>> -> memref<64xi32, #tpu.memory_space<vmem>>
    %dma_start3A_102 = arith.constant 0 : i32
    %dma_start3A_103 = arith.constant 0 : i32
    %dma_start3A_104 = tpu.memref_slice %arg4[%dma_start3A_102, %dma_start3A_103] : memref<10240x128xf32, #tpu.memory_space<hbm>> -> memref<10240x128xf32, #tpu.memory_space<hbm>>
    tpu.enqueue_indirect_dma source(%dma_start3A_104 : memref<10240x128xf32, #tpu.memory_space<hbm>>) target(%dma_start3A_98 : memref<64x128xf32, #tpu.memory_space<vmem>>) offsets(%dma_start3A_101 : memref<64xi32, #tpu.memory_space<vmem>>) semaphore(%arg12 : memref<!tpu.dma_semaphore, #tpu.memory_space<semaphore_mem>>)
    %dma_start3A_105 = arith.constant 3 : i32
    %dma_start3A_106 = arith.constant 3 : i32
    %dma_start3A_107 = arith.constant 0 : i32
    %dma_start3A_108 = arith.constant 0 : i32
    %dma_start3A_109 = tpu.memref_slice %arg8[%dma_start3A_106, %dma_start3A_107, %dma_start3A_108] : memref<4x64x128xf32, #tpu.memory_space<vmem>> -> memref<1x64x128xf32, #tpu.memory_space<vmem>>
    %dma_start3A_110 = tpu.memref_squeeze %dma_start3A_109 : memref<1x64x128xf32, #tpu.memory_space<vmem>> -> memref<64x128xf32, #tpu.memory_space<vmem>>
    %dma_start3A_111 = arith.constant 0 : i32
    %dma_start3A_112 = tpu.memref_slice %arg6[%dma_start3A_105, %dma_start3A_111] : memref<40x64xi32, #tpu.memory_space<vmem>> -> memref<1x64xi32, #tpu.memory_space<vmem>>
    %dma_start3A_113 = tpu.memref_squeeze %dma_start3A_112 : memref<1x64xi32, #tpu.memory_space<vmem>> -> memref<64xi32, #tpu.memory_space<vmem>>
    %dma_start3A_114 = arith.constant 0 : i32
    %dma_start3A_115 = arith.constant 0 : i32
    %dma_start3A_116 = tpu.memref_slice %arg4[%dma_start3A_114, %dma_start3A_115] : memref<10240x128xf32, #tpu.memory_space<hbm>> -> memref<10240x128xf32, #tpu.memory_space<hbm>>
    tpu.enqueue_indirect_dma source(%dma_start3A_116 : memref<10240x128xf32, #tpu.memory_space<hbm>>) target(%dma_start3A_110 : memref<64x128xf32, #tpu.memory_space<vmem>>) offsets(%dma_start3A_113 : memref<64xi32, #tpu.memory_space<vmem>>) semaphore(%arg13 : memref<!tpu.dma_semaphore, #tpu.memory_space<semaphore_mem>>)
    %scan3A_117 = arith.constant 0 : i32
    %scan3A_118 = arith.constant 0 : i32
    %scan3A_119 = arith.constant 10 : i32
    %scan3A_120 = arith.addi %scan3A_118, %scan3A_119 : i32
    %scan3A_121 = arith.constant 1 : i32
    %scan3A_122 = scf.for %scan3A_242 = %scan3A_118 to %scan3A_120 step %scan3A_121 iter_args(%scan3A_243 = %scan3A_117) -> (i32)  : i32 {
      %mul3A_244 = arith.constant 4 : i32
      %mul3A_245 = arith.muli %scan3A_242, %mul3A_244 : i32
      %add3A_246 = arith.constant 0 : i32
      %add3A_247 = arith.addi %mul3A_245, %add3A_246 : i32
      %dma_wait3A = arith.constant 0 : i32
      %dma_wait3A_248 = arith.constant 0 : i32
      %dma_wait3A_249 = arith.constant 0 : i32
      %dma_wait3A_250 = arith.constant 0 : i32
      %dma_wait3A_251 = tpu.memref_slice %arg8[%dma_wait3A_248, %dma_wait3A_249, %dma_wait3A_250] : memref<4x64x128xf32, #tpu.memory_space<vmem>> -> memref<1x64x128xf32, #tpu.memory_space<vmem>>
      %dma_wait3A_252 = tpu.memref_squeeze %dma_wait3A_251 : memref<1x64x128xf32, #tpu.memory_space<vmem>> -> memref<64x128xf32, #tpu.memory_space<vmem>>
      %dma_wait3A_253 = arith.constant 0 : i32
      %dma_wait3A_254 = tpu.memref_slice %arg6[%dma_wait3A, %dma_wait3A_253] : memref<40x64xi32, #tpu.memory_space<vmem>> -> memref<1x64xi32, #tpu.memory_space<vmem>>
      %dma_wait3A_255 = tpu.memref_squeeze %dma_wait3A_254 : memref<1x64xi32, #tpu.memory_space<vmem>> -> memref<64xi32, #tpu.memory_space<vmem>>
      %dma_wait3A_256 = arith.constant 0 : i32
      %dma_wait3A_257 = arith.constant 0 : i32
      %dma_wait3A_258 = tpu.memref_slice %arg4[%dma_wait3A_256, %dma_wait3A_257] : memref<10240x128xf32, #tpu.memory_space<hbm>> -> memref<10240x128xf32, #tpu.memory_space<hbm>>
      tpu.wait_indirect_dma semaphore(%arg10 : memref<!tpu.dma_semaphore, #tpu.memory_space<semaphore_mem>>) src(%dma_wait3A_258 : memref<10240x128xf32, #tpu.memory_space<hbm>>) dst(%dma_wait3A_252 : memref<64x128xf32, #tpu.memory_space<vmem>>)
      %dma_start3A_259 = arith.constant 0 : i32
      %dma_start3A_260 = arith.constant 0 : i32
      %dma_start3A_261 = arith.constant 0 : i32
      %dma_start3A_262 = tpu.memref_slice %arg8[%dma_start3A_259, %dma_start3A_260, %dma_start3A_261] : memref<4x64x128xf32, #tpu.memory_space<vmem>> -> memref<1x64x128xf32, #tpu.memory_space<vmem>>
      %dma_start3A_263 = tpu.memref_squeeze %dma_start3A_262 : memref<1x64x128xf32, #tpu.memory_space<vmem>> -> memref<64x128xf32, #tpu.memory_space<vmem>>
      %dma_start3A_264 = arith.constant 0 : i32
      %dma_start3A_265 = tpu.memref_slice %arg7[%add3A_247, %dma_start3A_264] : memref<40x64xi32, #tpu.memory_space<vmem>> -> memref<1x64xi32, #tpu.memory_space<vmem>>
      %dma_start3A_266 = tpu.memref_squeeze %dma_start3A_265 : memref<1x64xi32, #tpu.memory_space<vmem>> -> memref<64xi32, #tpu.memory_space<vmem>>
      %dma_start3A_267 = arith.constant 0 : i32
      %dma_start3A_268 = arith.constant 0 : i32
      %dma_start3A_269 = tpu.memref_slice %arg9[%dma_start3A_267, %dma_start3A_268] : memref<10240x128xf32, #tpu.memory_space<vmem_shared>> -> memref<10240x128xf32, #tpu.memory_space<vmem_shared>>
      tpu.enqueue_indirect_dma source(%dma_start3A_263 : memref<64x128xf32, #tpu.memory_space<vmem>>) target(%dma_start3A_269 : memref<10240x128xf32, #tpu.memory_space<vmem_shared>>) offsets(%dma_start3A_266 : memref<64xi32, #tpu.memory_space<vmem>>) semaphore(%arg14 : memref<!tpu.dma_semaphore, #tpu.memory_space<semaphore_mem>>) {add = true}
      %dma_wait3A_270 = arith.constant 0 : i32
      %dma_wait3A_271 = arith.constant 0 : i32
      %dma_wait3A_272 = arith.constant 0 : i32
      %dma_wait3A_273 = arith.constant 0 : i32
      %dma_wait3A_274 = tpu.memref_slice %arg8[%dma_wait3A_270, %dma_wait3A_272, %dma_wait3A_273] : memref<4x64x128xf32, #tpu.memory_space<vmem>> -> memref<1x64x128xf32, #tpu.memory_space<vmem>>
      %dma_wait3A_275 = tpu.memref_squeeze %dma_wait3A_274 : memref<1x64x128xf32, #tpu.memory_space<vmem>> -> memref<64x128xf32, #tpu.memory_space<vmem>>
      %dma_wait3A_276 = arith.constant 0 : i32
      %dma_wait3A_277 = tpu.memref_slice %arg7[%dma_wait3A_271, %dma_wait3A_276] : memref<40x64xi32, #tpu.memory_space<vmem>> -> memref<1x64xi32, #tpu.memory_space<vmem>>
      %dma_wait3A_278 = tpu.memref_squeeze %dma_wait3A_277 : memref<1x64xi32, #tpu.memory_space<vmem>> -> memref<64xi32, #tpu.memory_space<vmem>>
      %dma_wait3A_279 = arith.constant 0 : i32
      %dma_wait3A_280 = arith.constant 0 : i32
      %dma_wait3A_281 = tpu.memref_slice %arg9[%dma_wait3A_279, %dma_wait3A_280] : memref<10240x128xf32, #tpu.memory_space<vmem_shared>> -> memref<10240x128xf32, #tpu.memory_space<vmem_shared>>
      tpu.wait_indirect_dma semaphore(%arg14 : memref<!tpu.dma_semaphore, #tpu.memory_space<semaphore_mem>>) src(%dma_wait3A_275 : memref<64x128xf32, #tpu.memory_space<vmem>>) dst(%dma_wait3A_281 : memref<10240x128xf32, #tpu.memory_space<vmem_shared>>)
      %lt3A = arith.constant 9 : i32
      %lt3A_282 = arith.cmpi slt, %scan3A_242, %lt3A : i32
      %convert_element_type3A = arith.extui %lt3A_282 : i1 to i32
      %cond3A = arith.constant 0 : i32
      %cond3A_283 = arith.cmpi ne, %convert_element_type3A, %cond3A : i32
      scf.if %cond3A_283 {
        %add3A_417 = arith.constant 4 : i32
        %add3A_418 = arith.addi %add3A_247, %add3A_417 : i32
        %dma_start3A_419 = arith.constant 0 : i32
        %dma_start3A_420 = arith.constant 0 : i32
        %dma_start3A_421 = arith.constant 0 : i32
        %dma_start3A_422 = tpu.memref_slice %arg8[%dma_start3A_419, %dma_start3A_420, %dma_start3A_421] : memref<4x64x128xf32, #tpu.memory_space<vmem>> -> memref<1x64x128xf32, #tpu.memory_space<vmem>>
        %dma_start3A_423 = tpu.memref_squeeze %dma_start3A_422 : memref<1x64x128xf32, #tpu.memory_space<vmem>> -> memref<64x128xf32, #tpu.memory_space<vmem>>
        %dma_start3A_424 = arith.constant 0 : i32
        %dma_start3A_425 = tpu.memref_slice %arg6[%add3A_418, %dma_start3A_424] : memref<40x64xi32, #tpu.memory_space<vmem>> -> memref<1x64xi32, #tpu.memory_space<vmem>>
        %dma_start3A_426 = tpu.memref_squeeze %dma_start3A_425 : memref<1x64xi32, #tpu.memory_space<vmem>> -> memref<64xi32, #tpu.memory_space<vmem>>
        %dma_start3A_427 = arith.constant 0 : i32
        %dma_start3A_428 = arith.constant 0 : i32
        %dma_start3A_429 = tpu.memref_slice %arg4[%dma_start3A_427, %dma_start3A_428] : memref<10240x128xf32, #tpu.memory_space<hbm>> -> memref<10240x128xf32, #tpu.memory_space<hbm>>
        tpu.enqueue_indirect_dma source(%dma_start3A_429 : memref<10240x128xf32, #tpu.memory_space<hbm>>) target(%dma_start3A_423 : memref<64x128xf32, #tpu.memory_space<vmem>>) offsets(%dma_start3A_426 : memref<64xi32, #tpu.memory_space<vmem>>) semaphore(%arg10 : memref<!tpu.dma_semaphore, #tpu.memory_space<semaphore_mem>>)
      } else {
      }
      %mul3A_284 = arith.constant 4 : i32
      %mul3A_285 = arith.muli %scan3A_242, %mul3A_284 : i32
      %add3A_286 = arith.constant 1 : i32
      %add3A_287 = arith.addi %mul3A_285, %add3A_286 : i32
      %dma_wait3A_288 = arith.constant 1 : i32
      %dma_wait3A_289 = arith.constant 1 : i32
      %dma_wait3A_290 = arith.constant 0 : i32
      %dma_wait3A_291 = arith.constant 0 : i32
      %dma_wait3A_292 = tpu.memref_slice %arg8[%dma_wait3A_289, %dma_wait3A_290, %dma_wait3A_291] : memref<4x64x128xf32, #tpu.memory_space<vmem>> -> memref<1x64x128xf32, #tpu.memory_space<vmem>>
      %dma_wait3A_293 = tpu.memref_squeeze %dma_wait3A_292 : memref<1x64x128xf32, #tpu.memory_space<vmem>> -> memref<64x128xf32, #tpu.memory_space<vmem>>
      %dma_wait3A_294 = arith.constant 0 : i32
      %dma_wait3A_295 = tpu.memref_slice %arg6[%dma_wait3A_288, %dma_wait3A_294] : memref<40x64xi32, #tpu.memory_space<vmem>> -> memref<1x64xi32, #tpu.memory_space<vmem>>
      %dma_wait3A_296 = tpu.memref_squeeze %dma_wait3A_295 : memref<1x64xi32, #tpu.memory_space<vmem>> -> memref<64xi32, #tpu.memory_space<vmem>>
      %dma_wait3A_297 = arith.constant 0 : i32
      %dma_wait3A_298 = arith.constant 0 : i32
      %dma_wait3A_299 = tpu.memref_slice %arg4[%dma_wait3A_297, %dma_wait3A_298] : memref<10240x128xf32, #tpu.memory_space<hbm>> -> memref<10240x128xf32, #tpu.memory_space<hbm>>
      tpu.wait_indirect_dma semaphore(%arg11 : memref<!tpu.dma_semaphore, #tpu.memory_space<semaphore_mem>>) src(%dma_wait3A_299 : memref<10240x128xf32, #tpu.memory_space<hbm>>) dst(%dma_wait3A_293 : memref<64x128xf32, #tpu.memory_space<vmem>>)
      %dma_start3A_300 = arith.constant 1 : i32
      %dma_start3A_301 = arith.constant 0 : i32
      %dma_start3A_302 = arith.constant 0 : i32
      %dma_start3A_303 = tpu.memref_slice %arg8[%dma_start3A_300, %dma_start3A_301, %dma_start3A_302] : memref<4x64x128xf32, #tpu.memory_space<vmem>> -> memref<1x64x128xf32, #tpu.memory_space<vmem>>
      %dma_start3A_304 = tpu.memref_squeeze %dma_start3A_303 : memref<1x64x128xf32, #tpu.memory_space<vmem>> -> memref<64x128xf32, #tpu.memory_space<vmem>>
      %dma_start3A_305 = arith.constant 0 : i32
      %dma_start3A_306 = tpu.memref_slice %arg7[%add3A_287, %dma_start3A_305] : memref<40x64xi32, #tpu.memory_space<vmem>> -> memref<1x64xi32, #tpu.memory_space<vmem>>
      %dma_start3A_307 = tpu.memref_squeeze %dma_start3A_306 : memref<1x64xi32, #tpu.memory_space<vmem>> -> memref<64xi32, #tpu.memory_space<vmem>>
      %dma_start3A_308 = arith.constant 0 : i32
      %dma_start3A_309 = arith.constant 0 : i32
      %dma_start3A_310 = tpu.memref_slice %arg9[%dma_start3A_308, %dma_start3A_309] : memref<10240x128xf32, #tpu.memory_space<vmem_shared>> -> memref<10240x128xf32, #tpu.memory_space<vmem_shared>>
      tpu.enqueue_indirect_dma source(%dma_start3A_304 : memref<64x128xf32, #tpu.memory_space<vmem>>) target(%dma_start3A_310 : memref<10240x128xf32, #tpu.memory_space<vmem_shared>>) offsets(%dma_start3A_307 : memref<64xi32, #tpu.memory_space<vmem>>) semaphore(%arg15 : memref<!tpu.dma_semaphore, #tpu.memory_space<semaphore_mem>>) {add = true}
      %dma_wait3A_311 = arith.constant 1 : i32
      %dma_wait3A_312 = arith.constant 1 : i32
      %dma_wait3A_313 = arith.constant 0 : i32
      %dma_wait3A_314 = arith.constant 0 : i32
      %dma_wait3A_315 = tpu.memref_slice %arg8[%dma_wait3A_311, %dma_wait3A_313, %dma_wait3A_314] : memref<4x64x128xf32, #tpu.memory_space<vmem>> -> memref<1x64x128xf32, #tpu.memory_space<vmem>>
      %dma_wait3A_316 = tpu.memref_squeeze %dma_wait3A_315 : memref<1x64x128xf32, #tpu.memory_space<vmem>> -> memref<64x128xf32, #tpu.memory_space<vmem>>
      %dma_wait3A_317 = arith.constant 0 : i32
      %dma_wait3A_318 = tpu.memref_slice %arg7[%dma_wait3A_312, %dma_wait3A_317] : memref<40x64xi32, #tpu.memory_space<vmem>> -> memref<1x64xi32, #tpu.memory_space<vmem>>
      %dma_wait3A_319 = tpu.memref_squeeze %dma_wait3A_318 : memref<1x64xi32, #tpu.memory_space<vmem>> -> memref<64xi32, #tpu.memory_space<vmem>>
      %dma_wait3A_320 = arith.constant 0 : i32
      %dma_wait3A_321 = arith.constant 0 : i32
      %dma_wait3A_322 = tpu.memref_slice %arg9[%dma_wait3A_320, %dma_wait3A_321] : memref<10240x128xf32, #tpu.memory_space<vmem_shared>> -> memref<10240x128xf32, #tpu.memory_space<vmem_shared>>
      tpu.wait_indirect_dma semaphore(%arg15 : memref<!tpu.dma_semaphore, #tpu.memory_space<semaphore_mem>>) src(%dma_wait3A_316 : memref<64x128xf32, #tpu.memory_space<vmem>>) dst(%dma_wait3A_322 : memref<10240x128xf32, #tpu.memory_space<vmem_shared>>)
      %lt3A_323 = arith.constant 9 : i32
      %lt3A_324 = arith.cmpi slt, %scan3A_242, %lt3A_323 : i32
      %convert_element_type3A_325 = arith.extui %lt3A_324 : i1 to i32
      %cond3A_326 = arith.constant 0 : i32
      %cond3A_327 = arith.cmpi ne, %convert_element_type3A_325, %cond3A_326 : i32
      scf.if %cond3A_327 {
        %add3A_417 = arith.constant 4 : i32
        %add3A_418 = arith.addi %add3A_287, %add3A_417 : i32
        %dma_start3A_419 = arith.constant 1 : i32
        %dma_start3A_420 = arith.constant 0 : i32
        %dma_start3A_421 = arith.constant 0 : i32
        %dma_start3A_422 = tpu.memref_slice %arg8[%dma_start3A_419, %dma_start3A_420, %dma_start3A_421] : memref<4x64x128xf32, #tpu.memory_space<vmem>> -> memref<1x64x128xf32, #tpu.memory_space<vmem>>
        %dma_start3A_423 = tpu.memref_squeeze %dma_start3A_422 : memref<1x64x128xf32, #tpu.memory_space<vmem>> -> memref<64x128xf32, #tpu.memory_space<vmem>>
        %dma_start3A_424 = arith.constant 0 : i32
        %dma_start3A_425 = tpu.memref_slice %arg6[%add3A_418, %dma_start3A_424] : memref<40x64xi32, #tpu.memory_space<vmem>> -> memref<1x64xi32, #tpu.memory_space<vmem>>
        %dma_start3A_426 = tpu.memref_squeeze %dma_start3A_425 : memref<1x64xi32, #tpu.memory_space<vmem>> -> memref<64xi32, #tpu.memory_space<vmem>>
        %dma_start3A_427 = arith.constant 0 : i32
        %dma_start3A_428 = arith.constant 0 : i32
        %dma_start3A_429 = tpu.memref_slice %arg4[%dma_start3A_427, %dma_start3A_428] : memref<10240x128xf32, #tpu.memory_space<hbm>> -> memref<10240x128xf32, #tpu.memory_space<hbm>>
        tpu.enqueue_indirect_dma source(%dma_start3A_429 : memref<10240x128xf32, #tpu.memory_space<hbm>>) target(%dma_start3A_423 : memref<64x128xf32, #tpu.memory_space<vmem>>) offsets(%dma_start3A_426 : memref<64xi32, #tpu.memory_space<vmem>>) semaphore(%arg11 : memref<!tpu.dma_semaphore, #tpu.memory_space<semaphore_mem>>)
      } else {
      }
      %mul3A_328 = arith.constant 4 : i32
      %mul3A_329 = arith.muli %scan3A_242, %mul3A_328 : i32
      %add3A_330 = arith.constant 2 : i32
      %add3A_331 = arith.addi %mul3A_329, %add3A_330 : i32
      %dma_wait3A_332 = arith.constant 2 : i32
      %dma_wait3A_333 = arith.constant 2 : i32
      %dma_wait3A_334 = arith.constant 0 : i32
      %dma_wait3A_335 = arith.constant 0 : i32
      %dma_wait3A_336 = tpu.memref_slice %arg8[%dma_wait3A_333, %dma_wait3A_334, %dma_wait3A_335] : memref<4x64x128xf32, #tpu.memory_space<vmem>> -> memref<1x64x128xf32, #tpu.memory_space<vmem>>
      %dma_wait3A_337 = tpu.memref_squeeze %dma_wait3A_336 : memref<1x64x128xf32, #tpu.memory_space<vmem>> -> memref<64x128xf32, #tpu.memory_space<vmem>>
      %dma_wait3A_338 = arith.constant 0 : i32
      %dma_wait3A_339 = tpu.memref_slice %arg6[%dma_wait3A_332, %dma_wait3A_338] : memref<40x64xi32, #tpu.memory_space<vmem>> -> memref<1x64xi32, #tpu.memory_space<vmem>>
      %dma_wait3A_340 = tpu.memref_squeeze %dma_wait3A_339 : memref<1x64xi32, #tpu.memory_space<vmem>> -> memref<64xi32, #tpu.memory_space<vmem>>
      %dma_wait3A_341 = arith.constant 0 : i32
      %dma_wait3A_342 = arith.constant 0 : i32
      %dma_wait3A_343 = tpu.memref_slice %arg4[%dma_wait3A_341, %dma_wait3A_342] : memref<10240x128xf32, #tpu.memory_space<hbm>> -> memref<10240x128xf32, #tpu.memory_space<hbm>>
      tpu.wait_indirect_dma semaphore(%arg12 : memref<!tpu.dma_semaphore, #tpu.memory_space<semaphore_mem>>) src(%dma_wait3A_343 : memref<10240x128xf32, #tpu.memory_space<hbm>>) dst(%dma_wait3A_337 : memref<64x128xf32, #tpu.memory_space<vmem>>)
      %dma_start3A_344 = arith.constant 2 : i32
      %dma_start3A_345 = arith.constant 0 : i32
      %dma_start3A_346 = arith.constant 0 : i32
      %dma_start3A_347 = tpu.memref_slice %arg8[%dma_start3A_344, %dma_start3A_345, %dma_start3A_346] : memref<4x64x128xf32, #tpu.memory_space<vmem>> -> memref<1x64x128xf32, #tpu.memory_space<vmem>>
      %dma_start3A_348 = tpu.memref_squeeze %dma_start3A_347 : memref<1x64x128xf32, #tpu.memory_space<vmem>> -> memref<64x128xf32, #tpu.memory_space<vmem>>
      %dma_start3A_349 = arith.constant 0 : i32
      %dma_start3A_350 = tpu.memref_slice %arg7[%add3A_331, %dma_start3A_349] : memref<40x64xi32, #tpu.memory_space<vmem>> -> memref<1x64xi32, #tpu.memory_space<vmem>>
      %dma_start3A_351 = tpu.memref_squeeze %dma_start3A_350 : memref<1x64xi32, #tpu.memory_space<vmem>> -> memref<64xi32, #tpu.memory_space<vmem>>
      %dma_start3A_352 = arith.constant 0 : i32
      %dma_start3A_353 = arith.constant 0 : i32
      %dma_start3A_354 = tpu.memref_slice %arg9[%dma_start3A_352, %dma_start3A_353] : memref<10240x128xf32, #tpu.memory_space<vmem_shared>> -> memref<10240x128xf32, #tpu.memory_space<vmem_shared>>
      tpu.enqueue_indirect_dma source(%dma_start3A_348 : memref<64x128xf32, #tpu.memory_space<vmem>>) target(%dma_start3A_354 : memref<10240x128xf32, #tpu.memory_space<vmem_shared>>) offsets(%dma_start3A_351 : memref<64xi32, #tpu.memory_space<vmem>>) semaphore(%arg16 : memref<!tpu.dma_semaphore, #tpu.memory_space<semaphore_mem>>) {add = true}
      %dma_wait3A_355 = arith.constant 2 : i32
      %dma_wait3A_356 = arith.constant 2 : i32
      %dma_wait3A_357 = arith.constant 0 : i32
      %dma_wait3A_358 = arith.constant 0 : i32
      %dma_wait3A_359 = tpu.memref_slice %arg8[%dma_wait3A_355, %dma_wait3A_357, %dma_wait3A_358] : memref<4x64x128xf32, #tpu.memory_space<vmem>> -> memref<1x64x128xf32, #tpu.memory_space<vmem>>
      %dma_wait3A_360 = tpu.memref_squeeze %dma_wait3A_359 : memref<1x64x128xf32, #tpu.memory_space<vmem>> -> memref<64x128xf32, #tpu.memory_space<vmem>>
      %dma_wait3A_361 = arith.constant 0 : i32
      %dma_wait3A_362 = tpu.memref_slice %arg7[%dma_wait3A_356, %dma_wait3A_361] : memref<40x64xi32, #tpu.memory_space<vmem>> -> memref<1x64xi32, #tpu.memory_space<vmem>>
      %dma_wait3A_363 = tpu.memref_squeeze %dma_wait3A_362 : memref<1x64xi32, #tpu.memory_space<vmem>> -> memref<64xi32, #tpu.memory_space<vmem>>
      %dma_wait3A_364 = arith.constant 0 : i32
      %dma_wait3A_365 = arith.constant 0 : i32
      %dma_wait3A_366 = tpu.memref_slice %arg9[%dma_wait3A_364, %dma_wait3A_365] : memref<10240x128xf32, #tpu.memory_space<vmem_shared>> -> memref<10240x128xf32, #tpu.memory_space<vmem_shared>>
      tpu.wait_indirect_dma semaphore(%arg16 : memref<!tpu.dma_semaphore, #tpu.memory_space<semaphore_mem>>) src(%dma_wait3A_360 : memref<64x128xf32, #tpu.memory_space<vmem>>) dst(%dma_wait3A_366 : memref<10240x128xf32, #tpu.memory_space<vmem_shared>>)
      %lt3A_367 = arith.constant 9 : i32
      %lt3A_368 = arith.cmpi slt, %scan3A_242, %lt3A_367 : i32
      %convert_element_type3A_369 = arith.extui %lt3A_368 : i1 to i32
      %cond3A_370 = arith.constant 0 : i32
      %cond3A_371 = arith.cmpi ne, %convert_element_type3A_369, %cond3A_370 : i32
      scf.if %cond3A_371 {
        %add3A_417 = arith.constant 4 : i32
        %add3A_418 = arith.addi %add3A_331, %add3A_417 : i32
        %dma_start3A_419 = arith.constant 2 : i32
        %dma_start3A_420 = arith.constant 0 : i32
        %dma_start3A_421 = arith.constant 0 : i32
        %dma_start3A_422 = tpu.memref_slice %arg8[%dma_start3A_419, %dma_start3A_420, %dma_start3A_421] : memref<4x64x128xf32, #tpu.memory_space<vmem>> -> memref<1x64x128xf32, #tpu.memory_space<vmem>>
        %dma_start3A_423 = tpu.memref_squeeze %dma_start3A_422 : memref<1x64x128xf32, #tpu.memory_space<vmem>> -> memref<64x128xf32, #tpu.memory_space<vmem>>
        %dma_start3A_424 = arith.constant 0 : i32
        %dma_start3A_425 = tpu.memref_slice %arg6[%add3A_418, %dma_start3A_424] : memref<40x64xi32, #tpu.memory_space<vmem>> -> memref<1x64xi32, #tpu.memory_space<vmem>>
        %dma_start3A_426 = tpu.memref_squeeze %dma_start3A_425 : memref<1x64xi32, #tpu.memory_space<vmem>> -> memref<64xi32, #tpu.memory_space<vmem>>
        %dma_start3A_427 = arith.constant 0 : i32
        %dma_start3A_428 = arith.constant 0 : i32
        %dma_start3A_429 = tpu.memref_slice %arg4[%dma_start3A_427, %dma_start3A_428] : memref<10240x128xf32, #tpu.memory_space<hbm>> -> memref<10240x128xf32, #tpu.memory_space<hbm>>
        tpu.enqueue_indirect_dma source(%dma_start3A_429 : memref<10240x128xf32, #tpu.memory_space<hbm>>) target(%dma_start3A_423 : memref<64x128xf32, #tpu.memory_space<vmem>>) offsets(%dma_start3A_426 : memref<64xi32, #tpu.memory_space<vmem>>) semaphore(%arg12 : memref<!tpu.dma_semaphore, #tpu.memory_space<semaphore_mem>>)
      } else {
      }
      %mul3A_372 = arith.constant 4 : i32
      %mul3A_373 = arith.muli %scan3A_242, %mul3A_372 : i32
      %add3A_374 = arith.constant 3 : i32
      %add3A_375 = arith.addi %mul3A_373, %add3A_374 : i32
      %dma_wait3A_376 = arith.constant 3 : i32
      %dma_wait3A_377 = arith.constant 3 : i32
      %dma_wait3A_378 = arith.constant 0 : i32
      %dma_wait3A_379 = arith.constant 0 : i32
      %dma_wait3A_380 = tpu.memref_slice %arg8[%dma_wait3A_377, %dma_wait3A_378, %dma_wait3A_379] : memref<4x64x128xf32, #tpu.memory_space<vmem>> -> memref<1x64x128xf32, #tpu.memory_space<vmem>>
      %dma_wait3A_381 = tpu.memref_squeeze %dma_wait3A_380 : memref<1x64x128xf32, #tpu.memory_space<vmem>> -> memref<64x128xf32, #tpu.memory_space<vmem>>
      %dma_wait3A_382 = arith.constant 0 : i32
      %dma_wait3A_383 = tpu.memref_slice %arg6[%dma_wait3A_376, %dma_wait3A_382] : memref<40x64xi32, #tpu.memory_space<vmem>> -> memref<1x64xi32, #tpu.memory_space<vmem>>
      %dma_wait3A_384 = tpu.memref_squeeze %dma_wait3A_383 : memref<1x64xi32, #tpu.memory_space<vmem>> -> memref<64xi32, #tpu.memory_space<vmem>>
      %dma_wait3A_385 = arith.constant 0 : i32
      %dma_wait3A_386 = arith.constant 0 : i32
      %dma_wait3A_387 = tpu.memref_slice %arg4[%dma_wait3A_385, %dma_wait3A_386] : memref<10240x128xf32, #tpu.memory_space<hbm>> -> memref<10240x128xf32, #tpu.memory_space<hbm>>
      tpu.wait_indirect_dma semaphore(%arg13 : memref<!tpu.dma_semaphore, #tpu.memory_space<semaphore_mem>>) src(%dma_wait3A_387 : memref<10240x128xf32, #tpu.memory_space<hbm>>) dst(%dma_wait3A_381 : memref<64x128xf32, #tpu.memory_space<vmem>>)
      %dma_start3A_388 = arith.constant 3 : i32
      %dma_start3A_389 = arith.constant 0 : i32
      %dma_start3A_390 = arith.constant 0 : i32
      %dma_start3A_391 = tpu.memref_slice %arg8[%dma_start3A_388, %dma_start3A_389, %dma_start3A_390] : memref<4x64x128xf32, #tpu.memory_space<vmem>> -> memref<1x64x128xf32, #tpu.memory_space<vmem>>
      %dma_start3A_392 = tpu.memref_squeeze %dma_start3A_391 : memref<1x64x128xf32, #tpu.memory_space<vmem>> -> memref<64x128xf32, #tpu.memory_space<vmem>>
      %dma_start3A_393 = arith.constant 0 : i32
      %dma_start3A_394 = tpu.memref_slice %arg7[%add3A_375, %dma_start3A_393] : memref<40x64xi32, #tpu.memory_space<vmem>> -> memref<1x64xi32, #tpu.memory_space<vmem>>
      %dma_start3A_395 = tpu.memref_squeeze %dma_start3A_394 : memref<1x64xi32, #tpu.memory_space<vmem>> -> memref<64xi32, #tpu.memory_space<vmem>>
      %dma_start3A_396 = arith.constant 0 : i32
      %dma_start3A_397 = arith.constant 0 : i32
      %dma_start3A_398 = tpu.memref_slice %arg9[%dma_start3A_396, %dma_start3A_397] : memref<10240x128xf32, #tpu.memory_space<vmem_shared>> -> memref<10240x128xf32, #tpu.memory_space<vmem_shared>>
      tpu.enqueue_indirect_dma source(%dma_start3A_392 : memref<64x128xf32, #tpu.memory_space<vmem>>) target(%dma_start3A_398 : memref<10240x128xf32, #tpu.memory_space<vmem_shared>>) offsets(%dma_start3A_395 : memref<64xi32, #tpu.memory_space<vmem>>) semaphore(%arg17 : memref<!tpu.dma_semaphore, #tpu.memory_space<semaphore_mem>>) {add = true}
      %dma_wait3A_399 = arith.constant 3 : i32
      %dma_wait3A_400 = arith.constant 3 : i32
      %dma_wait3A_401 = arith.constant 0 : i32
      %dma_wait3A_402 = arith.constant 0 : i32
      %dma_wait3A_403 = tpu.memref_slice %arg8[%dma_wait3A_399, %dma_wait3A_401, %dma_wait3A_402] : memref<4x64x128xf32, #tpu.memory_space<vmem>> -> memref<1x64x128xf32, #tpu.memory_space<vmem>>
      %dma_wait3A_404 = tpu.memref_squeeze %dma_wait3A_403 : memref<1x64x128xf32, #tpu.memory_space<vmem>> -> memref<64x128xf32, #tpu.memory_space<vmem>>
      %dma_wait3A_405 = arith.constant 0 : i32
      %dma_wait3A_406 = tpu.memref_slice %arg7[%dma_wait3A_400, %dma_wait3A_405] : memref<40x64xi32, #tpu.memory_space<vmem>> -> memref<1x64xi32, #tpu.memory_space<vmem>>
      %dma_wait3A_407 = tpu.memref_squeeze %dma_wait3A_406 : memref<1x64xi32, #tpu.memory_space<vmem>> -> memref<64xi32, #tpu.memory_space<vmem>>
      %dma_wait3A_408 = arith.constant 0 : i32
      %dma_wait3A_409 = arith.constant 0 : i32
      %dma_wait3A_410 = tpu.memref_slice %arg9[%dma_wait3A_408, %dma_wait3A_409] : memref<10240x128xf32, #tpu.memory_space<vmem_shared>> -> memref<10240x128xf32, #tpu.memory_space<vmem_shared>>
      tpu.wait_indirect_dma semaphore(%arg17 : memref<!tpu.dma_semaphore, #tpu.memory_space<semaphore_mem>>) src(%dma_wait3A_404 : memref<64x128xf32, #tpu.memory_space<vmem>>) dst(%dma_wait3A_410 : memref<10240x128xf32, #tpu.memory_space<vmem_shared>>)
      %lt3A_411 = arith.constant 9 : i32
      %lt3A_412 = arith.cmpi slt, %scan3A_242, %lt3A_411 : i32
      %convert_element_type3A_413 = arith.extui %lt3A_412 : i1 to i32
      %cond3A_414 = arith.constant 0 : i32
      %cond3A_415 = arith.cmpi ne, %convert_element_type3A_413, %cond3A_414 : i32
      scf.if %cond3A_415 {
        %add3A_417 = arith.constant 4 : i32
        %add3A_418 = arith.addi %add3A_375, %add3A_417 : i32
        %dma_start3A_419 = arith.constant 3 : i32
        %dma_start3A_420 = arith.constant 0 : i32
        %dma_start3A_421 = arith.constant 0 : i32
        %dma_start3A_422 = tpu.memref_slice %arg8[%dma_start3A_419, %dma_start3A_420, %dma_start3A_421] : memref<4x64x128xf32, #tpu.memory_space<vmem>> -> memref<1x64x128xf32, #tpu.memory_space<vmem>>
        %dma_start3A_423 = tpu.memref_squeeze %dma_start3A_422 : memref<1x64x128xf32, #tpu.memory_space<vmem>> -> memref<64x128xf32, #tpu.memory_space<vmem>>
        %dma_start3A_424 = arith.constant 0 : i32
        %dma_start3A_425 = tpu.memref_slice %arg6[%add3A_418, %dma_start3A_424] : memref<40x64xi32, #tpu.memory_space<vmem>> -> memref<1x64xi32, #tpu.memory_space<vmem>>
        %dma_start3A_426 = tpu.memref_squeeze %dma_start3A_425 : memref<1x64xi32, #tpu.memory_space<vmem>> -> memref<64xi32, #tpu.memory_space<vmem>>
        %dma_start3A_427 = arith.constant 0 : i32
        %dma_start3A_428 = arith.constant 0 : i32
        %dma_start3A_429 = tpu.memref_slice %arg4[%dma_start3A_427, %dma_start3A_428] : memref<10240x128xf32, #tpu.memory_space<hbm>> -> memref<10240x128xf32, #tpu.memory_space<hbm>>
        tpu.enqueue_indirect_dma source(%dma_start3A_429 : memref<10240x128xf32, #tpu.memory_space<hbm>>) target(%dma_start3A_423 : memref<64x128xf32, #tpu.memory_space<vmem>>) offsets(%dma_start3A_426 : memref<64xi32, #tpu.memory_space<vmem>>) semaphore(%arg13 : memref<!tpu.dma_semaphore, #tpu.memory_space<semaphore_mem>>)
      } else {
      }
      %scan3A_416 = arith.constant 0 : i32
      scf.yield %scan3A_416 : i32
    }
    %scan3A_123 = arith.constant 10 : i32
    "tpu.region"() ({
      %run_scoped3A = tpu.sem_alloc : memref<!tpu.dma_semaphore, #tpu.memory_space<semaphore_mem>>
      %dma_start3A_242 = arith.constant 80 : i32
      %dma_start3A_243 = arith.constant 0 : i32
      %dma_start3A_244 = tpu.memref_slice %arg2[%add3A, %dma_start3A_242, %dma_start3A_243] : memref<32x160x64xi32, #tpu.memory_space<hbm>> -> memref<1x40x64xi32, #tpu.memory_space<hbm>>
      %dma_start3A_245 = tpu.memref_squeeze %dma_start3A_244 : memref<1x40x64xi32, #tpu.memory_space<hbm>> -> memref<40x64xi32, #tpu.memory_space<hbm>>
      %dma_start3A_246 = arith.constant 80 : i32
      %dma_start3A_247 = arith.constant 0 : i32
      %dma_start3A_248 = tpu.memref_slice %arg2[%add3A, %dma_start3A_246, %dma_start3A_247] : memref<32x160x64xi32, #tpu.memory_space<hbm>> -> memref<1x40x64xi32, #tpu.memory_space<hbm>>
      %dma_start3A_249 = tpu.memref_squeeze %dma_start3A_248 : memref<1x40x64xi32, #tpu.memory_space<hbm>> -> memref<40x64xi32, #tpu.memory_space<hbm>>
      tpu.enqueue_dma source(%dma_start3A_249 : memref<40x64xi32, #tpu.memory_space<hbm>>) target(%arg6 : memref<40x64xi32, #tpu.memory_space<vmem>>) target_semaphore(%run_scoped3A : memref<!tpu.dma_semaphore, #tpu.memory_space<semaphore_mem>>)
      %dma_wait3A = arith.constant 80 : i32
      %dma_wait3A_250 = arith.constant 0 : i32
      %dma_wait3A_251 = tpu.memref_slice %arg2[%add3A, %dma_wait3A, %dma_wait3A_250] : memref<32x160x64xi32, #tpu.memory_space<hbm>> -> memref<1x40x64xi32, #tpu.memory_space<hbm>>
      %dma_wait3A_252 = tpu.memref_squeeze %dma_wait3A_251 : memref<1x40x64xi32, #tpu.memory_space<hbm>> -> memref<40x64xi32, #tpu.memory_space<hbm>>
      %dma_wait3A_253 = arith.constant 80 : i32
      %dma_wait3A_254 = arith.constant 0 : i32
      %dma_wait3A_255 = tpu.memref_slice %arg2[%add3A, %dma_wait3A_253, %dma_wait3A_254] : memref<32x160x64xi32, #tpu.memory_space<hbm>> -> memref<1x40x64xi32, #tpu.memory_space<hbm>>
      %dma_wait3A_256 = tpu.memref_squeeze %dma_wait3A_255 : memref<1x40x64xi32, #tpu.memory_space<hbm>> -> memref<40x64xi32, #tpu.memory_space<hbm>>
      tpu.wait_dma2 semaphore(%run_scoped3A : memref<!tpu.dma_semaphore, #tpu.memory_space<semaphore_mem>>) src(%dma_wait3A_256 : memref<40x64xi32, #tpu.memory_space<hbm>>) dst(%arg6 : memref<40x64xi32, #tpu.memory_space<vmem>>)
      tpu.yield
    }) : () -> ()
    "tpu.region"() ({
      %run_scoped3A = tpu.sem_alloc : memref<!tpu.dma_semaphore, #tpu.memory_space<semaphore_mem>>
      %dma_start3A_242 = arith.constant 80 : i32
      %dma_start3A_243 = arith.constant 0 : i32
      %dma_start3A_244 = tpu.memref_slice %arg3[%add3A, %dma_start3A_242, %dma_start3A_243] : memref<32x160x64xi32, #tpu.memory_space<hbm>> -> memref<1x40x64xi32, #tpu.memory_space<hbm>>
      %dma_start3A_245 = tpu.memref_squeeze %dma_start3A_244 : memref<1x40x64xi32, #tpu.memory_space<hbm>> -> memref<40x64xi32, #tpu.memory_space<hbm>>
      %dma_start3A_246 = arith.constant 80 : i32
      %dma_start3A_247 = arith.constant 0 : i32
      %dma_start3A_248 = tpu.memref_slice %arg3[%add3A, %dma_start3A_246, %dma_start3A_247] : memref<32x160x64xi32, #tpu.memory_space<hbm>> -> memref<1x40x64xi32, #tpu.memory_space<hbm>>
      %dma_start3A_249 = tpu.memref_squeeze %dma_start3A_248 : memref<1x40x64xi32, #tpu.memory_space<hbm>> -> memref<40x64xi32, #tpu.memory_space<hbm>>
      tpu.enqueue_dma source(%dma_start3A_249 : memref<40x64xi32, #tpu.memory_space<hbm>>) target(%arg7 : memref<40x64xi32, #tpu.memory_space<vmem>>) target_semaphore(%run_scoped3A : memref<!tpu.dma_semaphore, #tpu.memory_space<semaphore_mem>>)
      %dma_wait3A = arith.constant 80 : i32
      %dma_wait3A_250 = arith.constant 0 : i32
      %dma_wait3A_251 = tpu.memref_slice %arg3[%add3A, %dma_wait3A, %dma_wait3A_250] : memref<32x160x64xi32, #tpu.memory_space<hbm>> -> memref<1x40x64xi32, #tpu.memory_space<hbm>>
      %dma_wait3A_252 = tpu.memref_squeeze %dma_wait3A_251 : memref<1x40x64xi32, #tpu.memory_space<hbm>> -> memref<40x64xi32, #tpu.memory_space<hbm>>
      %dma_wait3A_253 = arith.constant 80 : i32
      %dma_wait3A_254 = arith.constant 0 : i32
      %dma_wait3A_255 = tpu.memref_slice %arg3[%add3A, %dma_wait3A_253, %dma_wait3A_254] : memref<32x160x64xi32, #tpu.memory_space<hbm>> -> memref<1x40x64xi32, #tpu.memory_space<hbm>>
      %dma_wait3A_256 = tpu.memref_squeeze %dma_wait3A_255 : memref<1x40x64xi32, #tpu.memory_space<hbm>> -> memref<40x64xi32, #tpu.memory_space<hbm>>
      tpu.wait_dma2 semaphore(%run_scoped3A : memref<!tpu.dma_semaphore, #tpu.memory_space<semaphore_mem>>) src(%dma_wait3A_256 : memref<40x64xi32, #tpu.memory_space<hbm>>) dst(%arg7 : memref<40x64xi32, #tpu.memory_space<vmem>>)
      tpu.yield
    }) : () -> ()
    %dma_start3A_124 = arith.constant 0 : i32
    %dma_start3A_125 = arith.constant 0 : i32
    %dma_start3A_126 = arith.constant 0 : i32
    %dma_start3A_127 = arith.constant 0 : i32
    %dma_start3A_128 = tpu.memref_slice %arg8[%dma_start3A_125, %dma_start3A_126, %dma_start3A_127] : memref<4x64x128xf32, #tpu.memory_space<vmem>> -> memref<1x64x128xf32, #tpu.memory_space<vmem>>
    %dma_start3A_129 = tpu.memref_squeeze %dma_start3A_128 : memref<1x64x128xf32, #tpu.memory_space<vmem>> -> memref<64x128xf32, #tpu.memory_space<vmem>>
    %dma_start3A_130 = arith.constant 0 : i32
    %dma_start3A_131 = tpu.memref_slice %arg6[%dma_start3A_124, %dma_start3A_130] : memref<40x64xi32, #tpu.memory_space<vmem>> -> memref<1x64xi32, #tpu.memory_space<vmem>>
    %dma_start3A_132 = tpu.memref_squeeze %dma_start3A_131 : memref<1x64xi32, #tpu.memory_space<vmem>> -> memref<64xi32, #tpu.memory_space<vmem>>
    %dma_start3A_133 = arith.constant 0 : i32
    %dma_start3A_134 = arith.constant 0 : i32
    %dma_start3A_135 = tpu.memref_slice %arg4[%dma_start3A_133, %dma_start3A_134] : memref<10240x128xf32, #tpu.memory_space<hbm>> -> memref<10240x128xf32, #tpu.memory_space<hbm>>
    tpu.enqueue_indirect_dma source(%dma_start3A_135 : memref<10240x128xf32, #tpu.memory_space<hbm>>) target(%dma_start3A_129 : memref<64x128xf32, #tpu.memory_space<vmem>>) offsets(%dma_start3A_132 : memref<64xi32, #tpu.memory_space<vmem>>) semaphore(%arg10 : memref<!tpu.dma_semaphore, #tpu.memory_space<semaphore_mem>>)
    %dma_start3A_136 = arith.constant 1 : i32
    %dma_start3A_137 = arith.constant 1 : i32
    %dma_start3A_138 = arith.constant 0 : i32
    %dma_start3A_139 = arith.constant 0 : i32
    %dma_start3A_140 = tpu.memref_slice %arg8[%dma_start3A_137, %dma_start3A_138, %dma_start3A_139] : memref<4x64x128xf32, #tpu.memory_space<vmem>> -> memref<1x64x128xf32, #tpu.memory_space<vmem>>
    %dma_start3A_141 = tpu.memref_squeeze %dma_start3A_140 : memref<1x64x128xf32, #tpu.memory_space<vmem>> -> memref<64x128xf32, #tpu.memory_space<vmem>>
    %dma_start3A_142 = arith.constant 0 : i32
    %dma_start3A_143 = tpu.memref_slice %arg6[%dma_start3A_136, %dma_start3A_142] : memref<40x64xi32, #tpu.memory_space<vmem>> -> memref<1x64xi32, #tpu.memory_space<vmem>>
    %dma_start3A_144 = tpu.memref_squeeze %dma_start3A_143 : memref<1x64xi32, #tpu.memory_space<vmem>> -> memref<64xi32, #tpu.memory_space<vmem>>
    %dma_start3A_145 = arith.constant 0 : i32
    %dma_start3A_146 = arith.constant 0 : i32
    %dma_start3A_147 = tpu.memref_slice %arg4[%dma_start3A_145, %dma_start3A_146] : memref<10240x128xf32, #tpu.memory_space<hbm>> -> memref<10240x128xf32, #tpu.memory_space<hbm>>
    tpu.enqueue_indirect_dma source(%dma_start3A_147 : memref<10240x128xf32, #tpu.memory_space<hbm>>) target(%dma_start3A_141 : memref<64x128xf32, #tpu.memory_space<vmem>>) offsets(%dma_start3A_144 : memref<64xi32, #tpu.memory_space<vmem>>) semaphore(%arg11 : memref<!tpu.dma_semaphore, #tpu.memory_space<semaphore_mem>>)
    %dma_start3A_148 = arith.constant 2 : i32
    %dma_start3A_149 = arith.constant 2 : i32
    %dma_start3A_150 = arith.constant 0 : i32
    %dma_start3A_151 = arith.constant 0 : i32
    %dma_start3A_152 = tpu.memref_slice %arg8[%dma_start3A_149, %dma_start3A_150, %dma_start3A_151] : memref<4x64x128xf32, #tpu.memory_space<vmem>> -> memref<1x64x128xf32, #tpu.memory_space<vmem>>
    %dma_start3A_153 = tpu.memref_squeeze %dma_start3A_152 : memref<1x64x128xf32, #tpu.memory_space<vmem>> -> memref<64x128xf32, #tpu.memory_space<vmem>>
    %dma_start3A_154 = arith.constant 0 : i32
    %dma_start3A_155 = tpu.memref_slice %arg6[%dma_start3A_148, %dma_start3A_154] : memref<40x64xi32, #tpu.memory_space<vmem>> -> memref<1x64xi32, #tpu.memory_space<vmem>>
    %dma_start3A_156 = tpu.memref_squeeze %dma_start3A_155 : memref<1x64xi32, #tpu.memory_space<vmem>> -> memref<64xi32, #tpu.memory_space<vmem>>
    %dma_start3A_157 = arith.constant 0 : i32
    %dma_start3A_158 = arith.constant 0 : i32
    %dma_start3A_159 = tpu.memref_slice %arg4[%dma_start3A_157, %dma_start3A_158] : memref<10240x128xf32, #tpu.memory_space<hbm>> -> memref<10240x128xf32, #tpu.memory_space<hbm>>
    tpu.enqueue_indirect_dma source(%dma_start3A_159 : memref<10240x128xf32, #tpu.memory_space<hbm>>) target(%dma_start3A_153 : memref<64x128xf32, #tpu.memory_space<vmem>>) offsets(%dma_start3A_156 : memref<64xi32, #tpu.memory_space<vmem>>) semaphore(%arg12 : memref<!tpu.dma_semaphore, #tpu.memory_space<semaphore_mem>>)
    %dma_start3A_160 = arith.constant 3 : i32
    %dma_start3A_161 = arith.constant 3 : i32
    %dma_start3A_162 = arith.constant 0 : i32
    %dma_start3A_163 = arith.constant 0 : i32
    %dma_start3A_164 = tpu.memref_slice %arg8[%dma_start3A_161, %dma_start3A_162, %dma_start3A_163] : memref<4x64x128xf32, #tpu.memory_space<vmem>> -> memref<1x64x128xf32, #tpu.memory_space<vmem>>
    %dma_start3A_165 = tpu.memref_squeeze %dma_start3A_164 : memref<1x64x128xf32, #tpu.memory_space<vmem>> -> memref<64x128xf32, #tpu.memory_space<vmem>>
    %dma_start3A_166 = arith.constant 0 : i32
    %dma_start3A_167 = tpu.memref_slice %arg6[%dma_start3A_160, %dma_start3A_166] : memref<40x64xi32, #tpu.memory_space<vmem>> -> memref<1x64xi32, #tpu.memory_space<vmem>>
    %dma_start3A_168 = tpu.memref_squeeze %dma_start3A_167 : memref<1x64xi32, #tpu.memory_space<vmem>> -> memref<64xi32, #tpu.memory_space<vmem>>
    %dma_start3A_169 = arith.constant 0 : i32
    %dma_start3A_170 = arith.constant 0 : i32
    %dma_start3A_171 = tpu.memref_slice %arg4[%dma_start3A_169, %dma_start3A_170] : memref<10240x128xf32, #tpu.memory_space<hbm>> -> memref<10240x128xf32, #tpu.memory_space<hbm>>
    tpu.enqueue_indirect_dma source(%dma_start3A_171 : memref<10240x128xf32, #tpu.memory_space<hbm>>) target(%dma_start3A_165 : memref<64x128xf32, #tpu.memory_space<vmem>>) offsets(%dma_start3A_168 : memref<64xi32, #tpu.memory_space<vmem>>) semaphore(%arg13 : memref<!tpu.dma_semaphore, #tpu.memory_space<semaphore_mem>>)
    %scan3A_172 = arith.constant 0 : i32
    %scan3A_173 = arith.constant 0 : i32
    %scan3A_174 = arith.constant 10 : i32
    %scan3A_175 = arith.addi %scan3A_173, %scan3A_174 : i32
    %scan3A_176 = arith.constant 1 : i32
    %scan3A_177 = scf.for %scan3A_242 = %scan3A_173 to %scan3A_175 step %scan3A_176 iter_args(%scan3A_243 = %scan3A_172) -> (i32)  : i32 {
      %mul3A_244 = arith.constant 4 : i32
      %mul3A_245 = arith.muli %scan3A_242, %mul3A_244 : i32
      %add3A_246 = arith.constant 0 : i32
      %add3A_247 = arith.addi %mul3A_245, %add3A_246 : i32
      %dma_wait3A = arith.constant 0 : i32
      %dma_wait3A_248 = arith.constant 0 : i32
      %dma_wait3A_249 = arith.constant 0 : i32
      %dma_wait3A_250 = arith.constant 0 : i32
      %dma_wait3A_251 = tpu.memref_slice %arg8[%dma_wait3A_248, %dma_wait3A_249, %dma_wait3A_250] : memref<4x64x128xf32, #tpu.memory_space<vmem>> -> memref<1x64x128xf32, #tpu.memory_space<vmem>>
      %dma_wait3A_252 = tpu.memref_squeeze %dma_wait3A_251 : memref<1x64x128xf32, #tpu.memory_space<vmem>> -> memref<64x128xf32, #tpu.memory_space<vmem>>
      %dma_wait3A_253 = arith.constant 0 : i32
      %dma_wait3A_254 = tpu.memref_slice %arg6[%dma_wait3A, %dma_wait3A_253] : memref<40x64xi32, #tpu.memory_space<vmem>> -> memref<1x64xi32, #tpu.memory_space<vmem>>
      %dma_wait3A_255 = tpu.memref_squeeze %dma_wait3A_254 : memref<1x64xi32, #tpu.memory_space<vmem>> -> memref<64xi32, #tpu.memory_space<vmem>>
      %dma_wait3A_256 = arith.constant 0 : i32
      %dma_wait3A_257 = arith.constant 0 : i32
      %dma_wait3A_258 = tpu.memref_slice %arg4[%dma_wait3A_256, %dma_wait3A_257] : memref<10240x128xf32, #tpu.memory_space<hbm>> -> memref<10240x128xf32, #tpu.memory_space<hbm>>
      tpu.wait_indirect_dma semaphore(%arg10 : memref<!tpu.dma_semaphore, #tpu.memory_space<semaphore_mem>>) src(%dma_wait3A_258 : memref<10240x128xf32, #tpu.memory_space<hbm>>) dst(%dma_wait3A_252 : memref<64x128xf32, #tpu.memory_space<vmem>>)
      %dma_start3A_259 = arith.constant 0 : i32
      %dma_start3A_260 = arith.constant 0 : i32
      %dma_start3A_261 = arith.constant 0 : i32
      %dma_start3A_262 = tpu.memref_slice %arg8[%dma_start3A_259, %dma_start3A_260, %dma_start3A_261] : memref<4x64x128xf32, #tpu.memory_space<vmem>> -> memref<1x64x128xf32, #tpu.memory_space<vmem>>
      %dma_start3A_263 = tpu.memref_squeeze %dma_start3A_262 : memref<1x64x128xf32, #tpu.memory_space<vmem>> -> memref<64x128xf32, #tpu.memory_space<vmem>>
      %dma_start3A_264 = arith.constant 0 : i32
      %dma_start3A_265 = tpu.memref_slice %arg7[%add3A_247, %dma_start3A_264] : memref<40x64xi32, #tpu.memory_space<vmem>> -> memref<1x64xi32, #tpu.memory_space<vmem>>
      %dma_start3A_266 = tpu.memref_squeeze %dma_start3A_265 : memref<1x64xi32, #tpu.memory_space<vmem>> -> memref<64xi32, #tpu.memory_space<vmem>>
      %dma_start3A_267 = arith.constant 0 : i32
      %dma_start3A_268 = arith.constant 0 : i32
      %dma_start3A_269 = tpu.memref_slice %arg9[%dma_start3A_267, %dma_start3A_268] : memref<10240x128xf32, #tpu.memory_space<vmem_shared>> -> memref<10240x128xf32, #tpu.memory_space<vmem_shared>>
      tpu.enqueue_indirect_dma source(%dma_start3A_263 : memref<64x128xf32, #tpu.memory_space<vmem>>) target(%dma_start3A_269 : memref<10240x128xf32, #tpu.memory_space<vmem_shared>>) offsets(%dma_start3A_266 : memref<64xi32, #tpu.memory_space<vmem>>) semaphore(%arg14 : memref<!tpu.dma_semaphore, #tpu.memory_space<semaphore_mem>>) {add = true}
      %dma_wait3A_270 = arith.constant 0 : i32
      %dma_wait3A_271 = arith.constant 0 : i32
      %dma_wait3A_272 = arith.constant 0 : i32
      %dma_wait3A_273 = arith.constant 0 : i32
      %dma_wait3A_274 = tpu.memref_slice %arg8[%dma_wait3A_270, %dma_wait3A_272, %dma_wait3A_273] : memref<4x64x128xf32, #tpu.memory_space<vmem>> -> memref<1x64x128xf32, #tpu.memory_space<vmem>>
      %dma_wait3A_275 = tpu.memref_squeeze %dma_wait3A_274 : memref<1x64x128xf32, #tpu.memory_space<vmem>> -> memref<64x128xf32, #tpu.memory_space<vmem>>
      %dma_wait3A_276 = arith.constant 0 : i32
      %dma_wait3A_277 = tpu.memref_slice %arg7[%dma_wait3A_271, %dma_wait3A_276] : memref<40x64xi32, #tpu.memory_space<vmem>> -> memref<1x64xi32, #tpu.memory_space<vmem>>
      %dma_wait3A_278 = tpu.memref_squeeze %dma_wait3A_277 : memref<1x64xi32, #tpu.memory_space<vmem>> -> memref<64xi32, #tpu.memory_space<vmem>>
      %dma_wait3A_279 = arith.constant 0 : i32
      %dma_wait3A_280 = arith.constant 0 : i32
      %dma_wait3A_281 = tpu.memref_slice %arg9[%dma_wait3A_279, %dma_wait3A_280] : memref<10240x128xf32, #tpu.memory_space<vmem_shared>> -> memref<10240x128xf32, #tpu.memory_space<vmem_shared>>
      tpu.wait_indirect_dma semaphore(%arg14 : memref<!tpu.dma_semaphore, #tpu.memory_space<semaphore_mem>>) src(%dma_wait3A_275 : memref<64x128xf32, #tpu.memory_space<vmem>>) dst(%dma_wait3A_281 : memref<10240x128xf32, #tpu.memory_space<vmem_shared>>)
      %lt3A = arith.constant 9 : i32
      %lt3A_282 = arith.cmpi slt, %scan3A_242, %lt3A : i32
      %convert_element_type3A = arith.extui %lt3A_282 : i1 to i32
      %cond3A = arith.constant 0 : i32
      %cond3A_283 = arith.cmpi ne, %convert_element_type3A, %cond3A : i32
      scf.if %cond3A_283 {
        %add3A_417 = arith.constant 4 : i32
        %add3A_418 = arith.addi %add3A_247, %add3A_417 : i32
        %dma_start3A_419 = arith.constant 0 : i32
        %dma_start3A_420 = arith.constant 0 : i32
        %dma_start3A_421 = arith.constant 0 : i32
        %dma_start3A_422 = tpu.memref_slice %arg8[%dma_start3A_419, %dma_start3A_420, %dma_start3A_421] : memref<4x64x128xf32, #tpu.memory_space<vmem>> -> memref<1x64x128xf32, #tpu.memory_space<vmem>>
        %dma_start3A_423 = tpu.memref_squeeze %dma_start3A_422 : memref<1x64x128xf32, #tpu.memory_space<vmem>> -> memref<64x128xf32, #tpu.memory_space<vmem>>
        %dma_start3A_424 = arith.constant 0 : i32
        %dma_start3A_425 = tpu.memref_slice %arg6[%add3A_418, %dma_start3A_424] : memref<40x64xi32, #tpu.memory_space<vmem>> -> memref<1x64xi32, #tpu.memory_space<vmem>>
        %dma_start3A_426 = tpu.memref_squeeze %dma_start3A_425 : memref<1x64xi32, #tpu.memory_space<vmem>> -> memref<64xi32, #tpu.memory_space<vmem>>
        %dma_start3A_427 = arith.constant 0 : i32
        %dma_start3A_428 = arith.constant 0 : i32
        %dma_start3A_429 = tpu.memref_slice %arg4[%dma_start3A_427, %dma_start3A_428] : memref<10240x128xf32, #tpu.memory_space<hbm>> -> memref<10240x128xf32, #tpu.memory_space<hbm>>
        tpu.enqueue_indirect_dma source(%dma_start3A_429 : memref<10240x128xf32, #tpu.memory_space<hbm>>) target(%dma_start3A_423 : memref<64x128xf32, #tpu.memory_space<vmem>>) offsets(%dma_start3A_426 : memref<64xi32, #tpu.memory_space<vmem>>) semaphore(%arg10 : memref<!tpu.dma_semaphore, #tpu.memory_space<semaphore_mem>>)
      } else {
      }
      %mul3A_284 = arith.constant 4 : i32
      %mul3A_285 = arith.muli %scan3A_242, %mul3A_284 : i32
      %add3A_286 = arith.constant 1 : i32
      %add3A_287 = arith.addi %mul3A_285, %add3A_286 : i32
      %dma_wait3A_288 = arith.constant 1 : i32
      %dma_wait3A_289 = arith.constant 1 : i32
      %dma_wait3A_290 = arith.constant 0 : i32
      %dma_wait3A_291 = arith.constant 0 : i32
      %dma_wait3A_292 = tpu.memref_slice %arg8[%dma_wait3A_289, %dma_wait3A_290, %dma_wait3A_291] : memref<4x64x128xf32, #tpu.memory_space<vmem>> -> memref<1x64x128xf32, #tpu.memory_space<vmem>>
      %dma_wait3A_293 = tpu.memref_squeeze %dma_wait3A_292 : memref<1x64x128xf32, #tpu.memory_space<vmem>> -> memref<64x128xf32, #tpu.memory_space<vmem>>
      %dma_wait3A_294 = arith.constant 0 : i32
      %dma_wait3A_295 = tpu.memref_slice %arg6[%dma_wait3A_288, %dma_wait3A_294] : memref<40x64xi32, #tpu.memory_space<vmem>> -> memref<1x64xi32, #tpu.memory_space<vmem>>
      %dma_wait3A_296 = tpu.memref_squeeze %dma_wait3A_295 : memref<1x64xi32, #tpu.memory_space<vmem>> -> memref<64xi32, #tpu.memory_space<vmem>>
      %dma_wait3A_297 = arith.constant 0 : i32
      %dma_wait3A_298 = arith.constant 0 : i32
      %dma_wait3A_299 = tpu.memref_slice %arg4[%dma_wait3A_297, %dma_wait3A_298] : memref<10240x128xf32, #tpu.memory_space<hbm>> -> memref<10240x128xf32, #tpu.memory_space<hbm>>
      tpu.wait_indirect_dma semaphore(%arg11 : memref<!tpu.dma_semaphore, #tpu.memory_space<semaphore_mem>>) src(%dma_wait3A_299 : memref<10240x128xf32, #tpu.memory_space<hbm>>) dst(%dma_wait3A_293 : memref<64x128xf32, #tpu.memory_space<vmem>>)
      %dma_start3A_300 = arith.constant 1 : i32
      %dma_start3A_301 = arith.constant 0 : i32
      %dma_start3A_302 = arith.constant 0 : i32
      %dma_start3A_303 = tpu.memref_slice %arg8[%dma_start3A_300, %dma_start3A_301, %dma_start3A_302] : memref<4x64x128xf32, #tpu.memory_space<vmem>> -> memref<1x64x128xf32, #tpu.memory_space<vmem>>
      %dma_start3A_304 = tpu.memref_squeeze %dma_start3A_303 : memref<1x64x128xf32, #tpu.memory_space<vmem>> -> memref<64x128xf32, #tpu.memory_space<vmem>>
      %dma_start3A_305 = arith.constant 0 : i32
      %dma_start3A_306 = tpu.memref_slice %arg7[%add3A_287, %dma_start3A_305] : memref<40x64xi32, #tpu.memory_space<vmem>> -> memref<1x64xi32, #tpu.memory_space<vmem>>
      %dma_start3A_307 = tpu.memref_squeeze %dma_start3A_306 : memref<1x64xi32, #tpu.memory_space<vmem>> -> memref<64xi32, #tpu.memory_space<vmem>>
      %dma_start3A_308 = arith.constant 0 : i32
      %dma_start3A_309 = arith.constant 0 : i32
      %dma_start3A_310 = tpu.memref_slice %arg9[%dma_start3A_308, %dma_start3A_309] : memref<10240x128xf32, #tpu.memory_space<vmem_shared>> -> memref<10240x128xf32, #tpu.memory_space<vmem_shared>>
      tpu.enqueue_indirect_dma source(%dma_start3A_304 : memref<64x128xf32, #tpu.memory_space<vmem>>) target(%dma_start3A_310 : memref<10240x128xf32, #tpu.memory_space<vmem_shared>>) offsets(%dma_start3A_307 : memref<64xi32, #tpu.memory_space<vmem>>) semaphore(%arg15 : memref<!tpu.dma_semaphore, #tpu.memory_space<semaphore_mem>>) {add = true}
      %dma_wait3A_311 = arith.constant 1 : i32
      %dma_wait3A_312 = arith.constant 1 : i32
      %dma_wait3A_313 = arith.constant 0 : i32
      %dma_wait3A_314 = arith.constant 0 : i32
      %dma_wait3A_315 = tpu.memref_slice %arg8[%dma_wait3A_311, %dma_wait3A_313, %dma_wait3A_314] : memref<4x64x128xf32, #tpu.memory_space<vmem>> -> memref<1x64x128xf32, #tpu.memory_space<vmem>>
      %dma_wait3A_316 = tpu.memref_squeeze %dma_wait3A_315 : memref<1x64x128xf32, #tpu.memory_space<vmem>> -> memref<64x128xf32, #tpu.memory_space<vmem>>
      %dma_wait3A_317 = arith.constant 0 : i32
      %dma_wait3A_318 = tpu.memref_slice %arg7[%dma_wait3A_312, %dma_wait3A_317] : memref<40x64xi32, #tpu.memory_space<vmem>> -> memref<1x64xi32, #tpu.memory_space<vmem>>
      %dma_wait3A_319 = tpu.memref_squeeze %dma_wait3A_318 : memref<1x64xi32, #tpu.memory_space<vmem>> -> memref<64xi32, #tpu.memory_space<vmem>>
      %dma_wait3A_320 = arith.constant 0 : i32
      %dma_wait3A_321 = arith.constant 0 : i32
      %dma_wait3A_322 = tpu.memref_slice %arg9[%dma_wait3A_320, %dma_wait3A_321] : memref<10240x128xf32, #tpu.memory_space<vmem_shared>> -> memref<10240x128xf32, #tpu.memory_space<vmem_shared>>
      tpu.wait_indirect_dma semaphore(%arg15 : memref<!tpu.dma_semaphore, #tpu.memory_space<semaphore_mem>>) src(%dma_wait3A_316 : memref<64x128xf32, #tpu.memory_space<vmem>>) dst(%dma_wait3A_322 : memref<10240x128xf32, #tpu.memory_space<vmem_shared>>)
      %lt3A_323 = arith.constant 9 : i32
      %lt3A_324 = arith.cmpi slt, %scan3A_242, %lt3A_323 : i32
      %convert_element_type3A_325 = arith.extui %lt3A_324 : i1 to i32
      %cond3A_326 = arith.constant 0 : i32
      %cond3A_327 = arith.cmpi ne, %convert_element_type3A_325, %cond3A_326 : i32
      scf.if %cond3A_327 {
        %add3A_417 = arith.constant 4 : i32
        %add3A_418 = arith.addi %add3A_287, %add3A_417 : i32
        %dma_start3A_419 = arith.constant 1 : i32
        %dma_start3A_420 = arith.constant 0 : i32
        %dma_start3A_421 = arith.constant 0 : i32
        %dma_start3A_422 = tpu.memref_slice %arg8[%dma_start3A_419, %dma_start3A_420, %dma_start3A_421] : memref<4x64x128xf32, #tpu.memory_space<vmem>> -> memref<1x64x128xf32, #tpu.memory_space<vmem>>
        %dma_start3A_423 = tpu.memref_squeeze %dma_start3A_422 : memref<1x64x128xf32, #tpu.memory_space<vmem>> -> memref<64x128xf32, #tpu.memory_space<vmem>>
        %dma_start3A_424 = arith.constant 0 : i32
        %dma_start3A_425 = tpu.memref_slice %arg6[%add3A_418, %dma_start3A_424] : memref<40x64xi32, #tpu.memory_space<vmem>> -> memref<1x64xi32, #tpu.memory_space<vmem>>
        %dma_start3A_426 = tpu.memref_squeeze %dma_start3A_425 : memref<1x64xi32, #tpu.memory_space<vmem>> -> memref<64xi32, #tpu.memory_space<vmem>>
        %dma_start3A_427 = arith.constant 0 : i32
        %dma_start3A_428 = arith.constant 0 : i32
        %dma_start3A_429 = tpu.memref_slice %arg4[%dma_start3A_427, %dma_start3A_428] : memref<10240x128xf32, #tpu.memory_space<hbm>> -> memref<10240x128xf32, #tpu.memory_space<hbm>>
        tpu.enqueue_indirect_dma source(%dma_start3A_429 : memref<10240x128xf32, #tpu.memory_space<hbm>>) target(%dma_start3A_423 : memref<64x128xf32, #tpu.memory_space<vmem>>) offsets(%dma_start3A_426 : memref<64xi32, #tpu.memory_space<vmem>>) semaphore(%arg11 : memref<!tpu.dma_semaphore, #tpu.memory_space<semaphore_mem>>)
      } else {
      }
      %mul3A_328 = arith.constant 4 : i32
      %mul3A_329 = arith.muli %scan3A_242, %mul3A_328 : i32
      %add3A_330 = arith.constant 2 : i32
      %add3A_331 = arith.addi %mul3A_329, %add3A_330 : i32
      %dma_wait3A_332 = arith.constant 2 : i32
      %dma_wait3A_333 = arith.constant 2 : i32
      %dma_wait3A_334 = arith.constant 0 : i32
      %dma_wait3A_335 = arith.constant 0 : i32
      %dma_wait3A_336 = tpu.memref_slice %arg8[%dma_wait3A_333, %dma_wait3A_334, %dma_wait3A_335] : memref<4x64x128xf32, #tpu.memory_space<vmem>> -> memref<1x64x128xf32, #tpu.memory_space<vmem>>
      %dma_wait3A_337 = tpu.memref_squeeze %dma_wait3A_336 : memref<1x64x128xf32, #tpu.memory_space<vmem>> -> memref<64x128xf32, #tpu.memory_space<vmem>>
      %dma_wait3A_338 = arith.constant 0 : i32
      %dma_wait3A_339 = tpu.memref_slice %arg6[%dma_wait3A_332, %dma_wait3A_338] : memref<40x64xi32, #tpu.memory_space<vmem>> -> memref<1x64xi32, #tpu.memory_space<vmem>>
      %dma_wait3A_340 = tpu.memref_squeeze %dma_wait3A_339 : memref<1x64xi32, #tpu.memory_space<vmem>> -> memref<64xi32, #tpu.memory_space<vmem>>
      %dma_wait3A_341 = arith.constant 0 : i32
      %dma_wait3A_342 = arith.constant 0 : i32
      %dma_wait3A_343 = tpu.memref_slice %arg4[%dma_wait3A_341, %dma_wait3A_342] : memref<10240x128xf32, #tpu.memory_space<hbm>> -> memref<10240x128xf32, #tpu.memory_space<hbm>>
      tpu.wait_indirect_dma semaphore(%arg12 : memref<!tpu.dma_semaphore, #tpu.memory_space<semaphore_mem>>) src(%dma_wait3A_343 : memref<10240x128xf32, #tpu.memory_space<hbm>>) dst(%dma_wait3A_337 : memref<64x128xf32, #tpu.memory_space<vmem>>)
      %dma_start3A_344 = arith.constant 2 : i32
      %dma_start3A_345 = arith.constant 0 : i32
      %dma_start3A_346 = arith.constant 0 : i32
      %dma_start3A_347 = tpu.memref_slice %arg8[%dma_start3A_344, %dma_start3A_345, %dma_start3A_346] : memref<4x64x128xf32, #tpu.memory_space<vmem>> -> memref<1x64x128xf32, #tpu.memory_space<vmem>>
      %dma_start3A_348 = tpu.memref_squeeze %dma_start3A_347 : memref<1x64x128xf32, #tpu.memory_space<vmem>> -> memref<64x128xf32, #tpu.memory_space<vmem>>
      %dma_start3A_349 = arith.constant 0 : i32
      %dma_start3A_350 = tpu.memref_slice %arg7[%add3A_331, %dma_start3A_349] : memref<40x64xi32, #tpu.memory_space<vmem>> -> memref<1x64xi32, #tpu.memory_space<vmem>>
      %dma_start3A_351 = tpu.memref_squeeze %dma_start3A_350 : memref<1x64xi32, #tpu.memory_space<vmem>> -> memref<64xi32, #tpu.memory_space<vmem>>
      %dma_start3A_352 = arith.constant 0 : i32
      %dma_start3A_353 = arith.constant 0 : i32
      %dma_start3A_354 = tpu.memref_slice %arg9[%dma_start3A_352, %dma_start3A_353] : memref<10240x128xf32, #tpu.memory_space<vmem_shared>> -> memref<10240x128xf32, #tpu.memory_space<vmem_shared>>
      tpu.enqueue_indirect_dma source(%dma_start3A_348 : memref<64x128xf32, #tpu.memory_space<vmem>>) target(%dma_start3A_354 : memref<10240x128xf32, #tpu.memory_space<vmem_shared>>) offsets(%dma_start3A_351 : memref<64xi32, #tpu.memory_space<vmem>>) semaphore(%arg16 : memref<!tpu.dma_semaphore, #tpu.memory_space<semaphore_mem>>) {add = true}
      %dma_wait3A_355 = arith.constant 2 : i32
      %dma_wait3A_356 = arith.constant 2 : i32
      %dma_wait3A_357 = arith.constant 0 : i32
      %dma_wait3A_358 = arith.constant 0 : i32
      %dma_wait3A_359 = tpu.memref_slice %arg8[%dma_wait3A_355, %dma_wait3A_357, %dma_wait3A_358] : memref<4x64x128xf32, #tpu.memory_space<vmem>> -> memref<1x64x128xf32, #tpu.memory_space<vmem>>
      %dma_wait3A_360 = tpu.memref_squeeze %dma_wait3A_359 : memref<1x64x128xf32, #tpu.memory_space<vmem>> -> memref<64x128xf32, #tpu.memory_space<vmem>>
      %dma_wait3A_361 = arith.constant 0 : i32
      %dma_wait3A_362 = tpu.memref_slice %arg7[%dma_wait3A_356, %dma_wait3A_361] : memref<40x64xi32, #tpu.memory_space<vmem>> -> memref<1x64xi32, #tpu.memory_space<vmem>>
      %dma_wait3A_363 = tpu.memref_squeeze %dma_wait3A_362 : memref<1x64xi32, #tpu.memory_space<vmem>> -> memref<64xi32, #tpu.memory_space<vmem>>
      %dma_wait3A_364 = arith.constant 0 : i32
      %dma_wait3A_365 = arith.constant 0 : i32
      %dma_wait3A_366 = tpu.memref_slice %arg9[%dma_wait3A_364, %dma_wait3A_365] : memref<10240x128xf32, #tpu.memory_space<vmem_shared>> -> memref<10240x128xf32, #tpu.memory_space<vmem_shared>>
      tpu.wait_indirect_dma semaphore(%arg16 : memref<!tpu.dma_semaphore, #tpu.memory_space<semaphore_mem>>) src(%dma_wait3A_360 : memref<64x128xf32, #tpu.memory_space<vmem>>) dst(%dma_wait3A_366 : memref<10240x128xf32, #tpu.memory_space<vmem_shared>>)
      %lt3A_367 = arith.constant 9 : i32
      %lt3A_368 = arith.cmpi slt, %scan3A_242, %lt3A_367 : i32
      %convert_element_type3A_369 = arith.extui %lt3A_368 : i1 to i32
      %cond3A_370 = arith.constant 0 : i32
      %cond3A_371 = arith.cmpi ne, %convert_element_type3A_369, %cond3A_370 : i32
      scf.if %cond3A_371 {
        %add3A_417 = arith.constant 4 : i32
        %add3A_418 = arith.addi %add3A_331, %add3A_417 : i32
        %dma_start3A_419 = arith.constant 2 : i32
        %dma_start3A_420 = arith.constant 0 : i32
        %dma_start3A_421 = arith.constant 0 : i32
        %dma_start3A_422 = tpu.memref_slice %arg8[%dma_start3A_419, %dma_start3A_420, %dma_start3A_421] : memref<4x64x128xf32, #tpu.memory_space<vmem>> -> memref<1x64x128xf32, #tpu.memory_space<vmem>>
        %dma_start3A_423 = tpu.memref_squeeze %dma_start3A_422 : memref<1x64x128xf32, #tpu.memory_space<vmem>> -> memref<64x128xf32, #tpu.memory_space<vmem>>
        %dma_start3A_424 = arith.constant 0 : i32
        %dma_start3A_425 = tpu.memref_slice %arg6[%add3A_418, %dma_start3A_424] : memref<40x64xi32, #tpu.memory_space<vmem>> -> memref<1x64xi32, #tpu.memory_space<vmem>>
        %dma_start3A_426 = tpu.memref_squeeze %dma_start3A_425 : memref<1x64xi32, #tpu.memory_space<vmem>> -> memref<64xi32, #tpu.memory_space<vmem>>
        %dma_start3A_427 = arith.constant 0 : i32
        %dma_start3A_428 = arith.constant 0 : i32
        %dma_start3A_429 = tpu.memref_slice %arg4[%dma_start3A_427, %dma_start3A_428] : memref<10240x128xf32, #tpu.memory_space<hbm>> -> memref<10240x128xf32, #tpu.memory_space<hbm>>
        tpu.enqueue_indirect_dma source(%dma_start3A_429 : memref<10240x128xf32, #tpu.memory_space<hbm>>) target(%dma_start3A_423 : memref<64x128xf32, #tpu.memory_space<vmem>>) offsets(%dma_start3A_426 : memref<64xi32, #tpu.memory_space<vmem>>) semaphore(%arg12 : memref<!tpu.dma_semaphore, #tpu.memory_space<semaphore_mem>>)
      } else {
      }
      %mul3A_372 = arith.constant 4 : i32
      %mul3A_373 = arith.muli %scan3A_242, %mul3A_372 : i32
      %add3A_374 = arith.constant 3 : i32
      %add3A_375 = arith.addi %mul3A_373, %add3A_374 : i32
      %dma_wait3A_376 = arith.constant 3 : i32
      %dma_wait3A_377 = arith.constant 3 : i32
      %dma_wait3A_378 = arith.constant 0 : i32
      %dma_wait3A_379 = arith.constant 0 : i32
      %dma_wait3A_380 = tpu.memref_slice %arg8[%dma_wait3A_377, %dma_wait3A_378, %dma_wait3A_379] : memref<4x64x128xf32, #tpu.memory_space<vmem>> -> memref<1x64x128xf32, #tpu.memory_space<vmem>>
      %dma_wait3A_381 = tpu.memref_squeeze %dma_wait3A_380 : memref<1x64x128xf32, #tpu.memory_space<vmem>> -> memref<64x128xf32, #tpu.memory_space<vmem>>
      %dma_wait3A_382 = arith.constant 0 : i32
      %dma_wait3A_383 = tpu.memref_slice %arg6[%dma_wait3A_376, %dma_wait3A_382] : memref<40x64xi32, #tpu.memory_space<vmem>> -> memref<1x64xi32, #tpu.memory_space<vmem>>
      %dma_wait3A_384 = tpu.memref_squeeze %dma_wait3A_383 : memref<1x64xi32, #tpu.memory_space<vmem>> -> memref<64xi32, #tpu.memory_space<vmem>>
      %dma_wait3A_385 = arith.constant 0 : i32
      %dma_wait3A_386 = arith.constant 0 : i32
      %dma_wait3A_387 = tpu.memref_slice %arg4[%dma_wait3A_385, %dma_wait3A_386] : memref<10240x128xf32, #tpu.memory_space<hbm>> -> memref<10240x128xf32, #tpu.memory_space<hbm>>
      tpu.wait_indirect_dma semaphore(%arg13 : memref<!tpu.dma_semaphore, #tpu.memory_space<semaphore_mem>>) src(%dma_wait3A_387 : memref<10240x128xf32, #tpu.memory_space<hbm>>) dst(%dma_wait3A_381 : memref<64x128xf32, #tpu.memory_space<vmem>>)
      %dma_start3A_388 = arith.constant 3 : i32
      %dma_start3A_389 = arith.constant 0 : i32
      %dma_start3A_390 = arith.constant 0 : i32
      %dma_start3A_391 = tpu.memref_slice %arg8[%dma_start3A_388, %dma_start3A_389, %dma_start3A_390] : memref<4x64x128xf32, #tpu.memory_space<vmem>> -> memref<1x64x128xf32, #tpu.memory_space<vmem>>
      %dma_start3A_392 = tpu.memref_squeeze %dma_start3A_391 : memref<1x64x128xf32, #tpu.memory_space<vmem>> -> memref<64x128xf32, #tpu.memory_space<vmem>>
      %dma_start3A_393 = arith.constant 0 : i32
      %dma_start3A_394 = tpu.memref_slice %arg7[%add3A_375, %dma_start3A_393] : memref<40x64xi32, #tpu.memory_space<vmem>> -> memref<1x64xi32, #tpu.memory_space<vmem>>
      %dma_start3A_395 = tpu.memref_squeeze %dma_start3A_394 : memref<1x64xi32, #tpu.memory_space<vmem>> -> memref<64xi32, #tpu.memory_space<vmem>>
      %dma_start3A_396 = arith.constant 0 : i32
      %dma_start3A_397 = arith.constant 0 : i32
      %dma_start3A_398 = tpu.memref_slice %arg9[%dma_start3A_396, %dma_start3A_397] : memref<10240x128xf32, #tpu.memory_space<vmem_shared>> -> memref<10240x128xf32, #tpu.memory_space<vmem_shared>>
      tpu.enqueue_indirect_dma source(%dma_start3A_392 : memref<64x128xf32, #tpu.memory_space<vmem>>) target(%dma_start3A_398 : memref<10240x128xf32, #tpu.memory_space<vmem_shared>>) offsets(%dma_start3A_395 : memref<64xi32, #tpu.memory_space<vmem>>) semaphore(%arg17 : memref<!tpu.dma_semaphore, #tpu.memory_space<semaphore_mem>>) {add = true}
      %dma_wait3A_399 = arith.constant 3 : i32
      %dma_wait3A_400 = arith.constant 3 : i32
      %dma_wait3A_401 = arith.constant 0 : i32
      %dma_wait3A_402 = arith.constant 0 : i32
      %dma_wait3A_403 = tpu.memref_slice %arg8[%dma_wait3A_399, %dma_wait3A_401, %dma_wait3A_402] : memref<4x64x128xf32, #tpu.memory_space<vmem>> -> memref<1x64x128xf32, #tpu.memory_space<vmem>>
      %dma_wait3A_404 = tpu.memref_squeeze %dma_wait3A_403 : memref<1x64x128xf32, #tpu.memory_space<vmem>> -> memref<64x128xf32, #tpu.memory_space<vmem>>
      %dma_wait3A_405 = arith.constant 0 : i32
      %dma_wait3A_406 = tpu.memref_slice %arg7[%dma_wait3A_400, %dma_wait3A_405] : memref<40x64xi32, #tpu.memory_space<vmem>> -> memref<1x64xi32, #tpu.memory_space<vmem>>
      %dma_wait3A_407 = tpu.memref_squeeze %dma_wait3A_406 : memref<1x64xi32, #tpu.memory_space<vmem>> -> memref<64xi32, #tpu.memory_space<vmem>>
      %dma_wait3A_408 = arith.constant 0 : i32
      %dma_wait3A_409 = arith.constant 0 : i32
      %dma_wait3A_410 = tpu.memref_slice %arg9[%dma_wait3A_408, %dma_wait3A_409] : memref<10240x128xf32, #tpu.memory_space<vmem_shared>> -> memref<10240x128xf32, #tpu.memory_space<vmem_shared>>
      tpu.wait_indirect_dma semaphore(%arg17 : memref<!tpu.dma_semaphore, #tpu.memory_space<semaphore_mem>>) src(%dma_wait3A_404 : memref<64x128xf32, #tpu.memory_space<vmem>>) dst(%dma_wait3A_410 : memref<10240x128xf32, #tpu.memory_space<vmem_shared>>)
      %lt3A_411 = arith.constant 9 : i32
      %lt3A_412 = arith.cmpi slt, %scan3A_242, %lt3A_411 : i32
      %convert_element_type3A_413 = arith.extui %lt3A_412 : i1 to i32
      %cond3A_414 = arith.constant 0 : i32
      %cond3A_415 = arith.cmpi ne, %convert_element_type3A_413, %cond3A_414 : i32
      scf.if %cond3A_415 {
        %add3A_417 = arith.constant 4 : i32
        %add3A_418 = arith.addi %add3A_375, %add3A_417 : i32
        %dma_start3A_419 = arith.constant 3 : i32
        %dma_start3A_420 = arith.constant 0 : i32
        %dma_start3A_421 = arith.constant 0 : i32
        %dma_start3A_422 = tpu.memref_slice %arg8[%dma_start3A_419, %dma_start3A_420, %dma_start3A_421] : memref<4x64x128xf32, #tpu.memory_space<vmem>> -> memref<1x64x128xf32, #tpu.memory_space<vmem>>
        %dma_start3A_423 = tpu.memref_squeeze %dma_start3A_422 : memref<1x64x128xf32, #tpu.memory_space<vmem>> -> memref<64x128xf32, #tpu.memory_space<vmem>>
        %dma_start3A_424 = arith.constant 0 : i32
        %dma_start3A_425 = tpu.memref_slice %arg6[%add3A_418, %dma_start3A_424] : memref<40x64xi32, #tpu.memory_space<vmem>> -> memref<1x64xi32, #tpu.memory_space<vmem>>
        %dma_start3A_426 = tpu.memref_squeeze %dma_start3A_425 : memref<1x64xi32, #tpu.memory_space<vmem>> -> memref<64xi32, #tpu.memory_space<vmem>>
        %dma_start3A_427 = arith.constant 0 : i32
        %dma_start3A_428 = arith.constant 0 : i32
        %dma_start3A_429 = tpu.memref_slice %arg4[%dma_start3A_427, %dma_start3A_428] : memref<10240x128xf32, #tpu.memory_space<hbm>> -> memref<10240x128xf32, #tpu.memory_space<hbm>>
        tpu.enqueue_indirect_dma source(%dma_start3A_429 : memref<10240x128xf32, #tpu.memory_space<hbm>>) target(%dma_start3A_423 : memref<64x128xf32, #tpu.memory_space<vmem>>) offsets(%dma_start3A_426 : memref<64xi32, #tpu.memory_space<vmem>>) semaphore(%arg13 : memref<!tpu.dma_semaphore, #tpu.memory_space<semaphore_mem>>)
      } else {
      }
      %scan3A_416 = arith.constant 0 : i32
      scf.yield %scan3A_416 : i32
    }
    %scan3A_178 = arith.constant 10 : i32
    "tpu.region"() ({
      %run_scoped3A = tpu.sem_alloc : memref<!tpu.dma_semaphore, #tpu.memory_space<semaphore_mem>>
      %dma_start3A_242 = arith.constant 120 : i32
      %dma_start3A_243 = arith.constant 0 : i32
      %dma_start3A_244 = tpu.memref_slice %arg2[%add3A, %dma_start3A_242, %dma_start3A_243] : memref<32x160x64xi32, #tpu.memory_space<hbm>> -> memref<1x40x64xi32, #tpu.memory_space<hbm>>
      %dma_start3A_245 = tpu.memref_squeeze %dma_start3A_244 : memref<1x40x64xi32, #tpu.memory_space<hbm>> -> memref<40x64xi32, #tpu.memory_space<hbm>>
      %dma_start3A_246 = arith.constant 120 : i32
      %dma_start3A_247 = arith.constant 0 : i32
      %dma_start3A_248 = tpu.memref_slice %arg2[%add3A, %dma_start3A_246, %dma_start3A_247] : memref<32x160x64xi32, #tpu.memory_space<hbm>> -> memref<1x40x64xi32, #tpu.memory_space<hbm>>
      %dma_start3A_249 = tpu.memref_squeeze %dma_start3A_248 : memref<1x40x64xi32, #tpu.memory_space<hbm>> -> memref<40x64xi32, #tpu.memory_space<hbm>>
      tpu.enqueue_dma source(%dma_start3A_249 : memref<40x64xi32, #tpu.memory_space<hbm>>) target(%arg6 : memref<40x64xi32, #tpu.memory_space<vmem>>) target_semaphore(%run_scoped3A : memref<!tpu.dma_semaphore, #tpu.memory_space<semaphore_mem>>)
      %dma_wait3A = arith.constant 120 : i32
      %dma_wait3A_250 = arith.constant 0 : i32
      %dma_wait3A_251 = tpu.memref_slice %arg2[%add3A, %dma_wait3A, %dma_wait3A_250] : memref<32x160x64xi32, #tpu.memory_space<hbm>> -> memref<1x40x64xi32, #tpu.memory_space<hbm>>
      %dma_wait3A_252 = tpu.memref_squeeze %dma_wait3A_251 : memref<1x40x64xi32, #tpu.memory_space<hbm>> -> memref<40x64xi32, #tpu.memory_space<hbm>>
      %dma_wait3A_253 = arith.constant 120 : i32
      %dma_wait3A_254 = arith.constant 0 : i32
      %dma_wait3A_255 = tpu.memref_slice %arg2[%add3A, %dma_wait3A_253, %dma_wait3A_254] : memref<32x160x64xi32, #tpu.memory_space<hbm>> -> memref<1x40x64xi32, #tpu.memory_space<hbm>>
      %dma_wait3A_256 = tpu.memref_squeeze %dma_wait3A_255 : memref<1x40x64xi32, #tpu.memory_space<hbm>> -> memref<40x64xi32, #tpu.memory_space<hbm>>
      tpu.wait_dma2 semaphore(%run_scoped3A : memref<!tpu.dma_semaphore, #tpu.memory_space<semaphore_mem>>) src(%dma_wait3A_256 : memref<40x64xi32, #tpu.memory_space<hbm>>) dst(%arg6 : memref<40x64xi32, #tpu.memory_space<vmem>>)
      tpu.yield
    }) : () -> ()
    "tpu.region"() ({
      %run_scoped3A = tpu.sem_alloc : memref<!tpu.dma_semaphore, #tpu.memory_space<semaphore_mem>>
      %dma_start3A_242 = arith.constant 120 : i32
      %dma_start3A_243 = arith.constant 0 : i32
      %dma_start3A_244 = tpu.memref_slice %arg3[%add3A, %dma_start3A_242, %dma_start3A_243] : memref<32x160x64xi32, #tpu.memory_space<hbm>> -> memref<1x40x64xi32, #tpu.memory_space<hbm>>
      %dma_start3A_245 = tpu.memref_squeeze %dma_start3A_244 : memref<1x40x64xi32, #tpu.memory_space<hbm>> -> memref<40x64xi32, #tpu.memory_space<hbm>>
      %dma_start3A_246 = arith.constant 120 : i32
      %dma_start3A_247 = arith.constant 0 : i32
      %dma_start3A_248 = tpu.memref_slice %arg3[%add3A, %dma_start3A_246, %dma_start3A_247] : memref<32x160x64xi32, #tpu.memory_space<hbm>> -> memref<1x40x64xi32, #tpu.memory_space<hbm>>
      %dma_start3A_249 = tpu.memref_squeeze %dma_start3A_248 : memref<1x40x64xi32, #tpu.memory_space<hbm>> -> memref<40x64xi32, #tpu.memory_space<hbm>>
      tpu.enqueue_dma source(%dma_start3A_249 : memref<40x64xi32, #tpu.memory_space<hbm>>) target(%arg7 : memref<40x64xi32, #tpu.memory_space<vmem>>) target_semaphore(%run_scoped3A : memref<!tpu.dma_semaphore, #tpu.memory_space<semaphore_mem>>)
      %dma_wait3A = arith.constant 120 : i32
      %dma_wait3A_250 = arith.constant 0 : i32
      %dma_wait3A_251 = tpu.memref_slice %arg3[%add3A, %dma_wait3A, %dma_wait3A_250] : memref<32x160x64xi32, #tpu.memory_space<hbm>> -> memref<1x40x64xi32, #tpu.memory_space<hbm>>
      %dma_wait3A_252 = tpu.memref_squeeze %dma_wait3A_251 : memref<1x40x64xi32, #tpu.memory_space<hbm>> -> memref<40x64xi32, #tpu.memory_space<hbm>>
      %dma_wait3A_253 = arith.constant 120 : i32
      %dma_wait3A_254 = arith.constant 0 : i32
      %dma_wait3A_255 = tpu.memref_slice %arg3[%add3A, %dma_wait3A_253, %dma_wait3A_254] : memref<32x160x64xi32, #tpu.memory_space<hbm>> -> memref<1x40x64xi32, #tpu.memory_space<hbm>>
      %dma_wait3A_256 = tpu.memref_squeeze %dma_wait3A_255 : memref<1x40x64xi32, #tpu.memory_space<hbm>> -> memref<40x64xi32, #tpu.memory_space<hbm>>
      tpu.wait_dma2 semaphore(%run_scoped3A : memref<!tpu.dma_semaphore, #tpu.memory_space<semaphore_mem>>) src(%dma_wait3A_256 : memref<40x64xi32, #tpu.memory_space<hbm>>) dst(%arg7 : memref<40x64xi32, #tpu.memory_space<vmem>>)
      tpu.yield
    }) : () -> ()
    %dma_start3A_179 = arith.constant 0 : i32
    %dma_start3A_180 = arith.constant 0 : i32
    %dma_start3A_181 = arith.constant 0 : i32
    %dma_start3A_182 = arith.constant 0 : i32
    %dma_start3A_183 = tpu.memref_slice %arg8[%dma_start3A_180, %dma_start3A_181, %dma_start3A_182] : memref<4x64x128xf32, #tpu.memory_space<vmem>> -> memref<1x64x128xf32, #tpu.memory_space<vmem>>
    %dma_start3A_184 = tpu.memref_squeeze %dma_start3A_183 : memref<1x64x128xf32, #tpu.memory_space<vmem>> -> memref<64x128xf32, #tpu.memory_space<vmem>>
    %dma_start3A_185 = arith.constant 0 : i32
    %dma_start3A_186 = tpu.memref_slice %arg6[%dma_start3A_179, %dma_start3A_185] : memref<40x64xi32, #tpu.memory_space<vmem>> -> memref<1x64xi32, #tpu.memory_space<vmem>>
    %dma_start3A_187 = tpu.memref_squeeze %dma_start3A_186 : memref<1x64xi32, #tpu.memory_space<vmem>> -> memref<64xi32, #tpu.memory_space<vmem>>
    %dma_start3A_188 = arith.constant 0 : i32
    %dma_start3A_189 = arith.constant 0 : i32
    %dma_start3A_190 = tpu.memref_slice %arg4[%dma_start3A_188, %dma_start3A_189] : memref<10240x128xf32, #tpu.memory_space<hbm>> -> memref<10240x128xf32, #tpu.memory_space<hbm>>
    tpu.enqueue_indirect_dma source(%dma_start3A_190 : memref<10240x128xf32, #tpu.memory_space<hbm>>) target(%dma_start3A_184 : memref<64x128xf32, #tpu.memory_space<vmem>>) offsets(%dma_start3A_187 : memref<64xi32, #tpu.memory_space<vmem>>) semaphore(%arg10 : memref<!tpu.dma_semaphore, #tpu.memory_space<semaphore_mem>>)
    %dma_start3A_191 = arith.constant 1 : i32
    %dma_start3A_192 = arith.constant 1 : i32
    %dma_start3A_193 = arith.constant 0 : i32
    %dma_start3A_194 = arith.constant 0 : i32
    %dma_start3A_195 = tpu.memref_slice %arg8[%dma_start3A_192, %dma_start3A_193, %dma_start3A_194] : memref<4x64x128xf32, #tpu.memory_space<vmem>> -> memref<1x64x128xf32, #tpu.memory_space<vmem>>
    %dma_start3A_196 = tpu.memref_squeeze %dma_start3A_195 : memref<1x64x128xf32, #tpu.memory_space<vmem>> -> memref<64x128xf32, #tpu.memory_space<vmem>>
    %dma_start3A_197 = arith.constant 0 : i32
    %dma_start3A_198 = tpu.memref_slice %arg6[%dma_start3A_191, %dma_start3A_197] : memref<40x64xi32, #tpu.memory_space<vmem>> -> memref<1x64xi32, #tpu.memory_space<vmem>>
    %dma_start3A_199 = tpu.memref_squeeze %dma_start3A_198 : memref<1x64xi32, #tpu.memory_space<vmem>> -> memref<64xi32, #tpu.memory_space<vmem>>
    %dma_start3A_200 = arith.constant 0 : i32
    %dma_start3A_201 = arith.constant 0 : i32
    %dma_start3A_202 = tpu.memref_slice %arg4[%dma_start3A_200, %dma_start3A_201] : memref<10240x128xf32, #tpu.memory_space<hbm>> -> memref<10240x128xf32, #tpu.memory_space<hbm>>
    tpu.enqueue_indirect_dma source(%dma_start3A_202 : memref<10240x128xf32, #tpu.memory_space<hbm>>) target(%dma_start3A_196 : memref<64x128xf32, #tpu.memory_space<vmem>>) offsets(%dma_start3A_199 : memref<64xi32, #tpu.memory_space<vmem>>) semaphore(%arg11 : memref<!tpu.dma_semaphore, #tpu.memory_space<semaphore_mem>>)
    %dma_start3A_203 = arith.constant 2 : i32
    %dma_start3A_204 = arith.constant 2 : i32
    %dma_start3A_205 = arith.constant 0 : i32
    %dma_start3A_206 = arith.constant 0 : i32
    %dma_start3A_207 = tpu.memref_slice %arg8[%dma_start3A_204, %dma_start3A_205, %dma_start3A_206] : memref<4x64x128xf32, #tpu.memory_space<vmem>> -> memref<1x64x128xf32, #tpu.memory_space<vmem>>
    %dma_start3A_208 = tpu.memref_squeeze %dma_start3A_207 : memref<1x64x128xf32, #tpu.memory_space<vmem>> -> memref<64x128xf32, #tpu.memory_space<vmem>>
    %dma_start3A_209 = arith.constant 0 : i32
    %dma_start3A_210 = tpu.memref_slice %arg6[%dma_start3A_203, %dma_start3A_209] : memref<40x64xi32, #tpu.memory_space<vmem>> -> memref<1x64xi32, #tpu.memory_space<vmem>>
    %dma_start3A_211 = tpu.memref_squeeze %dma_start3A_210 : memref<1x64xi32, #tpu.memory_space<vmem>> -> memref<64xi32, #tpu.memory_space<vmem>>
    %dma_start3A_212 = arith.constant 0 : i32
    %dma_start3A_213 = arith.constant 0 : i32
    %dma_start3A_214 = tpu.memref_slice %arg4[%dma_start3A_212, %dma_start3A_213] : memref<10240x128xf32, #tpu.memory_space<hbm>> -> memref<10240x128xf32, #tpu.memory_space<hbm>>
    tpu.enqueue_indirect_dma source(%dma_start3A_214 : memref<10240x128xf32, #tpu.memory_space<hbm>>) target(%dma_start3A_208 : memref<64x128xf32, #tpu.memory_space<vmem>>) offsets(%dma_start3A_211 : memref<64xi32, #tpu.memory_space<vmem>>) semaphore(%arg12 : memref<!tpu.dma_semaphore, #tpu.memory_space<semaphore_mem>>)
    %dma_start3A_215 = arith.constant 3 : i32
    %dma_start3A_216 = arith.constant 3 : i32
    %dma_start3A_217 = arith.constant 0 : i32
    %dma_start3A_218 = arith.constant 0 : i32
    %dma_start3A_219 = tpu.memref_slice %arg8[%dma_start3A_216, %dma_start3A_217, %dma_start3A_218] : memref<4x64x128xf32, #tpu.memory_space<vmem>> -> memref<1x64x128xf32, #tpu.memory_space<vmem>>
    %dma_start3A_220 = tpu.memref_squeeze %dma_start3A_219 : memref<1x64x128xf32, #tpu.memory_space<vmem>> -> memref<64x128xf32, #tpu.memory_space<vmem>>
    %dma_start3A_221 = arith.constant 0 : i32
    %dma_start3A_222 = tpu.memref_slice %arg6[%dma_start3A_215, %dma_start3A_221] : memref<40x64xi32, #tpu.memory_space<vmem>> -> memref<1x64xi32, #tpu.memory_space<vmem>>
    %dma_start3A_223 = tpu.memref_squeeze %dma_start3A_222 : memref<1x64xi32, #tpu.memory_space<vmem>> -> memref<64xi32, #tpu.memory_space<vmem>>
    %dma_start3A_224 = arith.constant 0 : i32
    %dma_start3A_225 = arith.constant 0 : i32
    %dma_start3A_226 = tpu.memref_slice %arg4[%dma_start3A_224, %dma_start3A_225] : memref<10240x128xf32, #tpu.memory_space<hbm>> -> memref<10240x128xf32, #tpu.memory_space<hbm>>
    tpu.enqueue_indirect_dma source(%dma_start3A_226 : memref<10240x128xf32, #tpu.memory_space<hbm>>) target(%dma_start3A_220 : memref<64x128xf32, #tpu.memory_space<vmem>>) offsets(%dma_start3A_223 : memref<64xi32, #tpu.memory_space<vmem>>) semaphore(%arg13 : memref<!tpu.dma_semaphore, #tpu.memory_space<semaphore_mem>>)
    %scan3A_227 = arith.constant 0 : i32
    %scan3A_228 = arith.constant 0 : i32
    %scan3A_229 = arith.constant 10 : i32
    %scan3A_230 = arith.addi %scan3A_228, %scan3A_229 : i32
    %scan3A_231 = arith.constant 1 : i32
    %scan3A_232 = scf.for %scan3A_242 = %scan3A_228 to %scan3A_230 step %scan3A_231 iter_args(%scan3A_243 = %scan3A_227) -> (i32)  : i32 {
      %mul3A_244 = arith.constant 4 : i32
      %mul3A_245 = arith.muli %scan3A_242, %mul3A_244 : i32
      %add3A_246 = arith.constant 0 : i32
      %add3A_247 = arith.addi %mul3A_245, %add3A_246 : i32
      %dma_wait3A = arith.constant 0 : i32
      %dma_wait3A_248 = arith.constant 0 : i32
      %dma_wait3A_249 = arith.constant 0 : i32
      %dma_wait3A_250 = arith.constant 0 : i32
      %dma_wait3A_251 = tpu.memref_slice %arg8[%dma_wait3A_248, %dma_wait3A_249, %dma_wait3A_250] : memref<4x64x128xf32, #tpu.memory_space<vmem>> -> memref<1x64x128xf32, #tpu.memory_space<vmem>>
      %dma_wait3A_252 = tpu.memref_squeeze %dma_wait3A_251 : memref<1x64x128xf32, #tpu.memory_space<vmem>> -> memref<64x128xf32, #tpu.memory_space<vmem>>
      %dma_wait3A_253 = arith.constant 0 : i32
      %dma_wait3A_254 = tpu.memref_slice %arg6[%dma_wait3A, %dma_wait3A_253] : memref<40x64xi32, #tpu.memory_space<vmem>> -> memref<1x64xi32, #tpu.memory_space<vmem>>
      %dma_wait3A_255 = tpu.memref_squeeze %dma_wait3A_254 : memref<1x64xi32, #tpu.memory_space<vmem>> -> memref<64xi32, #tpu.memory_space<vmem>>
      %dma_wait3A_256 = arith.constant 0 : i32
      %dma_wait3A_257 = arith.constant 0 : i32
      %dma_wait3A_258 = tpu.memref_slice %arg4[%dma_wait3A_256, %dma_wait3A_257] : memref<10240x128xf32, #tpu.memory_space<hbm>> -> memref<10240x128xf32, #tpu.memory_space<hbm>>
      tpu.wait_indirect_dma semaphore(%arg10 : memref<!tpu.dma_semaphore, #tpu.memory_space<semaphore_mem>>) src(%dma_wait3A_258 : memref<10240x128xf32, #tpu.memory_space<hbm>>) dst(%dma_wait3A_252 : memref<64x128xf32, #tpu.memory_space<vmem>>)
      %dma_start3A_259 = arith.constant 0 : i32
      %dma_start3A_260 = arith.constant 0 : i32
      %dma_start3A_261 = arith.constant 0 : i32
      %dma_start3A_262 = tpu.memref_slice %arg8[%dma_start3A_259, %dma_start3A_260, %dma_start3A_261] : memref<4x64x128xf32, #tpu.memory_space<vmem>> -> memref<1x64x128xf32, #tpu.memory_space<vmem>>
      %dma_start3A_263 = tpu.memref_squeeze %dma_start3A_262 : memref<1x64x128xf32, #tpu.memory_space<vmem>> -> memref<64x128xf32, #tpu.memory_space<vmem>>
      %dma_start3A_264 = arith.constant 0 : i32
      %dma_start3A_265 = tpu.memref_slice %arg7[%add3A_247, %dma_start3A_264] : memref<40x64xi32, #tpu.memory_space<vmem>> -> memref<1x64xi32, #tpu.memory_space<vmem>>
      %dma_start3A_266 = tpu.memref_squeeze %dma_start3A_265 : memref<1x64xi32, #tpu.memory_space<vmem>> -> memref<64xi32, #tpu.memory_space<vmem>>
      %dma_start3A_267 = arith.constant 0 : i32
      %dma_start3A_268 = arith.constant 0 : i32
      %dma_start3A_269 = tpu.memref_slice %arg9[%dma_start3A_267, %dma_start3A_268] : memref<10240x128xf32, #tpu.memory_space<vmem_shared>> -> memref<10240x128xf32, #tpu.memory_space<vmem_shared>>
      tpu.enqueue_indirect_dma source(%dma_start3A_263 : memref<64x128xf32, #tpu.memory_space<vmem>>) target(%dma_start3A_269 : memref<10240x128xf32, #tpu.memory_space<vmem_shared>>) offsets(%dma_start3A_266 : memref<64xi32, #tpu.memory_space<vmem>>) semaphore(%arg14 : memref<!tpu.dma_semaphore, #tpu.memory_space<semaphore_mem>>) {add = true}
      %dma_wait3A_270 = arith.constant 0 : i32
      %dma_wait3A_271 = arith.constant 0 : i32
      %dma_wait3A_272 = arith.constant 0 : i32
      %dma_wait3A_273 = arith.constant 0 : i32
      %dma_wait3A_274 = tpu.memref_slice %arg8[%dma_wait3A_270, %dma_wait3A_272, %dma_wait3A_273] : memref<4x64x128xf32, #tpu.memory_space<vmem>> -> memref<1x64x128xf32, #tpu.memory_space<vmem>>
      %dma_wait3A_275 = tpu.memref_squeeze %dma_wait3A_274 : memref<1x64x128xf32, #tpu.memory_space<vmem>> -> memref<64x128xf32, #tpu.memory_space<vmem>>
      %dma_wait3A_276 = arith.constant 0 : i32
      %dma_wait3A_277 = tpu.memref_slice %arg7[%dma_wait3A_271, %dma_wait3A_276] : memref<40x64xi32, #tpu.memory_space<vmem>> -> memref<1x64xi32, #tpu.memory_space<vmem>>
      %dma_wait3A_278 = tpu.memref_squeeze %dma_wait3A_277 : memref<1x64xi32, #tpu.memory_space<vmem>> -> memref<64xi32, #tpu.memory_space<vmem>>
      %dma_wait3A_279 = arith.constant 0 : i32
      %dma_wait3A_280 = arith.constant 0 : i32
      %dma_wait3A_281 = tpu.memref_slice %arg9[%dma_wait3A_279, %dma_wait3A_280] : memref<10240x128xf32, #tpu.memory_space<vmem_shared>> -> memref<10240x128xf32, #tpu.memory_space<vmem_shared>>
      tpu.wait_indirect_dma semaphore(%arg14 : memref<!tpu.dma_semaphore, #tpu.memory_space<semaphore_mem>>) src(%dma_wait3A_275 : memref<64x128xf32, #tpu.memory_space<vmem>>) dst(%dma_wait3A_281 : memref<10240x128xf32, #tpu.memory_space<vmem_shared>>)
      %lt3A = arith.constant 9 : i32
      %lt3A_282 = arith.cmpi slt, %scan3A_242, %lt3A : i32
      %convert_element_type3A = arith.extui %lt3A_282 : i1 to i32
      %cond3A = arith.constant 0 : i32
      %cond3A_283 = arith.cmpi ne, %convert_element_type3A, %cond3A : i32
      scf.if %cond3A_283 {
        %add3A_417 = arith.constant 4 : i32
        %add3A_418 = arith.addi %add3A_247, %add3A_417 : i32
        %dma_start3A_419 = arith.constant 0 : i32
        %dma_start3A_420 = arith.constant 0 : i32
        %dma_start3A_421 = arith.constant 0 : i32
        %dma_start3A_422 = tpu.memref_slice %arg8[%dma_start3A_419, %dma_start3A_420, %dma_start3A_421] : memref<4x64x128xf32, #tpu.memory_space<vmem>> -> memref<1x64x128xf32, #tpu.memory_space<vmem>>
        %dma_start3A_423 = tpu.memref_squeeze %dma_start3A_422 : memref<1x64x128xf32, #tpu.memory_space<vmem>> -> memref<64x128xf32, #tpu.memory_space<vmem>>
        %dma_start3A_424 = arith.constant 0 : i32
        %dma_start3A_425 = tpu.memref_slice %arg6[%add3A_418, %dma_start3A_424] : memref<40x64xi32, #tpu.memory_space<vmem>> -> memref<1x64xi32, #tpu.memory_space<vmem>>
        %dma_start3A_426 = tpu.memref_squeeze %dma_start3A_425 : memref<1x64xi32, #tpu.memory_space<vmem>> -> memref<64xi32, #tpu.memory_space<vmem>>
        %dma_start3A_427 = arith.constant 0 : i32
        %dma_start3A_428 = arith.constant 0 : i32
        %dma_start3A_429 = tpu.memref_slice %arg4[%dma_start3A_427, %dma_start3A_428] : memref<10240x128xf32, #tpu.memory_space<hbm>> -> memref<10240x128xf32, #tpu.memory_space<hbm>>
        tpu.enqueue_indirect_dma source(%dma_start3A_429 : memref<10240x128xf32, #tpu.memory_space<hbm>>) target(%dma_start3A_423 : memref<64x128xf32, #tpu.memory_space<vmem>>) offsets(%dma_start3A_426 : memref<64xi32, #tpu.memory_space<vmem>>) semaphore(%arg10 : memref<!tpu.dma_semaphore, #tpu.memory_space<semaphore_mem>>)
      } else {
      }
      %mul3A_284 = arith.constant 4 : i32
      %mul3A_285 = arith.muli %scan3A_242, %mul3A_284 : i32
      %add3A_286 = arith.constant 1 : i32
      %add3A_287 = arith.addi %mul3A_285, %add3A_286 : i32
      %dma_wait3A_288 = arith.constant 1 : i32
      %dma_wait3A_289 = arith.constant 1 : i32
      %dma_wait3A_290 = arith.constant 0 : i32
      %dma_wait3A_291 = arith.constant 0 : i32
      %dma_wait3A_292 = tpu.memref_slice %arg8[%dma_wait3A_289, %dma_wait3A_290, %dma_wait3A_291] : memref<4x64x128xf32, #tpu.memory_space<vmem>> -> memref<1x64x128xf32, #tpu.memory_space<vmem>>
      %dma_wait3A_293 = tpu.memref_squeeze %dma_wait3A_292 : memref<1x64x128xf32, #tpu.memory_space<vmem>> -> memref<64x128xf32, #tpu.memory_space<vmem>>
      %dma_wait3A_294 = arith.constant 0 : i32
      %dma_wait3A_295 = tpu.memref_slice %arg6[%dma_wait3A_288, %dma_wait3A_294] : memref<40x64xi32, #tpu.memory_space<vmem>> -> memref<1x64xi32, #tpu.memory_space<vmem>>
      %dma_wait3A_296 = tpu.memref_squeeze %dma_wait3A_295 : memref<1x64xi32, #tpu.memory_space<vmem>> -> memref<64xi32, #tpu.memory_space<vmem>>
      %dma_wait3A_297 = arith.constant 0 : i32
      %dma_wait3A_298 = arith.constant 0 : i32
      %dma_wait3A_299 = tpu.memref_slice %arg4[%dma_wait3A_297, %dma_wait3A_298] : memref<10240x128xf32, #tpu.memory_space<hbm>> -> memref<10240x128xf32, #tpu.memory_space<hbm>>
      tpu.wait_indirect_dma semaphore(%arg11 : memref<!tpu.dma_semaphore, #tpu.memory_space<semaphore_mem>>) src(%dma_wait3A_299 : memref<10240x128xf32, #tpu.memory_space<hbm>>) dst(%dma_wait3A_293 : memref<64x128xf32, #tpu.memory_space<vmem>>)
      %dma_start3A_300 = arith.constant 1 : i32
      %dma_start3A_301 = arith.constant 0 : i32
      %dma_start3A_302 = arith.constant 0 : i32
      %dma_start3A_303 = tpu.memref_slice %arg8[%dma_start3A_300, %dma_start3A_301, %dma_start3A_302] : memref<4x64x128xf32, #tpu.memory_space<vmem>> -> memref<1x64x128xf32, #tpu.memory_space<vmem>>
      %dma_start3A_304 = tpu.memref_squeeze %dma_start3A_303 : memref<1x64x128xf32, #tpu.memory_space<vmem>> -> memref<64x128xf32, #tpu.memory_space<vmem>>
      %dma_start3A_305 = arith.constant 0 : i32
      %dma_start3A_306 = tpu.memref_slice %arg7[%add3A_287, %dma_start3A_305] : memref<40x64xi32, #tpu.memory_space<vmem>> -> memref<1x64xi32, #tpu.memory_space<vmem>>
      %dma_start3A_307 = tpu.memref_squeeze %dma_start3A_306 : memref<1x64xi32, #tpu.memory_space<vmem>> -> memref<64xi32, #tpu.memory_space<vmem>>
      %dma_start3A_308 = arith.constant 0 : i32
      %dma_start3A_309 = arith.constant 0 : i32
      %dma_start3A_310 = tpu.memref_slice %arg9[%dma_start3A_308, %dma_start3A_309] : memref<10240x128xf32, #tpu.memory_space<vmem_shared>> -> memref<10240x128xf32, #tpu.memory_space<vmem_shared>>
      tpu.enqueue_indirect_dma source(%dma_start3A_304 : memref<64x128xf32, #tpu.memory_space<vmem>>) target(%dma_start3A_310 : memref<10240x128xf32, #tpu.memory_space<vmem_shared>>) offsets(%dma_start3A_307 : memref<64xi32, #tpu.memory_space<vmem>>) semaphore(%arg15 : memref<!tpu.dma_semaphore, #tpu.memory_space<semaphore_mem>>) {add = true}
      %dma_wait3A_311 = arith.constant 1 : i32
      %dma_wait3A_312 = arith.constant 1 : i32
      %dma_wait3A_313 = arith.constant 0 : i32
      %dma_wait3A_314 = arith.constant 0 : i32
      %dma_wait3A_315 = tpu.memref_slice %arg8[%dma_wait3A_311, %dma_wait3A_313, %dma_wait3A_314] : memref<4x64x128xf32, #tpu.memory_space<vmem>> -> memref<1x64x128xf32, #tpu.memory_space<vmem>>
      %dma_wait3A_316 = tpu.memref_squeeze %dma_wait3A_315 : memref<1x64x128xf32, #tpu.memory_space<vmem>> -> memref<64x128xf32, #tpu.memory_space<vmem>>
      %dma_wait3A_317 = arith.constant 0 : i32
      %dma_wait3A_318 = tpu.memref_slice %arg7[%dma_wait3A_312, %dma_wait3A_317] : memref<40x64xi32, #tpu.memory_space<vmem>> -> memref<1x64xi32, #tpu.memory_space<vmem>>
      %dma_wait3A_319 = tpu.memref_squeeze %dma_wait3A_318 : memref<1x64xi32, #tpu.memory_space<vmem>> -> memref<64xi32, #tpu.memory_space<vmem>>
      %dma_wait3A_320 = arith.constant 0 : i32
      %dma_wait3A_321 = arith.constant 0 : i32
      %dma_wait3A_322 = tpu.memref_slice %arg9[%dma_wait3A_320, %dma_wait3A_321] : memref<10240x128xf32, #tpu.memory_space<vmem_shared>> -> memref<10240x128xf32, #tpu.memory_space<vmem_shared>>
      tpu.wait_indirect_dma semaphore(%arg15 : memref<!tpu.dma_semaphore, #tpu.memory_space<semaphore_mem>>) src(%dma_wait3A_316 : memref<64x128xf32, #tpu.memory_space<vmem>>) dst(%dma_wait3A_322 : memref<10240x128xf32, #tpu.memory_space<vmem_shared>>)
      %lt3A_323 = arith.constant 9 : i32
      %lt3A_324 = arith.cmpi slt, %scan3A_242, %lt3A_323 : i32
      %convert_element_type3A_325 = arith.extui %lt3A_324 : i1 to i32
      %cond3A_326 = arith.constant 0 : i32
      %cond3A_327 = arith.cmpi ne, %convert_element_type3A_325, %cond3A_326 : i32
      scf.if %cond3A_327 {
        %add3A_417 = arith.constant 4 : i32
        %add3A_418 = arith.addi %add3A_287, %add3A_417 : i32
        %dma_start3A_419 = arith.constant 1 : i32
        %dma_start3A_420 = arith.constant 0 : i32
        %dma_start3A_421 = arith.constant 0 : i32
        %dma_start3A_422 = tpu.memref_slice %arg8[%dma_start3A_419, %dma_start3A_420, %dma_start3A_421] : memref<4x64x128xf32, #tpu.memory_space<vmem>> -> memref<1x64x128xf32, #tpu.memory_space<vmem>>
        %dma_start3A_423 = tpu.memref_squeeze %dma_start3A_422 : memref<1x64x128xf32, #tpu.memory_space<vmem>> -> memref<64x128xf32, #tpu.memory_space<vmem>>
        %dma_start3A_424 = arith.constant 0 : i32
        %dma_start3A_425 = tpu.memref_slice %arg6[%add3A_418, %dma_start3A_424] : memref<40x64xi32, #tpu.memory_space<vmem>> -> memref<1x64xi32, #tpu.memory_space<vmem>>
        %dma_start3A_426 = tpu.memref_squeeze %dma_start3A_425 : memref<1x64xi32, #tpu.memory_space<vmem>> -> memref<64xi32, #tpu.memory_space<vmem>>
        %dma_start3A_427 = arith.constant 0 : i32
        %dma_start3A_428 = arith.constant 0 : i32
        %dma_start3A_429 = tpu.memref_slice %arg4[%dma_start3A_427, %dma_start3A_428] : memref<10240x128xf32, #tpu.memory_space<hbm>> -> memref<10240x128xf32, #tpu.memory_space<hbm>>
        tpu.enqueue_indirect_dma source(%dma_start3A_429 : memref<10240x128xf32, #tpu.memory_space<hbm>>) target(%dma_start3A_423 : memref<64x128xf32, #tpu.memory_space<vmem>>) offsets(%dma_start3A_426 : memref<64xi32, #tpu.memory_space<vmem>>) semaphore(%arg11 : memref<!tpu.dma_semaphore, #tpu.memory_space<semaphore_mem>>)
      } else {
      }
      %mul3A_328 = arith.constant 4 : i32
      %mul3A_329 = arith.muli %scan3A_242, %mul3A_328 : i32
      %add3A_330 = arith.constant 2 : i32
      %add3A_331 = arith.addi %mul3A_329, %add3A_330 : i32
      %dma_wait3A_332 = arith.constant 2 : i32
      %dma_wait3A_333 = arith.constant 2 : i32
      %dma_wait3A_334 = arith.constant 0 : i32
      %dma_wait3A_335 = arith.constant 0 : i32
      %dma_wait3A_336 = tpu.memref_slice %arg8[%dma_wait3A_333, %dma_wait3A_334, %dma_wait3A_335] : memref<4x64x128xf32, #tpu.memory_space<vmem>> -> memref<1x64x128xf32, #tpu.memory_space<vmem>>
      %dma_wait3A_337 = tpu.memref_squeeze %dma_wait3A_336 : memref<1x64x128xf32, #tpu.memory_space<vmem>> -> memref<64x128xf32, #tpu.memory_space<vmem>>
      %dma_wait3A_338 = arith.constant 0 : i32
      %dma_wait3A_339 = tpu.memref_slice %arg6[%dma_wait3A_332, %dma_wait3A_338] : memref<40x64xi32, #tpu.memory_space<vmem>> -> memref<1x64xi32, #tpu.memory_space<vmem>>
      %dma_wait3A_340 = tpu.memref_squeeze %dma_wait3A_339 : memref<1x64xi32, #tpu.memory_space<vmem>> -> memref<64xi32, #tpu.memory_space<vmem>>
      %dma_wait3A_341 = arith.constant 0 : i32
      %dma_wait3A_342 = arith.constant 0 : i32
      %dma_wait3A_343 = tpu.memref_slice %arg4[%dma_wait3A_341, %dma_wait3A_342] : memref<10240x128xf32, #tpu.memory_space<hbm>> -> memref<10240x128xf32, #tpu.memory_space<hbm>>
      tpu.wait_indirect_dma semaphore(%arg12 : memref<!tpu.dma_semaphore, #tpu.memory_space<semaphore_mem>>) src(%dma_wait3A_343 : memref<10240x128xf32, #tpu.memory_space<hbm>>) dst(%dma_wait3A_337 : memref<64x128xf32, #tpu.memory_space<vmem>>)
      %dma_start3A_344 = arith.constant 2 : i32
      %dma_start3A_345 = arith.constant 0 : i32
      %dma_start3A_346 = arith.constant 0 : i32
      %dma_start3A_347 = tpu.memref_slice %arg8[%dma_start3A_344, %dma_start3A_345, %dma_start3A_346] : memref<4x64x128xf32, #tpu.memory_space<vmem>> -> memref<1x64x128xf32, #tpu.memory_space<vmem>>
      %dma_start3A_348 = tpu.memref_squeeze %dma_start3A_347 : memref<1x64x128xf32, #tpu.memory_space<vmem>> -> memref<64x128xf32, #tpu.memory_space<vmem>>
      %dma_start3A_349 = arith.constant 0 : i32
      %dma_start3A_350 = tpu.memref_slice %arg7[%add3A_331, %dma_start3A_349] : memref<40x64xi32, #tpu.memory_space<vmem>> -> memref<1x64xi32, #tpu.memory_space<vmem>>
      %dma_start3A_351 = tpu.memref_squeeze %dma_start3A_350 : memref<1x64xi32, #tpu.memory_space<vmem>> -> memref<64xi32, #tpu.memory_space<vmem>>
      %dma_start3A_352 = arith.constant 0 : i32
      %dma_start3A_353 = arith.constant 0 : i32
      %dma_start3A_354 = tpu.memref_slice %arg9[%dma_start3A_352, %dma_start3A_353] : memref<10240x128xf32, #tpu.memory_space<vmem_shared>> -> memref<10240x128xf32, #tpu.memory_space<vmem_shared>>
      tpu.enqueue_indirect_dma source(%dma_start3A_348 : memref<64x128xf32, #tpu.memory_space<vmem>>) target(%dma_start3A_354 : memref<10240x128xf32, #tpu.memory_space<vmem_shared>>) offsets(%dma_start3A_351 : memref<64xi32, #tpu.memory_space<vmem>>) semaphore(%arg16 : memref<!tpu.dma_semaphore, #tpu.memory_space<semaphore_mem>>) {add = true}
      %dma_wait3A_355 = arith.constant 2 : i32
      %dma_wait3A_356 = arith.constant 2 : i32
      %dma_wait3A_357 = arith.constant 0 : i32
      %dma_wait3A_358 = arith.constant 0 : i32
      %dma_wait3A_359 = tpu.memref_slice %arg8[%dma_wait3A_355, %dma_wait3A_357, %dma_wait3A_358] : memref<4x64x128xf32, #tpu.memory_space<vmem>> -> memref<1x64x128xf32, #tpu.memory_space<vmem>>
      %dma_wait3A_360 = tpu.memref_squeeze %dma_wait3A_359 : memref<1x64x128xf32, #tpu.memory_space<vmem>> -> memref<64x128xf32, #tpu.memory_space<vmem>>
      %dma_wait3A_361 = arith.constant 0 : i32
      %dma_wait3A_362 = tpu.memref_slice %arg7[%dma_wait3A_356, %dma_wait3A_361] : memref<40x64xi32, #tpu.memory_space<vmem>> -> memref<1x64xi32, #tpu.memory_space<vmem>>
      %dma_wait3A_363 = tpu.memref_squeeze %dma_wait3A_362 : memref<1x64xi32, #tpu.memory_space<vmem>> -> memref<64xi32, #tpu.memory_space<vmem>>
      %dma_wait3A_364 = arith.constant 0 : i32
      %dma_wait3A_365 = arith.constant 0 : i32
      %dma_wait3A_366 = tpu.memref_slice %arg9[%dma_wait3A_364, %dma_wait3A_365] : memref<10240x128xf32, #tpu.memory_space<vmem_shared>> -> memref<10240x128xf32, #tpu.memory_space<vmem_shared>>
      tpu.wait_indirect_dma semaphore(%arg16 : memref<!tpu.dma_semaphore, #tpu.memory_space<semaphore_mem>>) src(%dma_wait3A_360 : memref<64x128xf32, #tpu.memory_space<vmem>>) dst(%dma_wait3A_366 : memref<10240x128xf32, #tpu.memory_space<vmem_shared>>)
      %lt3A_367 = arith.constant 9 : i32
      %lt3A_368 = arith.cmpi slt, %scan3A_242, %lt3A_367 : i32
      %convert_element_type3A_369 = arith.extui %lt3A_368 : i1 to i32
      %cond3A_370 = arith.constant 0 : i32
      %cond3A_371 = arith.cmpi ne, %convert_element_type3A_369, %cond3A_370 : i32
      scf.if %cond3A_371 {
        %add3A_417 = arith.constant 4 : i32
        %add3A_418 = arith.addi %add3A_331, %add3A_417 : i32
        %dma_start3A_419 = arith.constant 2 : i32
        %dma_start3A_420 = arith.constant 0 : i32
        %dma_start3A_421 = arith.constant 0 : i32
        %dma_start3A_422 = tpu.memref_slice %arg8[%dma_start3A_419, %dma_start3A_420, %dma_start3A_421] : memref<4x64x128xf32, #tpu.memory_space<vmem>> -> memref<1x64x128xf32, #tpu.memory_space<vmem>>
        %dma_start3A_423 = tpu.memref_squeeze %dma_start3A_422 : memref<1x64x128xf32, #tpu.memory_space<vmem>> -> memref<64x128xf32, #tpu.memory_space<vmem>>
        %dma_start3A_424 = arith.constant 0 : i32
        %dma_start3A_425 = tpu.memref_slice %arg6[%add3A_418, %dma_start3A_424] : memref<40x64xi32, #tpu.memory_space<vmem>> -> memref<1x64xi32, #tpu.memory_space<vmem>>
        %dma_start3A_426 = tpu.memref_squeeze %dma_start3A_425 : memref<1x64xi32, #tpu.memory_space<vmem>> -> memref<64xi32, #tpu.memory_space<vmem>>
        %dma_start3A_427 = arith.constant 0 : i32
        %dma_start3A_428 = arith.constant 0 : i32
        %dma_start3A_429 = tpu.memref_slice %arg4[%dma_start3A_427, %dma_start3A_428] : memref<10240x128xf32, #tpu.memory_space<hbm>> -> memref<10240x128xf32, #tpu.memory_space<hbm>>
        tpu.enqueue_indirect_dma source(%dma_start3A_429 : memref<10240x128xf32, #tpu.memory_space<hbm>>) target(%dma_start3A_423 : memref<64x128xf32, #tpu.memory_space<vmem>>) offsets(%dma_start3A_426 : memref<64xi32, #tpu.memory_space<vmem>>) semaphore(%arg12 : memref<!tpu.dma_semaphore, #tpu.memory_space<semaphore_mem>>)
      } else {
      }
      %mul3A_372 = arith.constant 4 : i32
      %mul3A_373 = arith.muli %scan3A_242, %mul3A_372 : i32
      %add3A_374 = arith.constant 3 : i32
      %add3A_375 = arith.addi %mul3A_373, %add3A_374 : i32
      %dma_wait3A_376 = arith.constant 3 : i32
      %dma_wait3A_377 = arith.constant 3 : i32
      %dma_wait3A_378 = arith.constant 0 : i32
      %dma_wait3A_379 = arith.constant 0 : i32
      %dma_wait3A_380 = tpu.memref_slice %arg8[%dma_wait3A_377, %dma_wait3A_378, %dma_wait3A_379] : memref<4x64x128xf32, #tpu.memory_space<vmem>> -> memref<1x64x128xf32, #tpu.memory_space<vmem>>
      %dma_wait3A_381 = tpu.memref_squeeze %dma_wait3A_380 : memref<1x64x128xf32, #tpu.memory_space<vmem>> -> memref<64x128xf32, #tpu.memory_space<vmem>>
      %dma_wait3A_382 = arith.constant 0 : i32
      %dma_wait3A_383 = tpu.memref_slice %arg6[%dma_wait3A_376, %dma_wait3A_382] : memref<40x64xi32, #tpu.memory_space<vmem>> -> memref<1x64xi32, #tpu.memory_space<vmem>>
      %dma_wait3A_384 = tpu.memref_squeeze %dma_wait3A_383 : memref<1x64xi32, #tpu.memory_space<vmem>> -> memref<64xi32, #tpu.memory_space<vmem>>
      %dma_wait3A_385 = arith.constant 0 : i32
      %dma_wait3A_386 = arith.constant 0 : i32
      %dma_wait3A_387 = tpu.memref_slice %arg4[%dma_wait3A_385, %dma_wait3A_386] : memref<10240x128xf32, #tpu.memory_space<hbm>> -> memref<10240x128xf32, #tpu.memory_space<hbm>>
      tpu.wait_indirect_dma semaphore(%arg13 : memref<!tpu.dma_semaphore, #tpu.memory_space<semaphore_mem>>) src(%dma_wait3A_387 : memref<10240x128xf32, #tpu.memory_space<hbm>>) dst(%dma_wait3A_381 : memref<64x128xf32, #tpu.memory_space<vmem>>)
      %dma_start3A_388 = arith.constant 3 : i32
      %dma_start3A_389 = arith.constant 0 : i32
      %dma_start3A_390 = arith.constant 0 : i32
      %dma_start3A_391 = tpu.memref_slice %arg8[%dma_start3A_388, %dma_start3A_389, %dma_start3A_390] : memref<4x64x128xf32, #tpu.memory_space<vmem>> -> memref<1x64x128xf32, #tpu.memory_space<vmem>>
      %dma_start3A_392 = tpu.memref_squeeze %dma_start3A_391 : memref<1x64x128xf32, #tpu.memory_space<vmem>> -> memref<64x128xf32, #tpu.memory_space<vmem>>
      %dma_start3A_393 = arith.constant 0 : i32
      %dma_start3A_394 = tpu.memref_slice %arg7[%add3A_375, %dma_start3A_393] : memref<40x64xi32, #tpu.memory_space<vmem>> -> memref<1x64xi32, #tpu.memory_space<vmem>>
      %dma_start3A_395 = tpu.memref_squeeze %dma_start3A_394 : memref<1x64xi32, #tpu.memory_space<vmem>> -> memref<64xi32, #tpu.memory_space<vmem>>
      %dma_start3A_396 = arith.constant 0 : i32
      %dma_start3A_397 = arith.constant 0 : i32
      %dma_start3A_398 = tpu.memref_slice %arg9[%dma_start3A_396, %dma_start3A_397] : memref<10240x128xf32, #tpu.memory_space<vmem_shared>> -> memref<10240x128xf32, #tpu.memory_space<vmem_shared>>
      tpu.enqueue_indirect_dma source(%dma_start3A_392 : memref<64x128xf32, #tpu.memory_space<vmem>>) target(%dma_start3A_398 : memref<10240x128xf32, #tpu.memory_space<vmem_shared>>) offsets(%dma_start3A_395 : memref<64xi32, #tpu.memory_space<vmem>>) semaphore(%arg17 : memref<!tpu.dma_semaphore, #tpu.memory_space<semaphore_mem>>) {add = true}
      %dma_wait3A_399 = arith.constant 3 : i32
      %dma_wait3A_400 = arith.constant 3 : i32
      %dma_wait3A_401 = arith.constant 0 : i32
      %dma_wait3A_402 = arith.constant 0 : i32
      %dma_wait3A_403 = tpu.memref_slice %arg8[%dma_wait3A_399, %dma_wait3A_401, %dma_wait3A_402] : memref<4x64x128xf32, #tpu.memory_space<vmem>> -> memref<1x64x128xf32, #tpu.memory_space<vmem>>
      %dma_wait3A_404 = tpu.memref_squeeze %dma_wait3A_403 : memref<1x64x128xf32, #tpu.memory_space<vmem>> -> memref<64x128xf32, #tpu.memory_space<vmem>>
      %dma_wait3A_405 = arith.constant 0 : i32
      %dma_wait3A_406 = tpu.memref_slice %arg7[%dma_wait3A_400, %dma_wait3A_405] : memref<40x64xi32, #tpu.memory_space<vmem>> -> memref<1x64xi32, #tpu.memory_space<vmem>>
      %dma_wait3A_407 = tpu.memref_squeeze %dma_wait3A_406 : memref<1x64xi32, #tpu.memory_space<vmem>> -> memref<64xi32, #tpu.memory_space<vmem>>
      %dma_wait3A_408 = arith.constant 0 : i32
      %dma_wait3A_409 = arith.constant 0 : i32
      %dma_wait3A_410 = tpu.memref_slice %arg9[%dma_wait3A_408, %dma_wait3A_409] : memref<10240x128xf32, #tpu.memory_space<vmem_shared>> -> memref<10240x128xf32, #tpu.memory_space<vmem_shared>>
      tpu.wait_indirect_dma semaphore(%arg17 : memref<!tpu.dma_semaphore, #tpu.memory_space<semaphore_mem>>) src(%dma_wait3A_404 : memref<64x128xf32, #tpu.memory_space<vmem>>) dst(%dma_wait3A_410 : memref<10240x128xf32, #tpu.memory_space<vmem_shared>>)
      %lt3A_411 = arith.constant 9 : i32
      %lt3A_412 = arith.cmpi slt, %scan3A_242, %lt3A_411 : i32
      %convert_element_type3A_413 = arith.extui %lt3A_412 : i1 to i32
      %cond3A_414 = arith.constant 0 : i32
      %cond3A_415 = arith.cmpi ne, %convert_element_type3A_413, %cond3A_414 : i32
      scf.if %cond3A_415 {
        %add3A_417 = arith.constant 4 : i32
        %add3A_418 = arith.addi %add3A_375, %add3A_417 : i32
        %dma_start3A_419 = arith.constant 3 : i32
        %dma_start3A_420 = arith.constant 0 : i32
        %dma_start3A_421 = arith.constant 0 : i32
        %dma_start3A_422 = tpu.memref_slice %arg8[%dma_start3A_419, %dma_start3A_420, %dma_start3A_421] : memref<4x64x128xf32, #tpu.memory_space<vmem>> -> memref<1x64x128xf32, #tpu.memory_space<vmem>>
        %dma_start3A_423 = tpu.memref_squeeze %dma_start3A_422 : memref<1x64x128xf32, #tpu.memory_space<vmem>> -> memref<64x128xf32, #tpu.memory_space<vmem>>
        %dma_start3A_424 = arith.constant 0 : i32
        %dma_start3A_425 = tpu.memref_slice %arg6[%add3A_418, %dma_start3A_424] : memref<40x64xi32, #tpu.memory_space<vmem>> -> memref<1x64xi32, #tpu.memory_space<vmem>>
        %dma_start3A_426 = tpu.memref_squeeze %dma_start3A_425 : memref<1x64xi32, #tpu.memory_space<vmem>> -> memref<64xi32, #tpu.memory_space<vmem>>
        %dma_start3A_427 = arith.constant 0 : i32
        %dma_start3A_428 = arith.constant 0 : i32
        %dma_start3A_429 = tpu.memref_slice %arg4[%dma_start3A_427, %dma_start3A_428] : memref<10240x128xf32, #tpu.memory_space<hbm>> -> memref<10240x128xf32, #tpu.memory_space<hbm>>
        tpu.enqueue_indirect_dma source(%dma_start3A_429 : memref<10240x128xf32, #tpu.memory_space<hbm>>) target(%dma_start3A_423 : memref<64x128xf32, #tpu.memory_space<vmem>>) offsets(%dma_start3A_426 : memref<64xi32, #tpu.memory_space<vmem>>) semaphore(%arg13 : memref<!tpu.dma_semaphore, #tpu.memory_space<semaphore_mem>>)
      } else {
      }
      %scan3A_416 = arith.constant 0 : i32
      scf.yield %scan3A_416 : i32
    }
    %scan3A_233 = arith.constant 10 : i32
    %barrier3A_234 = arith.constant 0 : index
    tpu.barrier barrier_id(%barrier3A_234)
    %scan3A_235 = arith.constant 0 : i32
    %scan3A_236 = arith.constant 0 : i32
    %scan3A_237 = arith.constant 10 : i32
    %scan3A_238 = arith.addi %scan3A_236, %scan3A_237 : i32
    %scan3A_239 = arith.constant 1 : i32
    %scan3A_240 = scf.for %scan3A_242 = %scan3A_236 to %scan3A_238 step %scan3A_239 iter_args(%scan3A_243 = %scan3A_235) -> (i32)  : i32 {
      %mul3A_244 = arith.constant 640 : i32
      %mul3A_245 = arith.muli %arg1, %mul3A_244 : i32
      %mul3A_246 = arith.constant 64 : i32
      %mul3A_247 = arith.muli %scan3A_242, %mul3A_246 : i32
      %add3A_248 = arith.addi %mul3A_245, %mul3A_247 : i32
      %run_scoped3A = arith.constant 0 : i32
      "tpu.region"() ({
        %run_scoped3A_254 = tpu.sem_alloc : memref<!tpu.dma_semaphore, #tpu.memory_space<semaphore_mem>>
        %dma_start3A_255 = arith.constant 0 : i32
        %dma_start3A_256 = arith.constant 0 : i32
        %dma_start3A_257 = tpu.memref_slice %arg8[%run_scoped3A, %dma_start3A_255, %dma_start3A_256] : memref<4x64x128xf32, #tpu.memory_space<vmem>> -> memref<1x64x128xf32, #tpu.memory_space<vmem>>
        %dma_start3A_258 = tpu.memref_squeeze %dma_start3A_257 : memref<1x64x128xf32, #tpu.memory_space<vmem>> -> memref<64x128xf32, #tpu.memory_space<vmem>>
        %dma_start3A_259 = arith.constant 0 : i32
        %dma_start3A_260 = tpu.memref_slice %arg9[%add3A_248, %dma_start3A_259] : memref<10240x128xf32, #tpu.memory_space<vmem_shared>> -> memref<64x128xf32, #tpu.memory_space<vmem_shared>>
        %dma_start3A_261 = arith.constant 0 : i32
        %dma_start3A_262 = arith.constant 0 : i32
        %dma_start3A_263 = tpu.memref_slice %arg8[%run_scoped3A, %dma_start3A_261, %dma_start3A_262] : memref<4x64x128xf32, #tpu.memory_space<vmem>> -> memref<1x64x128xf32, #tpu.memory_space<vmem>>
        %dma_start3A_264 = tpu.memref_squeeze %dma_start3A_263 : memref<1x64x128xf32, #tpu.memory_space<vmem>> -> memref<64x128xf32, #tpu.memory_space<vmem>>
        %dma_start3A_265 = arith.constant 0 : i32
        %dma_start3A_266 = tpu.memref_slice %arg9[%add3A_248, %dma_start3A_265] : memref<10240x128xf32, #tpu.memory_space<vmem_shared>> -> memref<64x128xf32, #tpu.memory_space<vmem_shared>>
        tpu.enqueue_dma source(%dma_start3A_266 : memref<64x128xf32, #tpu.memory_space<vmem_shared>>) target(%dma_start3A_264 : memref<64x128xf32, #tpu.memory_space<vmem>>) target_semaphore(%run_scoped3A_254 : memref<!tpu.dma_semaphore, #tpu.memory_space<semaphore_mem>>)
        %dma_wait3A = arith.constant 0 : i32
        %dma_wait3A_267 = arith.constant 0 : i32
        %dma_wait3A_268 = tpu.memref_slice %arg8[%run_scoped3A, %dma_wait3A, %dma_wait3A_267] : memref<4x64x128xf32, #tpu.memory_space<vmem>> -> memref<1x64x128xf32, #tpu.memory_space<vmem>>
        %dma_wait3A_269 = tpu.memref_squeeze %dma_wait3A_268 : memref<1x64x128xf32, #tpu.memory_space<vmem>> -> memref<64x128xf32, #tpu.memory_space<vmem>>
        %dma_wait3A_270 = arith.constant 0 : i32
        %dma_wait3A_271 = tpu.memref_slice %arg9[%add3A_248, %dma_wait3A_270] : memref<10240x128xf32, #tpu.memory_space<vmem_shared>> -> memref<64x128xf32, #tpu.memory_space<vmem_shared>>
        %dma_wait3A_272 = arith.constant 0 : i32
        %dma_wait3A_273 = arith.constant 0 : i32
        %dma_wait3A_274 = tpu.memref_slice %arg8[%run_scoped3A, %dma_wait3A_272, %dma_wait3A_273] : memref<4x64x128xf32, #tpu.memory_space<vmem>> -> memref<1x64x128xf32, #tpu.memory_space<vmem>>
        %dma_wait3A_275 = tpu.memref_squeeze %dma_wait3A_274 : memref<1x64x128xf32, #tpu.memory_space<vmem>> -> memref<64x128xf32, #tpu.memory_space<vmem>>
        %dma_wait3A_276 = arith.constant 0 : i32
        %dma_wait3A_277 = tpu.memref_slice %arg9[%add3A_248, %dma_wait3A_276] : memref<10240x128xf32, #tpu.memory_space<vmem_shared>> -> memref<64x128xf32, #tpu.memory_space<vmem_shared>>
        tpu.wait_dma2 semaphore(%run_scoped3A_254 : memref<!tpu.dma_semaphore, #tpu.memory_space<semaphore_mem>>) src(%dma_wait3A_277 : memref<64x128xf32, #tpu.memory_space<vmem_shared>>) dst(%dma_wait3A_275 : memref<64x128xf32, #tpu.memory_space<vmem>>)
        tpu.yield
      }) : () -> ()
      %mul3A_249 = arith.constant 10240 : i32
      %mul3A_250 = arith.muli %arg0, %mul3A_249 : i32
      %add3A_251 = arith.addi %mul3A_250, %add3A_248 : i32
      %run_scoped3A_252 = arith.constant 0 : i32
      "tpu.region"() ({
        %run_scoped3A_254 = tpu.sem_alloc : memref<!tpu.dma_semaphore, #tpu.memory_space<semaphore_mem>>
        %dma_start3A_255 = arith.constant 0 : i32
        %dma_start3A_256 = arith.constant 0 : i32
        %dma_start3A_257 = tpu.memref_slice %arg8[%run_scoped3A_252, %dma_start3A_255, %dma_start3A_256] : memref<4x64x128xf32, #tpu.memory_space<vmem>> -> memref<1x64x128xf32, #tpu.memory_space<vmem>>
        %dma_start3A_258 = tpu.memref_squeeze %dma_start3A_257 : memref<1x64x128xf32, #tpu.memory_space<vmem>> -> memref<64x128xf32, #tpu.memory_space<vmem>>
        %dma_start3A_259 = arith.constant 0 : i32
        %dma_start3A_260 = tpu.memref_slice %arg5[%add3A_251, %dma_start3A_259] : memref<20480x128xf32, #tpu.memory_space<hbm>> -> memref<64x128xf32, #tpu.memory_space<hbm>>
        %dma_start3A_261 = arith.constant 0 : i32
        %dma_start3A_262 = tpu.memref_slice %arg5[%add3A_251, %dma_start3A_261] : memref<20480x128xf32, #tpu.memory_space<hbm>> -> memref<64x128xf32, #tpu.memory_space<hbm>>
        %dma_start3A_263 = arith.constant 0 : i32
        %dma_start3A_264 = arith.constant 0 : i32
        %dma_start3A_265 = tpu.memref_slice %arg8[%run_scoped3A_252, %dma_start3A_263, %dma_start3A_264] : memref<4x64x128xf32, #tpu.memory_space<vmem>> -> memref<1x64x128xf32, #tpu.memory_space<vmem>>
        %dma_start3A_266 = tpu.memref_squeeze %dma_start3A_265 : memref<1x64x128xf32, #tpu.memory_space<vmem>> -> memref<64x128xf32, #tpu.memory_space<vmem>>
        tpu.enqueue_dma source(%dma_start3A_266 : memref<64x128xf32, #tpu.memory_space<vmem>>) target(%dma_start3A_262 : memref<64x128xf32, #tpu.memory_space<hbm>>) target_semaphore(%run_scoped3A_254 : memref<!tpu.dma_semaphore, #tpu.memory_space<semaphore_mem>>)
        %dma_wait3A = arith.constant 0 : i32
        %dma_wait3A_267 = arith.constant 0 : i32
        %dma_wait3A_268 = tpu.memref_slice %arg8[%run_scoped3A_252, %dma_wait3A, %dma_wait3A_267] : memref<4x64x128xf32, #tpu.memory_space<vmem>> -> memref<1x64x128xf32, #tpu.memory_space<vmem>>
        %dma_wait3A_269 = tpu.memref_squeeze %dma_wait3A_268 : memref<1x64x128xf32, #tpu.memory_space<vmem>> -> memref<64x128xf32, #tpu.memory_space<vmem>>
        %dma_wait3A_270 = arith.constant 0 : i32
        %dma_wait3A_271 = tpu.memref_slice %arg5[%add3A_251, %dma_wait3A_270] : memref<20480x128xf32, #tpu.memory_space<hbm>> -> memref<64x128xf32, #tpu.memory_space<hbm>>
        %dma_wait3A_272 = arith.constant 0 : i32
        %dma_wait3A_273 = tpu.memref_slice %arg5[%add3A_251, %dma_wait3A_272] : memref<20480x128xf32, #tpu.memory_space<hbm>> -> memref<64x128xf32, #tpu.memory_space<hbm>>
        %dma_wait3A_274 = arith.constant 0 : i32
        %dma_wait3A_275 = arith.constant 0 : i32
        %dma_wait3A_276 = tpu.memref_slice %arg8[%run_scoped3A_252, %dma_wait3A_274, %dma_wait3A_275] : memref<4x64x128xf32, #tpu.memory_space<vmem>> -> memref<1x64x128xf32, #tpu.memory_space<vmem>>
        %dma_wait3A_277 = tpu.memref_squeeze %dma_wait3A_276 : memref<1x64x128xf32, #tpu.memory_space<vmem>> -> memref<64x128xf32, #tpu.memory_space<vmem>>
        tpu.wait_dma2 semaphore(%run_scoped3A_254 : memref<!tpu.dma_semaphore, #tpu.memory_space<semaphore_mem>>) src(%dma_wait3A_277 : memref<64x128xf32, #tpu.memory_space<vmem>>) dst(%dma_wait3A_273 : memref<64x128xf32, #tpu.memory_space<hbm>>)
        tpu.yield
      }) : () -> ()
      %scan3A_253 = arith.constant 0 : i32
      scf.yield %scan3A_253 : i32
    }
    %scan3A_241 = arith.constant 10 : i32
    return
  }
}

module attributes {stable_mosaic.version = 14 : i64} {
  func.func @_dense_body(%arg0: memref<10000x128xf32, #tpu.memory_space<vmem>>, %arg1: memref<128x128xf32, #tpu.memory_space<vmem>>, %arg2: memref<32x10240xf32, #tpu.memory_space<vmem>>, %arg3: memref<10240x128xf32, #tpu.memory_space<vmem>>) attributes {dimension_semantics = [], scalar_prefetch = 0 : i64, scratch_operands = 0 : i64, tpu.core_type = #tpu.core_type<tc>} {
    %get3A = arith.constant 0 : index
    %get3A_0 = arith.constant 0 : index
    %get3A_1 = vector.load %arg2[%get3A, %get3A_0] : memref<32x10240xf32, #tpu.memory_space<vmem>>, vector<32x10240xf32>
    %reduce_sum3A = arith.constant dense<0.000000e+00> : vector<10240xf32>
    %reduce_sum3A_2 = vector.multi_reduction <add>, %get3A_1, %reduce_sum3A [0] : vector<32x10240xf32> to vector<10240xf32>
    %slice3A = vector.extract_strided_slice %reduce_sum3A_2 {offsets = [0], sizes = [10000], strides = [1]} : vector<10240xf32> to vector<10000xf32>
    %add3A = arith.constant 1.000000e+00 : f32
    %add3A_3 = vector.broadcast %add3A : f32 to vector<10000xf32>
    %add3A_4 = arith.addf %slice3A, %add3A_3 : vector<10000xf32>
    %rsqrt3A = math.rsqrt %add3A_4 : vector<10000xf32>
    %get3A_5 = arith.constant 0 : index
    %get3A_6 = arith.constant 0 : index
    %get3A_7 = vector.load %arg0[%get3A_5, %get3A_6] : memref<10000x128xf32, #tpu.memory_space<vmem>>, vector<10000x128xf32>
    %get3A_8 = arith.constant 0 : index
    %get3A_9 = arith.constant 0 : index
    %get3A_10 = vector.load %arg1[%get3A_8, %get3A_9] : memref<128x128xf32, #tpu.memory_space<vmem>>, vector<128x128xf32>
    %dot_general3A = arith.constant dense<0.000000e+00> : vector<10000x128xf32>
    %dot_general3A_11 = tpu.matmul %get3A_7, %get3A_10, %dot_general3A {dimension_numbers = #tpu.dot_dimension_numbers<[1], [0], [0], [1], [0, 0, 1, 1], [], []>, transpose_lhs_hint = false} : vector<10000x128xf32>, vector<128x128xf32>, vector<10000x128xf32> -> vector<10000x128xf32>
    %broadcast_in_dim3A = vector.shape_cast %rsqrt3A : vector<10000xf32> to vector<10000x1xf32>
    %mul3A = vector.broadcast %broadcast_in_dim3A : vector<10000x1xf32> to vector<10000x128xf32>
    %mul3A_12 = arith.mulf %dot_general3A_11, %mul3A : vector<10000x128xf32>
    %swap3A = arith.constant 0 : index
    %swap3A_13 = arith.constant 0 : index
    %swap3A_14 = vector.load %arg3[%swap3A, %swap3A_13] : memref<10240x128xf32, #tpu.memory_space<vmem>>, vector<10000x128xf32>
    tpu.vector_store %arg3[%swap3A, %swap3A_13], %mul3A_12 {strides = array<i32>} : memref<10240x128xf32, #tpu.memory_space<vmem>>, vector<10000x128xf32>,
    %broadcast_in_dim3A_15 = arith.constant 0.000000e+00 : f32
    %broadcast_in_dim3A_16 = vector.broadcast %broadcast_in_dim3A_15 : f32 to vector<240x128xf32>
    %swap3A_17 = arith.constant 10000 : index
    %swap3A_18 = arith.constant 0 : index
    %swap3A_19 = vector.load %arg3[%swap3A_17, %swap3A_18] : memref<10240x128xf32, #tpu.memory_space<vmem>>, vector<240x128xf32>
    tpu.vector_store %arg3[%swap3A_17, %swap3A_18], %broadcast_in_dim3A_16 {strides = array<i32>} : memref<10240x128xf32, #tpu.memory_space<vmem>>, vector<240x128xf32>,
    return
  }
}

module attributes {stable_mosaic.version = 14 : i64} {
  func.func @_final_body(%arg0: memref<20480x128xf32, #tpu.memory_space<vmem>>, %arg1: memref<10240x128xf32, #tpu.memory_space<vmem>>, %arg2: memref<32x10240xf32, #tpu.memory_space<vmem>>, %arg3: memref<128xf32, #tpu.memory_space<vmem>>, %arg4: memref<10000x128xf32, #tpu.memory_space<vmem>>) attributes {dimension_semantics = [], scalar_prefetch = 0 : i64, scratch_operands = 0 : i64, tpu.core_type = #tpu.core_type<tc>} {
    %get3A = arith.constant 0 : index
    %get3A_0 = arith.constant 0 : index
    %get3A_1 = vector.load %arg2[%get3A, %get3A_0] : memref<32x10240xf32, #tpu.memory_space<vmem>>, vector<32x10240xf32>
    %reduce_sum3A = arith.constant dense<0.000000e+00> : vector<10240xf32>
    %reduce_sum3A_2 = vector.multi_reduction <add>, %get3A_1, %reduce_sum3A [0] : vector<32x10240xf32> to vector<10240xf32>
    %slice3A = vector.extract_strided_slice %reduce_sum3A_2 {offsets = [0], sizes = [10000], strides = [1]} : vector<10240xf32> to vector<10000xf32>
    %add3A = arith.constant 1.000000e+00 : f32
    %add3A_3 = vector.broadcast %add3A : f32 to vector<10000xf32>
    %add3A_4 = arith.addf %slice3A, %add3A_3 : vector<10000xf32>
    %rsqrt3A = math.rsqrt %add3A_4 : vector<10000xf32>
    %get3A_5 = arith.constant 0 : index
    %get3A_6 = arith.constant 0 : index
    %get3A_7 = vector.load %arg0[%get3A_5, %get3A_6] : memref<20480x128xf32, #tpu.memory_space<vmem>>, vector<10000x128xf32>
    %get3A_8 = arith.constant 10240 : index
    %get3A_9 = arith.constant 0 : index
    %get3A_10 = vector.load %arg0[%get3A_8, %get3A_9] : memref<20480x128xf32, #tpu.memory_space<vmem>>, vector<10000x128xf32>
    %add3A_11 = arith.addf %get3A_7, %get3A_10 : vector<10000x128xf32>
    %get3A_12 = arith.constant 0 : index
    %get3A_13 = arith.constant 0 : index
    %get3A_14 = vector.load %arg1[%get3A_12, %get3A_13] : memref<10240x128xf32, #tpu.memory_space<vmem>>, vector<10000x128xf32>
    %add3A_15 = arith.addf %add3A_11, %get3A_14 : vector<10000x128xf32>
    %broadcast_in_dim3A = vector.shape_cast %rsqrt3A : vector<10000xf32> to vector<10000x1xf32>
    %mul3A = vector.broadcast %broadcast_in_dim3A : vector<10000x1xf32> to vector<10000x128xf32>
    %mul3A_16 = arith.mulf %add3A_15, %mul3A : vector<10000x128xf32>
    %get3A_17 = arith.constant 0 : index
    %get3A_18 = vector.load %arg3[%get3A_17] : memref<128xf32, #tpu.memory_space<vmem>>, vector<128xf32>
    %broadcast_in_dim3A_19 = vector.shape_cast %get3A_18 : vector<128xf32> to vector<1x128xf32>
    %add3A_20 = vector.broadcast %broadcast_in_dim3A_19 : vector<1x128xf32> to vector<10000x128xf32>
    %add3A_21 = arith.addf %mul3A_16, %add3A_20 : vector<10000x128xf32>
    %mul3A_22 = arith.mulf %add3A_21, %add3A_21 : vector<10000x128xf32>
    %reduce_sum3A_23 = arith.constant dense<0.000000e+00> : vector<10000xf32>
    %reduce_sum3A_24 = vector.multi_reduction <add>, %mul3A_22, %reduce_sum3A_23 [1] : vector<10000x128xf32> to vector<10000xf32>
    %broadcast_in_dim3A_25 = vector.shape_cast %reduce_sum3A_24 : vector<10000xf32> to vector<10000x1xf32>
    %sqrt3A = math.sqrt %broadcast_in_dim3A_25 : vector<10000x1xf32>
    %max3A = arith.constant 1.000000e-15 : f32
    %max3A_26 = vector.broadcast %max3A : f32 to vector<10000x1xf32>
    %max3A_27 = arith.maximumf %sqrt3A, %max3A_26 : vector<10000x1xf32>
    %tanh3A = math.tanh %max3A_27 : vector<10000x1xf32>
    %mul3A_28 = vector.broadcast %tanh3A : vector<10000x1xf32> to vector<10000x128xf32>
    %mul3A_29 = arith.mulf %mul3A_28, %add3A_21 : vector<10000x128xf32>
    %div3A = vector.broadcast %max3A_27 : vector<10000x1xf32> to vector<10000x128xf32>
    %div3A_30 = arith.divf %mul3A_29, %div3A : vector<10000x128xf32>
    %mul3A_31 = arith.mulf %div3A_30, %div3A_30 : vector<10000x128xf32>
    %reduce_sum3A_32 = arith.constant dense<0.000000e+00> : vector<10000xf32>
    %reduce_sum3A_33 = vector.multi_reduction <add>, %mul3A_31, %reduce_sum3A_32 [1] : vector<10000x128xf32> to vector<10000xf32>
    %broadcast_in_dim3A_34 = vector.shape_cast %reduce_sum3A_33 : vector<10000xf32> to vector<10000x1xf32>
    %sqrt3A_35 = math.sqrt %broadcast_in_dim3A_34 : vector<10000x1xf32>
    %max3A_36 = arith.constant 1.000000e-15 : f32
    %max3A_37 = vector.broadcast %max3A_36 : f32 to vector<10000x1xf32>
    %max3A_38 = arith.maximumf %sqrt3A_35, %max3A_37 : vector<10000x1xf32>
    %gt3A = arith.constant 0.995999991 : f32
    %gt3A_39 = vector.broadcast %gt3A : f32 to vector<10000x1xf32>
    %gt3A_40 = arith.cmpf ogt, %max3A_38, %gt3A_39 : vector<10000x1xf32>
    %div3A_41 = vector.broadcast %max3A_38 : vector<10000x1xf32> to vector<10000x128xf32>
    %div3A_42 = arith.divf %div3A_30, %div3A_41 : vector<10000x128xf32>
    %mul3A_43 = arith.constant 0.995999991 : f32
    %mul3A_44 = vector.broadcast %mul3A_43 : f32 to vector<10000x128xf32>
    %mul3A_45 = arith.mulf %div3A_42, %mul3A_44 : vector<10000x128xf32>
    %broadcast_in_dim3A_46 = vector.shape_cast %gt3A_40 : vector<10000x1xi1> to vector<10000x1xi1>
    %broadcast_in_dim3A_47 = vector.broadcast %broadcast_in_dim3A_46 : vector<10000x1xi1> to vector<10000x128xi1>
    %select_n3A = arith.select %broadcast_in_dim3A_47, %mul3A_45, %div3A_30 : vector<10000x128xi1>, vector<10000x128xf32>
    %swap3A = arith.constant 0 : index
    %swap3A_48 = arith.constant 0 : index
    %swap3A_49 = vector.load %arg4[%swap3A, %swap3A_48] : memref<10000x128xf32, #tpu.memory_space<vmem>>, vector<10000x128xf32>
    tpu.vector_store %arg4[%swap3A, %swap3A_48], %select_n3A {strides = array<i32>} : memref<10000x128xf32, #tpu.memory_space<vmem>>, vector<10000x128xf32>,
    return
  }
}

</mosaic_0001>

<sc_bundles>
// kernel: kernel.6.cloned.1.call-start
scs
__scs_entry_jumppad:
0x0: {  	(pc) =	sbr.rel $0x88, $3  }
0x1: {  	(tag) =	ssettag $0x0;
	lr =	simm.s32 $0x1  }
0x2: {  	[smem:$0x3F9D] =	sst lr;
	_ =	strace $0xD0000000  }
0x3: {  	_ = 	snop  }
0x4: {  	_ = 	snop  }
0x5: {  	_ = 	snop  }
0x6: {  	_ = 	snop  }
0x7: {  	_ = 	snop  }
__scs_overlays_trampoline_lowered:
0x8: {  	[smem:$0x3FAC] =	sst s0  }
0x9: {  	[smem:$0x3FAD] =	sst s1  }
0xa: {  	[smem:$0x3FAE] =	sst s2  }
0xb: {  	[smem:$0x3FAF] =	sst s3  }
0xc: {  	[smem:$0x3FB0] =	sst s4  }
0xd: {  	[smem:$0x3FB1] =	sst s5  }
0xe: {  	[smem:$0x3FB2] =	sst s6  }
0xf: {  	[smem:$0x3FB3] =	sst s7  }
0x10: {  	[smem:$0x3FB4] =	sst s8  }
0x11: {  	[smem:$0x3FB5] =	sst s9;
	s0 =	simm.s32 @!p0 $0x0  }
0x12: {  	s1 =	sld [smem:$0x3F9B];
	s0 =	simm.s32 @p0 $0x1  }
0x13: {  	[smem:$0x3FB6] =	sst s0;
	s0 =	simm.s32 @!p1 $0x0  }
0x14: {  	s2 =	sld [smem:$0x3F9A];
	s0 =	simm.s32 @p1 $0x1  }
0x15: {  	[smem:$0x3FB7] =	sst s0;
	s0 =	simm.s32 @!p2 $0x0  }
0x16: {  	s3 =	sld [smem:$0x3FDB];
	s0 =	simm.s32 @p2 $0x1  }
0x17: {  	s4 =	simm.s32 $0x1BF5;
	[smem:$0x3FB9] =	sst s0  }
0x18: {  	s0 =	sld [smem:$0x3F9C];
	_ =	swait.ge [sflag:s4], $0x0  }
0x19: {  	s7 =	sld [smem:$0x3F9D]  }
0x1a: {  	s8 =	sadd.s32 $0xFFFFE003, lr  }
0x1b: {  	s9 =	sadd.s32 $0xFFFFFEF7, lr;
	s5 =	simm.s32 $0xFFFFFFFF;
	p2 =	slt.u32 s8, $0xFFFFF086  }
0x1c: {  	p1 =	slt.u32 s9, $0xF7A;
	s5 =	simm.s32 @!p2 $0x0  }
0x1d: {  	s5 =	simm.s32 @p1 $0x1;
	p0 =	seq.s32 s7, s2  }
0x1e: {  	s7 =	smul.u32 @!p0 $0xF7A, s2;
	p2 =	seq.s32 @!p0 s5, $0x0  }
0x1f: {  	s9 =	smul.u32 $0xF7A, s1;
	s8 =	simm.s32 @!p0 $0x1BF5;
	p2 =	por !p2, p0  }
0x20: {  	[sflag:s8] =	ssyncset.s32 @!p0 $0xFFFFF086;
	s6 =	sadd.s32 @!p0 s3, s7;
	s7 =	simm.s32 @!p0 $0x108  }
0x21: {  	s3 =	sadd.s32 s3, s9;
	s6 =	sadd.s32 @!p0 $0x88, s6;
	s7 =	simm.s32 @p2 $0x1082  }
0x22: {  	[simem:s7], [sflag:s8] =	dma.local @!p0 [hbm:s6], $0xF7A  }
0x23: {  	s9 =	sor.u32 $0xD0000000, s2;
	s6 =	simm.s32 $0x108;
	_ =	swait.ge @!p0 [sflag:s8], $0x0  }
0x24: {  	s3 =	sadd.s32 $0x88, s3;
	s6 =	simm.s32 @!p1 $0x1082;
	[sflag:s4] =	ssyncset.s32 $0xFFFFF086  }
0x25: {  	[simem:s6], [sflag:s4] =	dma.local [hbm:s3], $0xF7A  }
0x26: {  	[smem:$0x3F9D] =	sst s1;
	(tag) =	ssettag s2;
	_ =	strace s9  }
0x27: {  	s1 =	sld [smem:$0x3FAD]  }
0x28: {  	s2 =	sld [smem:$0x3FAE]  }
0x29: {  	s4 =	sld [smem:$0x3FB0]  }
0x2a: {  	p0 =	seq.s32 s5, $0x0;
	s5 =	sld [smem:$0x3FB1]  }
0x2b: {  	s6 =	sld [smem:$0x3FB2]  }
0x2c: {  	s7 =	sld [smem:$0x3FB3]  }
0x2d: {  	s3 =	simm.s32 $0x108;
	s8 =	sld [smem:$0x3FB4]  }
0x2e: {  	s3 =	simm.s32 @!p0 $0x1082;
	s9 =	sld [smem:$0x3FB5]  }
0x2f: {  	lr =	sadd.s32 s0, s3;
	s0 =	sld [smem:$0x3FAC]  }
0x30: {  	s3 =	sld [smem:$0x3FAF]  }
0x31: {  	[smem:$0x3FB8] =	sst s10  }
0x32: {  	s10 =	sld [smem:$0x3FB6];
	_ =	sdelay $0x3  }
0x33: {  	p0 =	seq.s32 s10, $0x1;
	s10 =	sld [smem:$0x3FB8];
	_ =	sdelay $0x3  }
0x34: {  	[smem:$0x3FB8] =	sst s10  }
0x35: {  	s10 =	sld [smem:$0x3FB7];
	_ =	sdelay $0x3  }
0x36: {  	p1 =	seq.s32 s10, $0x1;
	s10 =	sld [smem:$0x3FB8];
	_ =	sdelay $0x3  }
0x37: {  	[smem:$0x3FB8] =	sst s10  }
0x38: {  	s10 =	sld [smem:$0x3FB9]  }
0x39: {  	_ = 	snop;
	(pc) =	sbr.ind lr, $3  }
0x3a: {  	_ = 	snop  }
0x3b: {  	_ = 	snop  }
0x3c: {  	p2 =	seq.s32 s10, $0x1;
	s10 =	sld [smem:$0x3FB8]  }
0x3d: {  	_ =	shalt  }
0x3e: {  	_ =	shalt  }
0x3f: {  	_ =	shalt  }
0x40: {  	_ =	shalt  }
0x41: {  	_ =	shalt  }
0x42: {  	_ =	shalt  }
0x43: {  	_ =	shalt  }
0x44: {  	_ =	shalt  }
0x45: {  	_ =	shalt  }
0x46: {  	_ =	shalt  }
0x47: {  	_ =	shalt  }
0x48: {  	_ =	shalt  }
0x49: {  	_ =	shalt  }
0x4a: {  	_ =	shalt  }
0x4b: {  	_ =	shalt  }
0x4c: {  	_ =	shalt  }
0x4d: {  	_ =	shalt  }
0x4e: {  	_ =	shalt  }
0x4f: {  	_ =	shalt  }
0x50: {  	_ =	shalt  }
0x51: {  	_ =	shalt  }
0x52: {  	_ =	shalt  }
0x53: {  	_ =	shalt  }
0x54: {  	_ =	shalt  }
0x55: {  	_ =	shalt  }
0x56: {  	_ =	shalt  }
0x57: {  	_ =	shalt  }
0x58: {  	_ =	shalt  }
0x59: {  	_ =	shalt  }
0x5a: {  	_ =	shalt  }
0x5b: {  	_ =	shalt  }
0x5c: {  	_ =	shalt  }
0x5d: {  	_ =	shalt  }
0x5e: {  	_ =	shalt  }
0x5f: {  	_ =	shalt  }
0x60: {  	_ =	shalt  }
0x61: {  	_ =	shalt  }
0x62: {  	_ =	shalt  }
0x63: {  	_ =	shalt  }
0x64: {  	_ =	shalt  }
0x65: {  	_ =	shalt  }
0x66: {  	_ =	shalt  }
0x67: {  	_ =	shalt  }
0x68: {  	_ =	shalt  }
0x69: {  	_ =	shalt  }
0x6a: {  	_ =	shalt  }
0x6b: {  	_ =	shalt  }
0x6c: {  	_ =	shalt  }
0x6d: {  	_ =	shalt  }
0x6e: {  	_ =	shalt  }
0x6f: {  	_ =	shalt  }
0x70: {  	_ =	shalt  }
0x71: {  	_ =	shalt  }
0x72: {  	_ =	shalt  }
0x73: {  	_ =	shalt  }
0x74: {  	_ =	shalt  }
0x75: {  	_ =	shalt  }
0x76: {  	_ =	shalt  }
0x77: {  	_ =	shalt  }
0x78: {  	_ =	shalt  }
0x79: {  	_ =	shalt  }
0x7a: {  	_ =	shalt  }
0x7b: {  	_ =	shalt  }
0x7c: {  	_ =	shalt  }
0x7d: {  	_ =	shalt  }
0x7e: {  	_ =	shalt  }
0x7f: {  	_ =	shalt  }
0x80: {  	_ =	shalt  }
0x81: {  	_ =	shalt  }
0x82: {  	_ =	shalt  }
0x83: {  	_ =	shalt  }
0x84: {  	_ =	shalt  }
0x85: {  	_ =	shalt  }
0x86: {  	_ =	shalt  }
0x87: {  	_ =	shalt  }
.Lfunc_end0:
.L_simem_size_0:
called_computation_lowered:
.L_overlay_start_0:
0x88: {  	s2 =	sld [smem:$0x3FD9]  }
0x89: {  	s3 =	sld [smem:$0x3FFE];
	_ =	sdelay $0x1  }
0x8a: {  	s1 =	srdreg.scid  }
0x8b: {  	s0 =	sand.u32 $0x1, s1  }
0x8c: {  	s16 =	sshll.u32 s0, $0xA;
	s2 =	sadd.s32 s3, s2  }
0x8d: {  	s2 =	sadd.s32 s2, s16  }
0x8e: {  	[smem:$0x3FC4] =	sst s2  }
0x8f: {  	_ = 	snop  }
0x90: {  	(tm) =	ssettm $0x1  }
0x91: {  	s17 =	sld [smem:$0x3FFB];
	_ =	sdelay $0x3  }
0x92: {  	_ =	strace s17  }
0x93: {  	s2 =	sld [smem:$0x3FFC];
	_ =	sdelay $0x3  }
0x94: {  	_ =	strace s2  }
0x95: {  	s2 =	sld [smem:$0x3FFD];
	_ =	sdelay $0x3  }
0x96: {  	_ =	strace s2  }
0x97: {  	_ =	strace $0x8FFFFFFF  }
0x98: {  	s18 =	sld [smem:$0x3FDB];
	_ =	sdelay $0x1  }
0x99: {  	s19 =	simm.s32 $_scs_section_size  }
0x9a: {  	s4 =	simm.s32 $_size__tile_overlayer_lowered;
	s5 =	simm.s32 $_tile_overlayer_lowered  }
0x9b: {  	s22 =	simm.s32 $0x1BFF;
	s21 =	sshll.u32 s5, $0x1;
	s2 =	sadd.s32 s19, s18  }
0x9c: {  	s6 =	simm.s32 $0x0;
	s20 =	sshll.u32 s4, $0x1;
	s4 =	sadd.s32 s21, s2  }
0x9d: {  	[timem:s6], [sflag:s22] =	dma.local [hbm:s4], s20  }
0x9e: {  	_ =	swait.ge [sflag:s22], s20  }
0x9f: {  	s3 =	ssub.s32 $0x0, s20;
	[sflag:s22] =	ssyncset.done $0x0  }
0xa0: {  	[sflag:s22] =	ssyncadd.s32 s3;
	_ =	sdelay $0x1  }
0xa1: {  	s23 =	simm.s32 $0x1B8B  }
0xa2: {  	_ =	swait.ge [sflag:s23], $0x1  }
0xa3: {  	[sflag:s23] =	ssyncset.done $0x0  }
0xa4: {  	s25 =	simm.s32 $0x1B8E;
	s24 =	sld [smem:$0x3FFE];
	[sflag:s23] =	ssyncadd.s32 $0xFFFFFFFF  }
0xa5: {  	s26 =	simm.s32 $execute0_lowered;
	[smem:$0x3FD2] =	sst s25  }
0xa6: {  	s4 =	sshll.u32 s26, $0x1;
	_ =	strace $0x80000046;
	[dreg:$0x1] =	wrdreg $0xFFFFFFFF  }
0xa7: {  	s28 =	simm.s32 $_size_execute0_lowered;
	s2 =	sadd.s32 s2, s4;
	[dreg:$0x0] =	wrdreg $0x0  }
0xa8: {  	s4 =	sshll.u32 s28, $0x1;
	[dreg:$0x2] =	wrdreg s2  }
0xa9: {  	[dreg:$0x3] =	wrdreg s4  }
0xaa: {  	[dreg:$0x4] =	wrdreg $0xC0  }
0xab: {  	_ =	task [dreg:s6], $0x5FFFF  }
0xac: {  	[dreg:$0x1] =	wrdreg $0xFFFFFFFF  }
0xad: {  	[dreg:$0x0] =	wrdreg $0x60  }
0xae: {  	[dreg:$0x2] =	wrdreg s24  }
0xaf: {  	[dreg:$0x3] =	wrdreg $0x9  }
0xb0: {  	_ =	task.clear_ibuf [dreg:s6], $0x4FFFF;
	_ =	strace $0x90000046  }
0xb1: {  	s29 =	simm.s32 $0x9;
	_ =	strace $0x80000048  }
0xb2: {  	_ =	swait.ge [sflag:s29], $0x1  }
0xb3: {  	[sflag:s29] =	ssyncadd.s32 $0xFFFFFFFF  }
0xb4: {  	_ =	strace $0x90000048  }
0xb5: {  	_ =	sfence  }
0xb6: {  	s30 =	sld [smem:$0x0];
	_ =	sdelay $0x2  }
0xb7: {  	s31 =	sshll.u32 s1, $0xD;
	s1 =	sshrl.u32 s1, $0x2  }
0xb8: {  	s3 =	sand.u32 $0x4000, s31;
	s1 =	sadd.s32 s1, s30  }
0xb9: {  	s0 =	sor.u32 s3, s0;
	s1 =	sshll.u32 s1, $0x11  }
0xba: {  	s0 =	sor.u32 s1, s0  }
0xbb: {  	s0 =	sadd.s32 $0x8F2B, s0  }
0xbc: {  	[sflag:s0] =	ssyncadd.remote.s32 $0x1  }
0xbd: {  	_ =	sfence.sel $0xFFFF  }
0xbe: {  	[dreg:$0x0] =	wrdreg $0xFFFFFFFF;
	(pc) =	sbr.abs _section_cstart, $3  }
0xbf: {  	[dreg:$0x1] =	wrdreg $0xFFFFFFFF  }
0xc0: {  	_ =	task.clear_ibuf [dreg:s6], $0x2FFFF;
	_ =	strace $0x9FFFFFFF  }
0xc1: {  	(tm) =	ssettm $0x7FFFFFFF  }
tec
execute0_lowered:
.L_overlay_start_1:
0x0: {  	(tag) =	ssettag $0x1  }
0x1: {  	s0 =	srdreg.scid  }
0x2: {  	s3 =	sand.u32 $0x1, s0  }
0x3: {  	s0 =	stileid.u32;
	s1 =	sshll.u32 s3, $0x4  }
0x4: {  	s4 =	rddreg [dreg:$0x0];
	s2 =	simm.s32 $0x0;
	s5 =	sor.u32 s0, s1  }
0x5: {  	s10 =	simm.s32 $0x1;
	s11 =	simm.s32 $0x800;
	s6 =	smul.u32 $0x2800, s5  }
0x6: {  	s12 =	simm.s32 $0x0;
	[smem:$0x7FF] =	sst s2;
	s5 =	smul.u32 $0x500, s5  }
0x7: {  	s3 =	ssub.s32 $0x2, s3;
	s1 =	rddreg [dreg:$0x1];
	_ =	strace $0x80000047  }
0x8: {  	s7 =	sshrl.u32 s3, $0x1;
	s6 =	sshrl.u32 s6, $0x3;
	s5 =	sadd.s32 s5, s4  }
0x9: {  	s31 =	ssub.s32 s3, s7;
	s9 =	sadd.s32 s6, s4;
	s3 =	sadd.s32 $0xB600, s5  }
0xa: {  	s4 =	smax.u32 s31, $0x1;
	s5 =	sadd.s32 $0x1600, s9;
	s6 =	sadd.s32 $0x1700, s9  }
0xb: {  	v0 =	vimm.f32 $0.0e+00;
	v1 =	vimm.f32 $1.000000000e+00;
	s7 =	sadd.s32 $0x1800, s9;
	s8 =	sadd.s32 $0x1900, s9;
	s9 =	sadd.s32 $0x1A00, s9  }
.LBB2_1:
0xc: {  	s13 =	simm.s32 $0x40;
	s14 =	simm.s32 $0x0  }
.LBB2_2:
0xd: {  	p0 =	sne.s32 s13, $0x9FC0;
	[tilespmem:s14+$0x800] =	vst v0;
	s14 =	smov.u32 s13;
	s13 =	sadd.s32 $0x40, s13  }
.Ltmp0:
0xe: {  	(pc) =	sbr.rel @p0 .LBB2_2-.Ltmp0, $2  }
0xf: {  	_ =	sdelay $0x2  }
0x10: {  	s14 =	sshra.s32 s14, $0x2  }
0x11: {  	[tilespmem:s14+$0x800] =	vst v0;
	s13 =	simm.s32 $0x0  }
0x12: {  	[tilespmem:s13], [sflag:$0x1] =	stream.linear.gather [hbm4b:s5+s13], $0x800, $0x38;
	[tilespmem:$0x3000] =	vst v63  }
0x13: {  	_ =	swait.ge [sflag:s10], $0x800  }
0x14: {  	[sflag:s10] =	ssyncset.done $0x0  }
0x15: {  	s14 =	simm.s32 $0x0;
	s13 =	simm.s32 $0x40;
	[sflag:s10] =	ssyncadd.s32 $0xFFFFF800  }
.LBB2_4:
0x16: {  	p0 =	sne.s32 s13, $0x1FC0;
	v2 =	vld [tilespmem:s14+$0x0];
	_ =	sdelay $0x3  }
.Ltmp1:
0x17: {  	(pc) =	sbr.rel @p0 .LBB2_4-.Ltmp1, $2  }
0x18: {  	_ =	sdelay $0x2  }
0x19: {  	s14 =	sshra.s32 s13, $0x2;
	s13 =	sadd.s32 $0x40, s13;
	[tilespmem:v2+s11+$0x0] =	vst.idx.add.f32.msk $0xffff, v1  }
0x1a: {  	v2 =	vld [tilespmem:s14+$0x0];
	_ =	sdelay $0x7  }
0x1b: {  	s13 =	simm.s32 $0x0;
	[tilespmem:v2+s11+$0x0] =	vst.idx.add.f32.msk $0xffff, v1  }
0x1c: {  	[tilespmem:s13], [sflag:$0x1] =	stream.linear.gather [hbm4b:s6+s13], $0x800, $0x38;
	[tilespmem:$0x3000] =	vst v63  }
0x1d: {  	_ =	swait.ge [sflag:s10], $0x800  }
0x1e: {  	[sflag:s10] =	ssyncset.done $0x0  }
0x1f: {  	s14 =	simm.s32 $0x0;
	s13 =	simm.s32 $0x40;
	[sflag:s10] =	ssyncadd.s32 $0xFFFFF800  }
.LBB2_6:
0x20: {  	p0 =	sne.s32 s13, $0x1FC0;
	v2 =	vld [tilespmem:s14+$0x0];
	_ =	sdelay $0x3  }
.Ltmp2:
0x21: {  	(pc) =	sbr.rel @p0 .LBB2_6-.Ltmp2, $2  }
0x22: {  	_ =	sdelay $0x2  }
0x23: {  	s14 =	sshra.s32 s13, $0x2;
	s13 =	sadd.s32 $0x40, s13;
	[tilespmem:v2+s11+$0x0] =	vst.idx.add.f32.msk $0xffff, v1  }
0x24: {  	v2 =	vld [tilespmem:s14+$0x0];
	_ =	sdelay $0x7  }
0x25: {  	s13 =	simm.s32 $0x0;
	[tilespmem:v2+s11+$0x0] =	vst.idx.add.f32.msk $0xffff, v1  }
0x26: {  	[tilespmem:s13], [sflag:$0x1] =	stream.linear.gather [hbm4b:s7+s13], $0x800, $0x38;
	[tilespmem:$0x3000] =	vst v63  }
0x27: {  	_ =	swait.ge [sflag:s10], $0x800  }
0x28: {  	[sflag:s10] =	ssyncset.done $0x0  }
0x29: {  	s14 =	simm.s32 $0x0;
	s13 =	simm.s32 $0x40;
	[sflag:s10] =	ssyncadd.s32 $0xFFFFF800  }
.LBB2_8:
0x2a: {  	p0 =	sne.s32 s13, $0x1FC0;
	v2 =	vld [tilespmem:s14+$0x0];
	_ =	sdelay $0x3  }
.Ltmp3:
0x2b: {  	(pc) =	sbr.rel @p0 .LBB2_8-.Ltmp3, $2  }
0x2c: {  	_ =	sdelay $0x2  }
0x2d: {  	s14 =	sshra.s32 s13, $0x2;
	s13 =	sadd.s32 $0x40, s13;
	[tilespmem:v2+s11+$0x0] =	vst.idx.add.f32.msk $0xffff, v1  }
0x2e: {  	v2 =	vld [tilespmem:s14+$0x0];
	_ =	sdelay $0x7  }
0x2f: {  	s13 =	simm.s32 $0x0;
	[tilespmem:v2+s11+$0x0] =	vst.idx.add.f32.msk $0xffff, v1  }
0x30: {  	[tilespmem:s13], [sflag:$0x1] =	stream.linear.gather [hbm4b:s8+s13], $0x800, $0x38;
	[tilespmem:$0x3000] =	vst v63  }
0x31: {  	_ =	swait.ge [sflag:s10], $0x800  }
0x32: {  	[sflag:s10] =	ssyncset.done $0x0  }
0x33: {  	s14 =	simm.s32 $0x0;
	s13 =	simm.s32 $0x40;
	[sflag:s10] =	ssyncadd.s32 $0xFFFFF800  }
.LBB2_10:
0x34: {  	p0 =	sne.s32 s13, $0x1FC0;
	v2 =	vld [tilespmem:s14+$0x0];
	_ =	sdelay $0x3  }
.Ltmp4:
0x35: {  	(pc) =	sbr.rel @p0 .LBB2_10-.Ltmp4, $2  }
0x36: {  	_ =	sdelay $0x2  }
0x37: {  	s14 =	sshra.s32 s13, $0x2;
	s13 =	sadd.s32 $0x40, s13;
	[tilespmem:v2+s11+$0x0] =	vst.idx.add.f32.msk $0xffff, v1  }
0x38: {  	v2 =	vld [tilespmem:s14+$0x0];
	_ =	sdelay $0x7  }
0x39: {  	s13 =	simm.s32 $0x0;
	[tilespmem:v2+s11+$0x0] =	vst.idx.add.f32.msk $0xffff, v1  }
0x3a: {  	[tilespmem:s13], [sflag:$0x1] =	stream.linear.gather [hbm4b:s9+s13], $0x800, $0x38;
	[tilespmem:$0x3000] =	vst v63  }
0x3b: {  	_ =	swait.ge [sflag:s10], $0x800  }
0x3c: {  	[sflag:s10] =	ssyncset.done $0x0  }
0x3d: {  	s14 =	simm.s32 $0x0;
	s13 =	simm.s32 $0x40;
	[sflag:s10] =	ssyncadd.s32 $0xFFFFF800  }
.LBB2_12:
0x3e: {  	p0 =	sne.s32 s13, $0x1FC0;
	v2 =	vld [tilespmem:s14+$0x0];
	_ =	sdelay $0x3  }
.Ltmp5:
0x3f: {  	(pc) =	sbr.rel @p0 .LBB2_12-.Ltmp5, $2  }
0x40: {  	_ =	sdelay $0x2  }
0x41: {  	s14 =	sshra.s32 s13, $0x2;
	s13 =	sadd.s32 $0x40, s13;
	[tilespmem:v2+s11+$0x0] =	vst.idx.add.f32.msk $0xffff, v1  }
0x42: {  	v2 =	vld [tilespmem:s14+$0x0];
	_ =	sdelay $0x5  }
0x43: {  	s12 =	sadd.s32 $0x1, s12  }
0x44: {  	p0 =	sne.s32 s12, s4  }
.Ltmp6:
0x45: {  	[tilespmem:v2+s11+$0x0] =	vst.idx.add.f32.msk $0xffff, v1;
	(pc) =	sbr.rel @p0 .LBB2_1-.Ltmp6, $4  }
0x46: {  	[hbm4b:s3+s2] =	stream.linear.scatter [tilespmem:s11], [sflag:$0x1], $0x2800, $0x38;
	[tilespmem:$0x3000] =	vst v63  }
0x47: {  	_ =	swait.ge [sflag:s10], $0x2800  }
0x48: {  	[sflag:s10] =	ssyncset.done $0x0  }
0x49: {  	[sflag:s10] =	ssyncadd.s32 $0xFFFFD800  }
0x4a: {  	_ =	sfence.sel $0x180000  }
0x4b: {  	[bflag:$0x0] =	sbarrier.arrive $0xFFFF  }
0x4c: {  	p0 =	sne.s32 s0, $0x0;
	_ =	strace $0x90000047  }
0x4d: {  	s0 =	sadd.s32 @!p0 $0x100000, s1;
	[bflag:$0x2] =	sbarrier.arrive $0xFFFF  }
0x4e: {  	[sflag:s0] =	ssyncadd.tile.s32 @!p0 $0x1;
	_ =	shalt  }
.Lfunc_end2:
_tile_overlayer_lowered:
.L_overlay_start_2:
0x4f: {  	(tag) =	ssettag $0x2  }
0x50: {  	s0 =	rddreg [dreg:$0x0];
	s2 =	stileid.u32  }
0x51: {  	s1 =	rddreg [dreg:$0x1];
	p0 =	sne.s32 s2, $0x0  }
0x52: {  	s3 =	rddreg [dreg:$0x2];
	[bflag:$0x3] =	sbarrier.arrive $0xFFFF;
	s2 =	simm.s32 @!p0 $0x1C01  }
0x53: {  	[timem:s3], [sflag:s2] =	dma.local @!p0 [hbm:s0], s1  }
0x54: {  	s0 =	simm.s32 @!p0 $0x1  }
0x55: {  	_ =	swait.ge @!p0 [sflag:s0], s1  }
0x56: {  	s1 =	ssub.s32 @!p0 $0x0, s1;
	[sflag:s0] =	ssyncset.done @!p0 $0x0  }
0x57: {  	[sflag:s0] =	ssyncadd.s32 @!p0 s1  }
0x58: {  	[bflag:$0x3] =	sbarrier.arrive $0xFFFF  }
0x59: {  	_ =	shalt  }

// kernel: kernel.9.cloned.1.call-start
scs
__scs_entry_jumppad:
0x0: {  	(pc) =	sbr.rel $0x88, $3  }
0x1: {  	(tag) =	ssettag $0x0;
	lr =	simm.s32 $0x1  }
0x2: {  	[smem:$0x3F9D] =	sst lr;
	_ =	strace $0xD0000000  }
0x3: {  	_ = 	snop  }
0x4: {  	_ = 	snop  }
0x5: {  	_ = 	snop  }
0x6: {  	_ = 	snop  }
0x7: {  	_ = 	snop  }
__scs_overlays_trampoline_lowered:
0x8: {  	[smem:$0x3FAC] =	sst s0  }
0x9: {  	[smem:$0x3FAD] =	sst s1  }
0xa: {  	[smem:$0x3FAE] =	sst s2  }
0xb: {  	[smem:$0x3FAF] =	sst s3  }
0xc: {  	[smem:$0x3FB0] =	sst s4  }
0xd: {  	[smem:$0x3FB1] =	sst s5  }
0xe: {  	[smem:$0x3FB2] =	sst s6  }
0xf: {  	[smem:$0x3FB3] =	sst s7  }
0x10: {  	[smem:$0x3FB4] =	sst s8  }
0x11: {  	[smem:$0x3FB5] =	sst s9;
	s0 =	simm.s32 @!p0 $0x0  }
0x12: {  	s1 =	sld [smem:$0x3F9B];
	s0 =	simm.s32 @p0 $0x1  }
0x13: {  	[smem:$0x3FB6] =	sst s0;
	s0 =	simm.s32 @!p1 $0x0  }
0x14: {  	s2 =	sld [smem:$0x3F9A];
	s0 =	simm.s32 @p1 $0x1  }
0x15: {  	[smem:$0x3FB7] =	sst s0;
	s0 =	simm.s32 @!p2 $0x0  }
0x16: {  	s3 =	sld [smem:$0x3FDB];
	s0 =	simm.s32 @p2 $0x1  }
0x17: {  	s4 =	simm.s32 $0x1BF5;
	[smem:$0x3FB9] =	sst s0  }
0x18: {  	s0 =	sld [smem:$0x3F9C];
	_ =	swait.ge [sflag:s4], $0x0  }
0x19: {  	s7 =	sld [smem:$0x3F9D]  }
0x1a: {  	s8 =	sadd.s32 $0xFFFFE003, lr  }
0x1b: {  	s9 =	sadd.s32 $0xFFFFFEF7, lr;
	s5 =	simm.s32 $0xFFFFFFFF;
	p2 =	slt.u32 s8, $0xFFFFF086  }
0x1c: {  	p1 =	slt.u32 s9, $0xF7A;
	s5 =	simm.s32 @!p2 $0x0  }
0x1d: {  	s5 =	simm.s32 @p1 $0x1;
	p0 =	seq.s32 s7, s2  }
0x1e: {  	s7 =	smul.u32 @!p0 $0xF7A, s2;
	p2 =	seq.s32 @!p0 s5, $0x0  }
0x1f: {  	s9 =	smul.u32 $0xF7A, s1;
	s8 =	simm.s32 @!p0 $0x1BF5;
	p2 =	por !p2, p0  }
0x20: {  	[sflag:s8] =	ssyncset.s32 @!p0 $0xFFFFF086;
	s6 =	sadd.s32 @!p0 s3, s7;
	s7 =	simm.s32 @!p0 $0x108  }
0x21: {  	s3 =	sadd.s32 s3, s9;
	s6 =	sadd.s32 @!p0 $0x88, s6;
	s7 =	simm.s32 @p2 $0x1082  }
0x22: {  	[simem:s7], [sflag:s8] =	dma.local @!p0 [hbm:s6], $0xF7A  }
0x23: {  	s9 =	sor.u32 $0xD0000000, s2;
	s6 =	simm.s32 $0x108;
	_ =	swait.ge @!p0 [sflag:s8], $0x0  }
0x24: {  	s3 =	sadd.s32 $0x88, s3;
	s6 =	simm.s32 @!p1 $0x1082;
	[sflag:s4] =	ssyncset.s32 $0xFFFFF086  }
0x25: {  	[simem:s6], [sflag:s4] =	dma.local [hbm:s3], $0xF7A  }
0x26: {  	[smem:$0x3F9D] =	sst s1;
	(tag) =	ssettag s2;
	_ =	strace s9  }
0x27: {  	s1 =	sld [smem:$0x3FAD]  }
0x28: {  	s2 =	sld [smem:$0x3FAE]  }
0x29: {  	s4 =	sld [smem:$0x3FB0]  }
0x2a: {  	p0 =	seq.s32 s5, $0x0;
	s5 =	sld [smem:$0x3FB1]  }
0x2b: {  	s6 =	sld [smem:$0x3FB2]  }
0x2c: {  	s7 =	sld [smem:$0x3FB3]  }
0x2d: {  	s3 =	simm.s32 $0x108;
	s8 =	sld [smem:$0x3FB4]  }
0x2e: {  	s3 =	simm.s32 @!p0 $0x1082;
	s9 =	sld [smem:$0x3FB5]  }
0x2f: {  	lr =	sadd.s32 s0, s3;
	s0 =	sld [smem:$0x3FAC]  }
0x30: {  	s3 =	sld [smem:$0x3FAF]  }
0x31: {  	[smem:$0x3FB8] =	sst s10  }
0x32: {  	s10 =	sld [smem:$0x3FB6];
	_ =	sdelay $0x3  }
0x33: {  	p0 =	seq.s32 s10, $0x1;
	s10 =	sld [smem:$0x3FB8];
	_ =	sdelay $0x3  }
0x34: {  	[smem:$0x3FB8] =	sst s10  }
0x35: {  	s10 =	sld [smem:$0x3FB7];
	_ =	sdelay $0x3  }
0x36: {  	p1 =	seq.s32 s10, $0x1;
	s10 =	sld [smem:$0x3FB8];
	_ =	sdelay $0x3  }
0x37: {  	[smem:$0x3FB8] =	sst s10  }
0x38: {  	s10 =	sld [smem:$0x3FB9]  }
0x39: {  	_ = 	snop;
	(pc) =	sbr.ind lr, $3  }
0x3a: {  	_ = 	snop  }
0x3b: {  	_ = 	snop  }
0x3c: {  	p2 =	seq.s32 s10, $0x1;
	s10 =	sld [smem:$0x3FB8]  }
0x3d: {  	_ =	shalt  }
0x3e: {  	_ =	shalt  }
0x3f: {  	_ =	shalt  }
0x40: {  	_ =	shalt  }
0x41: {  	_ =	shalt  }
0x42: {  	_ =	shalt  }
0x43: {  	_ =	shalt  }
0x44: {  	_ =	shalt  }
0x45: {  	_ =	shalt  }
0x46: {  	_ =	shalt  }
0x47: {  	_ =	shalt  }
0x48: {  	_ =	shalt  }
0x49: {  	_ =	shalt  }
0x4a: {  	_ =	shalt  }
0x4b: {  	_ =	shalt  }
0x4c: {  	_ =	shalt  }
0x4d: {  	_ =	shalt  }
0x4e: {  	_ =	shalt  }
0x4f: {  	_ =	shalt  }
0x50: {  	_ =	shalt  }
0x51: {  	_ =	shalt  }
0x52: {  	_ =	shalt  }
0x53: {  	_ =	shalt  }
0x54: {  	_ =	shalt  }
0x55: {  	_ =	shalt  }
0x56: {  	_ =	shalt  }
0x57: {  	_ =	shalt  }
0x58: {  	_ =	shalt  }
0x59: {  	_ =	shalt  }
0x5a: {  	_ =	shalt  }
0x5b: {  	_ =	shalt  }
0x5c: {  	_ =	shalt  }
0x5d: {  	_ =	shalt  }
0x5e: {  	_ =	shalt  }
0x5f: {  	_ =	shalt  }
0x60: {  	_ =	shalt  }
0x61: {  	_ =	shalt  }
0x62: {  	_ =	shalt  }
0x63: {  	_ =	shalt  }
0x64: {  	_ =	shalt  }
0x65: {  	_ =	shalt  }
0x66: {  	_ =	shalt  }
0x67: {  	_ =	shalt  }
0x68: {  	_ =	shalt  }
0x69: {  	_ =	shalt  }
0x6a: {  	_ =	shalt  }
0x6b: {  	_ =	shalt  }
0x6c: {  	_ =	shalt  }
0x6d: {  	_ =	shalt  }
0x6e: {  	_ =	shalt  }
0x6f: {  	_ =	shalt  }
0x70: {  	_ =	shalt  }
0x71: {  	_ =	shalt  }
0x72: {  	_ =	shalt  }
0x73: {  	_ =	shalt  }
0x74: {  	_ =	shalt  }
0x75: {  	_ =	shalt  }
0x76: {  	_ =	shalt  }
0x77: {  	_ =	shalt  }
0x78: {  	_ =	shalt  }
0x79: {  	_ =	shalt  }
0x7a: {  	_ =	shalt  }
0x7b: {  	_ =	shalt  }
0x7c: {  	_ =	shalt  }
0x7d: {  	_ =	shalt  }
0x7e: {  	_ =	shalt  }
0x7f: {  	_ =	shalt  }
0x80: {  	_ =	shalt  }
0x81: {  	_ =	shalt  }
0x82: {  	_ =	shalt  }
0x83: {  	_ =	shalt  }
0x84: {  	_ =	shalt  }
0x85: {  	_ =	shalt  }
0x86: {  	_ =	shalt  }
0x87: {  	_ =	shalt  }
.Lfunc_end0:
.L_simem_size_0:
called_computation.1_lowered:
.L_overlay_start_0:
0x88: {  	s2 =	sld [smem:$0x3FD9]  }
0x89: {  	s3 =	sld [smem:$0x3FFE];
	_ =	sdelay $0x1  }
0x8a: {  	s1 =	srdreg.scid  }
0x8b: {  	s0 =	sand.u32 $0x1, s1  }
0x8c: {  	s17 =	sshll.u32 s0, $0xA;
	s2 =	sadd.s32 s3, s2  }
0x8d: {  	s2 =	sadd.s32 s2, s17  }
0x8e: {  	[smem:$0x3FC4] =	sst s2  }
0x8f: {  	_ = 	snop  }
0x90: {  	s2 =	sld [smem:$0x3FD0];
	(tm) =	ssettm $0x1  }
0x91: {  	s18 =	sld [smem:$0x3FFB];
	_ =	sdelay $0x3  }
0x92: {  	_ =	strace s18  }
0x93: {  	s3 =	sld [smem:$0x3FFC];
	_ =	sdelay $0x3  }
0x94: {  	_ =	strace s3  }
0x95: {  	s3 =	sld [smem:$0x3FFD];
	_ =	sdelay $0x3  }
0x96: {  	_ =	strace s3  }
0x97: {  	_ =	strace $0x8FFFFFFF  }
0x98: {  	s19 =	sld [smem:$0x3FDB];
	_ =	sdelay $0x1  }
0x99: {  	s4 =	simm.s32 $_scs_section_size  }
0x9a: {  	s5 =	simm.s32 $_size__tile_overlayer_lowered;
	s6 =	simm.s32 $_tile_overlayer_lowered  }
0x9b: {  	s22 =	simm.s32 $0x1BFF;
	s21 =	sshll.u32 s6, $0x1;
	s3 =	sadd.s32 s4, s19  }
0x9c: {  	s7 =	simm.s32 $0x0;
	s20 =	sshll.u32 s5, $0x1;
	s5 =	sadd.s32 s21, s3  }
0x9d: {  	[timem:s7], [sflag:s22] =	dma.local [hbm:s5], s20  }
0x9e: {  	_ =	swait.ge [sflag:s22], s20  }
0x9f: {  	s4 =	ssub.s32 $0x0, s20;
	[sflag:s22] =	ssyncset.done $0x0  }
0xa0: {  	[sflag:s22] =	ssyncadd.s32 s4;
	_ =	sdelay $0x1  }
0xa1: {  	s23 =	simm.s32 $0x1B8B  }
0xa2: {  	_ =	swait.ge [sflag:s23], $0x1  }
0xa3: {  	[sflag:s23] =	ssyncset.done $0x0  }
0xa4: {  	s25 =	simm.s32 $0x1B8E;
	s24 =	sld [smem:$0x3FFE];
	[sflag:s23] =	ssyncadd.s32 $0xFFFFFFFF  }
0xa5: {  	s26 =	simm.s32 $execute0_lowered;
	[smem:$0x3FD2] =	sst s25  }
0xa6: {  	s5 =	sshll.u32 s26, $0x1;
	_ =	strace $0x80000049;
	[dreg:$0x1] =	wrdreg $0xFFFFFFFF  }
0xa7: {  	s28 =	simm.s32 $_size_execute0_lowered;
	s3 =	sadd.s32 s3, s5;
	[dreg:$0x0] =	wrdreg $0x0  }
0xa8: {  	s5 =	sshll.u32 s28, $0x1;
	[dreg:$0x2] =	wrdreg s3  }
0xa9: {  	[dreg:$0x3] =	wrdreg s5  }
0xaa: {  	[dreg:$0x4] =	wrdreg $0xC0  }
0xab: {  	_ =	task [dreg:s7], $0x5FFFF  }
0xac: {  	[dreg:$0x1] =	wrdreg $0xFFFFFFFF  }
0xad: {  	[dreg:$0x0] =	wrdreg $0x60  }
0xae: {  	[dreg:$0x2] =	wrdreg s2  }
0xaf: {  	[dreg:$0x3] =	wrdreg s24  }
0xb0: {  	[dreg:$0x4] =	wrdreg $0xA8000  }
0xb1: {  	[dreg:$0x5] =	wrdreg $0x9  }
0xb2: {  	_ =	task.clear_ibuf [dreg:s7], $0x6FFFF;
	_ =	strace $0x90000049  }
0xb3: {  	s29 =	simm.s32 $0x9;
	_ =	strace $0x8000004B  }
0xb4: {  	_ =	swait.ge [sflag:s29], $0x1  }
0xb5: {  	[sflag:s29] =	ssyncadd.s32 $0xFFFFFFFF  }
0xb6: {  	_ =	strace $0x9000004B  }
0xb7: {  	_ =	sfence  }
0xb8: {  	s30 =	sld [smem:$0x0];
	_ =	sdelay $0x2  }
0xb9: {  	s31 =	sshll.u32 s1, $0xD;
	s1 =	sshrl.u32 s1, $0x2  }
0xba: {  	s3 =	sand.u32 $0x4000, s31;
	s1 =	sadd.s32 s1, s30  }
0xbb: {  	s0 =	sor.u32 s3, s0;
	s1 =	sshll.u32 s1, $0x11  }
0xbc: {  	s0 =	sor.u32 s1, s0  }
0xbd: {  	s0 =	sadd.s32 $0x8F2B, s0  }
0xbe: {  	[sflag:s0] =	ssyncadd.remote.s32 $0x1  }
0xbf: {  	_ =	sfence.sel $0xFFFF  }
0xc0: {  	[dreg:$0x0] =	wrdreg $0xFFFFFFFF;
	(pc) =	sbr.abs _section_cstart, $3  }
0xc1: {  	[dreg:$0x1] =	wrdreg $0xFFFFFFFF  }
0xc2: {  	_ =	task.clear_ibuf [dreg:s7], $0x2FFFF;
	_ =	strace $0x9FFFFFFF  }
0xc3: {  	(tm) =	ssettm $0x7FFFFFFF  }
tec
execute0_lowered:
.L_overlay_start_1:
0x0: {  	(tag) =	ssettag $0x1  }
0x1: {  	s0 =	srdreg.scid  }
0x2: {  	s15 =	stileid.u32;
	s3 =	rddreg [dreg:$0x0]  }
0x3: {  	s1 =	simm.s32 $0x0;
	s28 =	simm.s32 $0x5;
	s29 =	simm.s32 $0x2  }
0x4: {  	s30 =	simm.s32 $0x6;
	s31 =	simm.s32 $0x3;
	s2 =	sand.u32 $0x1, s0  }
0x5: {  	[smem:$0x7FF] =	sst s1;
	s20 =	smul.u32 $0x280, s15;
	s0 =	sshll.u32 s2, $0x4  }
0x6: {  	s6 =	ssub.s32 $0x2, s2;
	s2 =	smul.u32 $0x2800, s2;
	s4 =	sor.u32 s15, s0  }
0x7: {  	s0 =	rddreg [dreg:$0x1];
	s8 =	sshrl.u32 s6, $0x1;
	s4 =	smul.u32 $0x5000, s4  }
0x8: {  	s11 =	sadd.s32 $0x100, s20;
	s15 =	smul.u32 $0x50000, s15;
	s5 =	sadd.s32 $0x15600, s0  }
0x9: {  	s7 =	sadd.s32 $0x51600, s0;
	s6 =	ssub.s32 s6, s8;
	s4 =	sshrl.u32 s4, $0x3  }
0xa: {  	s22 =	sadd.s32 s2, s20;
	s12 =	sadd.s32 s2, s11;
	s17 =	sadd.s32 s3, s4  }
0xb: {  	s18 =	sadd.s32 $0x280, s4;
	s9 =	sadd.s32 s5, s4;
	[dreg:$0x4] =	wrdreg s17  }
0xc: {  	s13 =	sshll.u32 s12, $0x4;
	[dreg:$0x5] =	wrdreg s9;
	s19 =	sadd.s32 s3, s18  }
0xd: {  	s21 =	sadd.s32 $0x500, s4;
	s8 =	sadd.s32 s5, s18;
	[dreg:$0x6] =	wrdreg s19  }
0xe: {  	s4 =	sadd.s32 $0x780, s4;
	s10 =	sadd.s32 s3, s21;
	[dreg:$0x7] =	wrdreg s8  }
0xf: {  	s12 =	sadd.s32 $0x180, s20;
	s3 =	sadd.s32 s3, s4;
	[dreg:$0x8] =	wrdreg s10  }
0x10: {  	s4 =	sadd.s32 s5, s4;
	s8 =	sadd.s32 s5, s21;
	[dreg:$0xa] =	wrdreg s3  }
0x11: {  	[dreg:$0xb] =	wrdreg s4;
	s3 =	sshll.u32 s22, $0x4;
	s4 =	sadd.s32 $0x80, s20  }
0x12: {  	s5 =	sadd.s32 $0xC0, s20;
	s19 =	sadd.s32 $0x200, s20;
	s21 =	sadd.s32 $0x240, s20  }
0x13: {  	[dreg:$0x9] =	wrdreg s8;
	s8 =	sor.u32 $0x40, s20;
	s3 =	sadd.s32 s7, s3  }
0x14: {  	s25 =	sadd.s32 s2, s4;
	s26 =	sadd.s32 s2, s5;
	s22 =	sadd.s32 s2, s19  }
0x15: {  	s23 =	sadd.s32 s2, s8;
	[dreg:$0xc] =	wrdreg s3;
	s10 =	sshll.u32 s26, $0x4  }
0x16: {  	s9 =	sshll.u32 s22, $0x4;
	s22 =	sadd.s32 $0x29600, s0;
	s24 =	sshll.u32 s23, $0x4  }
0x17: {  	s26 =	sshll.u32 s4, $0x7;
	s9 =	sadd.s32 s7, s9;
	s3 =	sadd.s32 s7, s24  }
0x18: {  	s23 =	sshrl.u32 s15, $0x2;
	[dreg:$0xd] =	wrdreg s3;
	s3 =	sshll.u32 s25, $0x4  }
0x19: {  	[dreg:$0x14] =	wrdreg s9;
	s24 =	smax.u32 s6, $0x1;
	s3 =	sadd.s32 s7, s3  }
0x1a: {  	[dreg:$0xe] =	wrdreg s3;
	s3 =	sadd.s32 s7, s10;
	s10 =	sadd.s32 $0x140, s20  }
0x1b: {  	[dreg:$0xf] =	wrdreg s3;
	s3 =	sadd.s32 s7, s13;
	s14 =	sadd.s32 s2, s10  }
0x1c: {  	s13 =	sadd.s32 s2, s12;
	[dreg:$0x10] =	wrdreg s3;
	s3 =	sshll.u32 s14, $0x4  }
0x1d: {  	s14 =	sadd.s32 $0x1C0, s20;
	s16 =	sshll.u32 s13, $0x4;
	s20 =	rddreg [dreg:$0x2]  }
0x1e: {  	s3 =	sadd.s32 s7, s3;
	s17 =	sadd.s32 s2, s14;
	s2 =	sadd.s32 s2, s21  }
0x1f: {  	[dreg:$0x11] =	wrdreg s3;
	s3 =	sadd.s32 s7, s16;
	s18 =	sshll.u32 s17, $0x4  }
0x20: {  	s2 =	sshll.u32 s2, $0x4;
	[dreg:$0x12] =	wrdreg s3;
	s3 =	sadd.s32 s7, s18  }
0x21: {  	s6 =	sshll.u32 s5, $0x7;
	s2 =	sadd.s32 s7, s2;
	[dreg:$0x13] =	wrdreg s3  }
0x22: {  	s25 =	sshll.u32 s8, $0x7;
	s8 =	sshll.u32 s10, $0x7;
	[dreg:$0x15] =	wrdreg s2  }
0x23: {  	s0 =	sadd.s32 s25, s20;
	_ =	strace $0x8000004A;
	[dreg:$0x16] =	wrdreg s24  }
0x24: {  	s10 =	sshll.u32 s12, $0x7;
	s4 =	sadd.s32 s26, s20;
	[dreg:$0x17] =	wrdreg s0  }
0x25: {  	s12 =	sshll.u32 s19, $0x7;
	s9 =	sadd.s32 s8, s20;
	[dreg:$0x18] =	wrdreg s4  }
0x26: {  	s23 =	sadd.s32 s23, s20;
	s13 =	sadd.s32 s12, s20;
	[dreg:$0x1b] =	wrdreg s9  }
0x27: {  	s5 =	simm.s32 $0x2700;
	s15 =	sadd.s32 $0x2000, s23;
	[dreg:$0x1e] =	wrdreg s13  }
0x28: {  	s12 =	simm.s32 $0x2800;
	s16 =	sadd.s32 $0x4000, s23;
	[smem:$0x7F5] =	sst s15  }
0x29: {  	s17 =	sadd.s32 $0x6000, s23;
	s19 =	sadd.s32 $0xA000, s23;
	[smem:$0x7F6] =	sst s16  }
0x2a: {  	s25 =	sadd.s32 $0x10000, s23;
	s18 =	sadd.s32 $0x8000, s23;
	[smem:$0x7F7] =	sst s17  }
0x2b: {  	s7 =	sshll.u32 s11, $0x7;
	s11 =	sshll.u32 s14, $0x7;
	[smem:$0x7F8] =	sst s18  }
0x2c: {  	s14 =	sshll.u32 s21, $0x7;
	s21 =	sadd.s32 $0xC000, s23;
	[smem:$0x7F9] =	sst s19  }
0x2d: {  	s26 =	sadd.s32 $0x12000, s23;
	s2 =	simm.s32 $0x8;
	[smem:$0x7FA] =	sst s21  }
0x2e: {  	s3 =	simm.s32 $0x2600;
	s0 =	sadd.s32 s6, s20;
	[smem:$0x7FC] =	sst s25  }
0x2f: {  	s24 =	sadd.s32 $0xE000, s23;
	[smem:$0x7FD] =	sst s26;
	s13 =	simm.s32 $0x9  }
0x30: {  	s15 =	simm.s32 $0x40;
	s16 =	simm.s32 $0x80;
	s17 =	simm.s32 $0x4800  }
0x31: {  	s19 =	simm.s32 $0x100;
	s21 =	simm.s32 $0x6800;
	s25 =	simm.s32 $0x8800  }
0x32: {  	s26 =	simm.s32 $0x1;
	s18 =	simm.s32 $0x7;
	[dreg:$0x19] =	wrdreg s0  }
0x33: {  	s4 =	simm.s32 $0x2680;
	s0 =	sadd.s32 s7, s20;
	[smem:$0x7FB] =	sst s24  }
0x34: {  	s6 =	simm.s32 $0x2780;
	[dreg:$0x1a] =	wrdreg s0;
	s0 =	sadd.s32 s10, s20  }
0x35: {  	s24 =	simm.s32 $0x180;
	[dreg:$0x1c] =	wrdreg s0;
	s0 =	sadd.s32 s11, s20  }
0x36: {  	s7 =	simm.s32 $0x0;
	[dreg:$0x1d] =	wrdreg s0;
	s0 =	sadd.s32 s14, s20  }
0x37: {  	v0 =	vimm.f32 $0.0e+00;
	s14 =	simm.s32 $0x1400;
	[dreg:$0x1f] =	wrdreg s0;
	s0 =	simm.s32 $0x4  }
.LBB2_1:
0x38: {  	s8 =	sand.u32 $0x7E00, s1  }
0x39: {  	s9 =	sand.u32 $0x70, s1;
	s10 =	sshrl.u32 s8, $0x2  }
0x3a: {  	s8 =	simm.s32 $0x40;
	s10 =	sor.u32 s9, s10;
	s9 =	simm.s32 $0x0  }
.LBB2_2:
0x3b: {  	p0 =	sne.s32 s8, $0x7FC0  }
0x3c: {  	[tilespmem:s10+$0x2800] =	vst v0;
	s9 =	sadd.s32 $0x10, s9;
	s10 =	smov.u32 s8;
	s8 =	sadd.s32 $0x40, s8  }
.Ltmp0:
0x3d: {  	(pc) =	sbr.rel @p0 .LBB2_2-.Ltmp0, $4  }
0x3e: {  	_ = 	snop  }
0x3f: {  	s10 =	sand.u32 $0x7E00, s10  }
0x40: {  	s11 =	sand.u32 $0x70, s9;
	s10 =	sshrl.u32 s10, $0x2  }
0x41: {  	s10 =	sor.u32 s11, s10  }
0x42: {  	[tilespmem:s10+$0x2800] =	vst v0  }
0x43: {  	[spmem:s23] =	stream.linear.scatter [tilespmem:s12], [sflag:$0x9], $0x2000, $0x38;
	[tilespmem:$0x1E800] =	vst v63  }
0x44: {  	_ =	swait.ge [sflag:s13], $0x2000  }
0x45: {  	s8 =	sld [smem:$0x7F5]  }
0x46: {  	[sflag:s13] =	ssyncset.done $0x0  }
0x47: {  	[sflag:s13] =	ssyncadd.s32 $0xFFFFE000  }
0x48: {  	[spmem:s8] =	stream.linear.scatter [tilespmem:s12], [sflag:$0x9], $0x2000, $0x38;
	[tilespmem:$0x1E800] =	vst v63  }
0x49: {  	_ =	swait.ge [sflag:s13], $0x2000  }
0x4a: {  	s9 =	sld [smem:$0x7F6]  }
0x4b: {  	[sflag:s13] =	ssyncset.done $0x0  }
0x4c: {  	[sflag:s13] =	ssyncadd.s32 $0xFFFFE000  }
0x4d: {  	[spmem:s9] =	stream.linear.scatter [tilespmem:s12], [sflag:$0x9], $0x2000, $0x38;
	[tilespmem:$0x1E800] =	vst v63  }
0x4e: {  	_ =	swait.ge [sflag:s13], $0x2000  }
0x4f: {  	s10 =	sld [smem:$0x7F7]  }
0x50: {  	[sflag:s13] =	ssyncset.done $0x0  }
0x51: {  	[sflag:s13] =	ssyncadd.s32 $0xFFFFE000  }
0x52: {  	[spmem:s10] =	stream.linear.scatter [tilespmem:s12], [sflag:$0x9], $0x2000, $0x38;
	[tilespmem:$0x1E800] =	vst v63  }
0x53: {  	_ =	swait.ge [sflag:s13], $0x2000  }
0x54: {  	s11 =	sld [smem:$0x7F8]  }
0x55: {  	[sflag:s13] =	ssyncset.done $0x0  }
0x56: {  	[sflag:s13] =	ssyncadd.s32 $0xFFFFE000  }
0x57: {  	[spmem:s11] =	stream.linear.scatter [tilespmem:s12], [sflag:$0x9], $0x2000, $0x38;
	[tilespmem:$0x1E800] =	vst v63  }
0x58: {  	_ =	swait.ge [sflag:s13], $0x2000  }
0x59: {  	s9 =	sld [smem:$0x7F9]  }
0x5a: {  	[sflag:s13] =	ssyncset.done $0x0  }
0x5b: {  	[sflag:s13] =	ssyncadd.s32 $0xFFFFE000  }
0x5c: {  	[spmem:s9] =	stream.linear.scatter [tilespmem:s12], [sflag:$0x9], $0x2000, $0x38;
	[tilespmem:$0x1E800] =	vst v63  }
0x5d: {  	_ =	swait.ge [sflag:s13], $0x2000  }
0x5e: {  	s10 =	sld [smem:$0x7FA]  }
0x5f: {  	[sflag:s13] =	ssyncset.done $0x0  }
0x60: {  	[sflag:s13] =	ssyncadd.s32 $0xFFFFE000  }
0x61: {  	[spmem:s10] =	stream.linear.scatter [tilespmem:s12], [sflag:$0x9], $0x2000, $0x38;
	[tilespmem:$0x1E800] =	vst v63  }
0x62: {  	_ =	swait.ge [sflag:s13], $0x2000  }
0x63: {  	s11 =	sld [smem:$0x7FB]  }
0x64: {  	[sflag:s13] =	ssyncset.done $0x0  }
0x65: {  	[sflag:s13] =	ssyncadd.s32 $0xFFFFE000  }
0x66: {  	[spmem:s11] =	stream.linear.scatter [tilespmem:s12], [sflag:$0x9], $0x2000, $0x38;
	[tilespmem:$0x1E800] =	vst v63  }
0x67: {  	_ =	swait.ge [sflag:s13], $0x2000  }
0x68: {  	s9 =	sld [smem:$0x7FC]  }
0x69: {  	[sflag:s13] =	ssyncset.done $0x0  }
0x6a: {  	[sflag:s13] =	ssyncadd.s32 $0xFFFFE000  }
0x6b: {  	[spmem:s9] =	stream.linear.scatter [tilespmem:s12], [sflag:$0x9], $0x2000, $0x38;
	[tilespmem:$0x1E800] =	vst v63  }
0x6c: {  	_ =	swait.ge [sflag:s13], $0x2000  }
0x6d: {  	s10 =	sld [smem:$0x7FD]  }
0x6e: {  	[sflag:s13] =	ssyncset.done $0x0  }
0x6f: {  	[sflag:s13] =	ssyncadd.s32 $0xFFFFE000  }
0x70: {  	[spmem:s10] =	stream.linear.scatter [tilespmem:s12], [sflag:$0x9], $0x2000, $0x38;
	[tilespmem:$0x1E800] =	vst v63  }
0x71: {  	_ =	swait.ge [sflag:s13], $0x2000  }
0x72: {  	[sflag:s13] =	ssyncset.done $0x0  }
0x73: {  	[sflag:s13] =	ssyncadd.s32 $0xFFFFE000  }
0x74: {  	[bflag:$0x0] =	sbarrier.arrive $0xFFFF  }
0x75: {  	s11 =	simm.s32 $0x0;
	s9 =	rddreg [dreg:$0x4]  }
0x76: {  	[tilespmem:s11], [sflag:$0x9] =	stream.linear.gather [hbm4b:s9+s11], $0x1400, $0x38;
	[tilespmem:$0x1E800] =	vst v63  }
0x77: {  	_ =	swait.ge [sflag:s13], $0x1400  }
0x78: {  	[sflag:s13] =	ssyncset.done $0x0  }
0x79: {  	s10 =	rddreg [dreg:$0x5];
	[sflag:s13] =	ssyncadd.s32 $0xFFFFEC00  }
0x7a: {  	[tilespmem:s14], [sflag:$0x9] =	stream.linear.gather [hbm4b:s10+s11], $0x1400, $0x38;
	[tilespmem:$0x1E800] =	vst v63  }
0x7b: {  	_ =	swait.ge [sflag:s13], $0x1400  }
0x7c: {  	[sflag:s13] =	ssyncset.done $0x0  }
0x7d: {  	[sflag:s13] =	ssyncadd.s32 $0xFFFFEC00  }
0x7e: {  	[tilespmem:s12], [sflag:$0x1] =	stream.indirect.gather [hbm4b:s22+s15], $0x80, s11, s15, $0xb8;
	[tilespmem:$0x1E800] =	vst v63  }
0x7f: {  	_ = 	snop  }
0x80: {  	[tilespmem:s17], [sflag:$0x2] =	stream.indirect.gather [hbm4b:s22+s15], $0x80, s16, s15, $0xb8;
	[tilespmem:$0x1E800] =	vst v63  }
0x81: {  	_ = 	snop  }
0x82: {  	[tilespmem:s21], [sflag:$0x3] =	stream.indirect.gather [hbm4b:s22+s15], $0x80, s19, s15, $0xb8;
	[tilespmem:$0x1E800] =	vst v63  }
0x83: {  	_ = 	snop  }
0x84: {  	[tilespmem:s25], [sflag:$0x4] =	stream.indirect.gather [hbm4b:s22+s15], $0x80, s24, s15, $0xb8;
	[tilespmem:$0x1E800] =	vst v63  }
0x85: {  	_ =	swait.ge [sflag:s26], $0x2000  }
0x86: {  	[sflag:s26] =	ssyncset.done $0x0  }
0x87: {  	s11 =	simm.s32 $0x1400;
	[sflag:s26] =	ssyncadd.s32 $0xFFFFE000  }
0x88: {  	[spmem:s20] =	stream.indirect.scatter.add.f32 [tilespmem:s12], [sflag:$0x5], $0x80, s11, s15, $0xb8;
	[tilespmem:$0x1E800] =	vst v63  }
0x89: {  	_ =	swait.ge [sflag:s28], $0x2000  }
0x8a: {  	[sflag:s28] =	ssyncset.done $0x0  }
0x8b: {  	s9 =	simm.s32 $0x200;
	[sflag:s28] =	ssyncadd.s32 $0xFFFFE000  }
0x8c: {  	[tilespmem:s12], [sflag:$0x1] =	stream.indirect.gather [hbm4b:s22+s15], $0x80, s9, s15, $0xb8;
	[tilespmem:$0x1E800] =	vst v63  }
0x8d: {  	_ =	swait.ge [sflag:s29], $0x2000  }
0x8e: {  	[sflag:s29] =	ssyncset.done $0x0  }
0x8f: {  	s10 =	simm.s32 $0x1480;
	[sflag:s29] =	ssyncadd.s32 $0xFFFFE000  }
0x90: {  	[spmem:s20] =	stream.indirect.scatter.add.f32 [tilespmem:s17], [sflag:$0x6], $0x80, s10, s15, $0xb8;
	[tilespmem:$0x1E800] =	vst v63  }
0x91: {  	_ =	swait.ge [sflag:s30], $0x2000  }
0x92: {  	[sflag:s30] =	ssyncset.done $0x0  }
0x93: {  	s11 =	simm.s32 $0x280;
	[sflag:s30] =	ssyncadd.s32 $0xFFFFE000  }
0x94: {  	[tilespmem:s17], [sflag:$0x2] =	stream.indirect.gather [hbm4b:s22+s15], $0x80, s11, s15, $0xb8;
	[tilespmem:$0x1E800] =	vst v63  }
0x95: {  	_ =	swait.ge [sflag:s31], $0x2000  }
0x96: {  	[sflag:s31] =	ssyncset.done $0x0  }
0x97: {  	s9 =	simm.s32 $0x1500;
	[sflag:s31] =	ssyncadd.s32 $0xFFFFE000  }
0x98: {  	[spmem:s20] =	stream.indirect.scatter.add.f32 [tilespmem:s21], [sflag:$0x7], $0x80, s9, s15, $0xb8;
	[tilespmem:$0x1E800] =	vst v63  }
0x99: {  	_ =	swait.ge [sflag:s18], $0x2000  }
0x9a: {  	[sflag:s18] =	ssyncset.done $0x0  }
0x9b: {  	s10 =	simm.s32 $0x300;
	[sflag:s18] =	ssyncadd.s32 $0xFFFFE000  }
0x9c: {  	[tilespmem:s21], [sflag:$0x3] =	stream.indirect.gather [hbm4b:s22+s15], $0x80, s10, s15, $0xb8;
	[tilespmem:$0x1E800] =	vst v63  }
0x9d: {  	_ =	swait.ge [sflag:s0], $0x2000  }
0x9e: {  	[sflag:s0] =	ssyncset.done $0x0  }
0x9f: {  	s11 =	simm.s32 $0x1580;
	[sflag:s0] =	ssyncadd.s32 $0xFFFFE000  }
0xa0: {  	[spmem:s20] =	stream.indirect.scatter.add.f32 [tilespmem:s25], [sflag:$0x8], $0x80, s11, s15, $0xb8;
	[tilespmem:$0x1E800] =	vst v63  }
0xa1: {  	_ =	swait.ge [sflag:s2], $0x2000  }
0xa2: {  	[sflag:s2] =	ssyncset.done $0x0  }
0xa3: {  	s8 =	simm.s32 $0x800;
	s9 =	simm.s32 $0x380;
	[sflag:s2] =	ssyncadd.s32 $0xFFFFE000  }
.LBB2_4:
0xa4: {  	[tilespmem:s25], [sflag:$0x4] =	stream.indirect.gather [hbm4b:s22+s15], $0x80, s9, s15, $0xb8;
	[tilespmem:$0x1E800] =	vst v63  }
0xa5: {  	s9 =	smov.u32 s8  }
0xa6: {  	p0 =	sne.s32 s8, $0x4000;
	s8 =	sadd.s32 $0x800, s8;
	_ =	swait.ge [sflag:s26], $0x2000  }
0xa7: {  	s9 =	sshra.s32 s9, $0x2;
	[sflag:s26] =	ssyncset.done $0x0  }
0xa8: {  	s10 =	sadd.s32 $0x1400, s9;
	[sflag:s26] =	ssyncadd.s32 $0xFFFFE000  }
0xa9: {  	[spmem:s20] =	stream.indirect.scatter.add.f32 [tilespmem:s12], [sflag:$0x5], $0x80, s10, s15, $0xb8;
	[tilespmem:$0x1E800] =	vst v63  }
0xaa: {  	_ =	swait.ge [sflag:s28], $0x2000  }
0xab: {  	[sflag:s28] =	ssyncset.done $0x0  }
0xac: {  	s10 =	sadd.s32 $0x200, s9;
	[sflag:s28] =	ssyncadd.s32 $0xFFFFE000  }
0xad: {  	[tilespmem:s12], [sflag:$0x1] =	stream.indirect.gather [hbm4b:s22+s15], $0x80, s10, s15, $0xb8;
	[tilespmem:$0x1E800] =	vst v63  }
0xae: {  	_ =	swait.ge [sflag:s29], $0x2000  }
0xaf: {  	[sflag:s29] =	ssyncset.done $0x0  }
0xb0: {  	s10 =	sadd.s32 $0x1480, s9;
	[sflag:s29] =	ssyncadd.s32 $0xFFFFE000  }
0xb1: {  	[spmem:s20] =	stream.indirect.scatter.add.f32 [tilespmem:s17], [sflag:$0x6], $0x80, s10, s15, $0xb8;
	[tilespmem:$0x1E800] =	vst v63  }
0xb2: {  	_ =	swait.ge [sflag:s30], $0x2000  }
0xb3: {  	[sflag:s30] =	ssyncset.done $0x0  }
0xb4: {  	s10 =	sadd.s32 $0x280, s9;
	[sflag:s30] =	ssyncadd.s32 $0xFFFFE000  }
0xb5: {  	[tilespmem:s17], [sflag:$0x2] =	stream.indirect.gather [hbm4b:s22+s15], $0x80, s10, s15, $0xb8;
	[tilespmem:$0x1E800] =	vst v63  }
0xb6: {  	_ =	swait.ge [sflag:s31], $0x2000  }
0xb7: {  	[sflag:s31] =	ssyncset.done $0x0  }
0xb8: {  	s10 =	sadd.s32 $0x1500, s9;
	[sflag:s31] =	ssyncadd.s32 $0xFFFFE000  }
0xb9: {  	[spmem:s20] =	stream.indirect.scatter.add.f32 [tilespmem:s21], [sflag:$0x7], $0x80, s10, s15, $0xb8;
	[tilespmem:$0x1E800] =	vst v63  }
0xba: {  	_ =	swait.ge [sflag:s18], $0x2000  }
0xbb: {  	[sflag:s18] =	ssyncset.done $0x0  }
0xbc: {  	s10 =	sadd.s32 $0x300, s9;
	[sflag:s18] =	ssyncadd.s32 $0xFFFFE000  }
0xbd: {  	[tilespmem:s21], [sflag:$0x3] =	stream.indirect.gather [hbm4b:s22+s15], $0x80, s10, s15, $0xb8;
	[tilespmem:$0x1E800] =	vst v63  }
0xbe: {  	_ =	swait.ge [sflag:s0], $0x2000  }
0xbf: {  	[sflag:s0] =	ssyncset.done $0x0  }
.Ltmp1:
0xc0: {  	s10 =	sadd.s32 $0x1580, s9;
	[sflag:s0] =	ssyncadd.s32 $0xFFFFE000;
	(pc) =	sbr.rel @p0 .LBB2_4-.Ltmp1, $4  }
0xc1: {  	[spmem:s20] =	stream.indirect.scatter.add.f32 [tilespmem:s25], [sflag:$0x8], $0x80, s10, s15, $0xb8;
	[tilespmem:$0x1E800] =	vst v63  }
0xc2: {  	_ =	swait.ge [sflag:s2], $0x2000  }
0xc3: {  	[sflag:s2] =	ssyncset.done $0x0  }
0xc4: {  	s9 =	sadd.s32 $0x380, s9;
	[sflag:s2] =	ssyncadd.s32 $0xFFFFE000  }
0xc5: {  	[tilespmem:s25], [sflag:$0x4] =	stream.indirect.gather [hbm4b:s22+s15], $0x80, s9, s15, $0xb8;
	[tilespmem:$0x1E800] =	vst v63  }
0xc6: {  	_ =	swait.ge [sflag:s26], $0x2000  }
0xc7: {  	[sflag:s26] =	ssyncset.done $0x0  }
0xc8: {  	[sflag:s26] =	ssyncadd.s32 $0xFFFFE000  }
0xc9: {  	[spmem:s20] =	stream.indirect.scatter.add.f32 [tilespmem:s12], [sflag:$0x5], $0x80, s3, s15, $0xb8;
	[tilespmem:$0x1E800] =	vst v63  }
0xca: {  	_ =	swait.ge [sflag:s28], $0x2000  }
0xcb: {  	[sflag:s28] =	ssyncset.done $0x0  }
0xcc: {  	[sflag:s28] =	ssyncadd.s32 $0xFFFFE000  }
0xcd: {  	_ =	swait.ge [sflag:s29], $0x2000  }
0xce: {  	[sflag:s29] =	ssyncset.done $0x0  }
0xcf: {  	[sflag:s29] =	ssyncadd.s32 $0xFFFFE000  }
0xd0: {  	[spmem:s20] =	stream.indirect.scatter.add.f32 [tilespmem:s17], [sflag:$0x6], $0x80, s4, s15, $0xb8;
	[tilespmem:$0x1E800] =	vst v63  }
0xd1: {  	_ =	swait.ge [sflag:s30], $0x2000  }
0xd2: {  	[sflag:s30] =	ssyncset.done $0x0  }
0xd3: {  	[sflag:s30] =	ssyncadd.s32 $0xFFFFE000  }
0xd4: {  	_ =	swait.ge [sflag:s31], $0x2000  }
0xd5: {  	[sflag:s31] =	ssyncset.done $0x0  }
0xd6: {  	[sflag:s31] =	ssyncadd.s32 $0xFFFFE000  }
0xd7: {  	[spmem:s20] =	stream.indirect.scatter.add.f32 [tilespmem:s21], [sflag:$0x7], $0x80, s5, s15, $0xb8;
	[tilespmem:$0x1E800] =	vst v63  }
0xd8: {  	_ =	swait.ge [sflag:s18], $0x2000  }
0xd9: {  	[sflag:s18] =	ssyncset.done $0x0  }
0xda: {  	[sflag:s18] =	ssyncadd.s32 $0xFFFFE000  }
0xdb: {  	_ =	swait.ge [sflag:s0], $0x2000  }
0xdc: {  	[sflag:s0] =	ssyncset.done $0x0  }
0xdd: {  	[sflag:s0] =	ssyncadd.s32 $0xFFFFE000  }
0xde: {  	[spmem:s20] =	stream.indirect.scatter.add.f32 [tilespmem:s25], [sflag:$0x8], $0x80, s6, s15, $0xb8;
	[tilespmem:$0x1E800] =	vst v63  }
0xdf: {  	_ =	swait.ge [sflag:s2], $0x2000  }
0xe0: {  	[sflag:s2] =	ssyncset.done $0x0  }
0xe1: {  	s8 =	simm.s32 $0x0;
	s11 =	rddreg [dreg:$0x6];
	[sflag:s2] =	ssyncadd.s32 $0xFFFFE000  }
0xe2: {  	[tilespmem:s8], [sflag:$0x9] =	stream.linear.gather [hbm4b:s11+s8], $0x1400, $0x38;
	[tilespmem:$0x1E800] =	vst v63  }
0xe3: {  	_ =	swait.ge [sflag:s13], $0x1400  }
0xe4: {  	[sflag:s13] =	ssyncset.done $0x0  }
0xe5: {  	s10 =	rddreg [dreg:$0x7];
	[sflag:s13] =	ssyncadd.s32 $0xFFFFEC00  }
0xe6: {  	[tilespmem:s14], [sflag:$0x9] =	stream.linear.gather [hbm4b:s10+s8], $0x1400, $0x38;
	[tilespmem:$0x1E800] =	vst v63  }
0xe7: {  	_ =	swait.ge [sflag:s13], $0x1400  }
0xe8: {  	[sflag:s13] =	ssyncset.done $0x0  }
0xe9: {  	[sflag:s13] =	ssyncadd.s32 $0xFFFFEC00  }
0xea: {  	[tilespmem:s12], [sflag:$0x1] =	stream.indirect.gather [hbm4b:s22+s15], $0x80, s8, s15, $0xb8;
	[tilespmem:$0x1E800] =	vst v63  }
0xeb: {  	_ = 	snop  }
0xec: {  	[tilespmem:s17], [sflag:$0x2] =	stream.indirect.gather [hbm4b:s22+s15], $0x80, s16, s15, $0xb8;
	[tilespmem:$0x1E800] =	vst v63  }
0xed: {  	_ = 	snop  }
0xee: {  	[tilespmem:s21], [sflag:$0x3] =	stream.indirect.gather [hbm4b:s22+s15], $0x80, s19, s15, $0xb8;
	[tilespmem:$0x1E800] =	vst v63  }
0xef: {  	_ = 	snop  }
0xf0: {  	[tilespmem:s25], [sflag:$0x4] =	stream.indirect.gather [hbm4b:s22+s15], $0x80, s24, s15, $0xb8;
	[tilespmem:$0x1E800] =	vst v63  }
0xf1: {  	_ =	swait.ge [sflag:s26], $0x2000  }
0xf2: {  	[sflag:s26] =	ssyncset.done $0x0  }
0xf3: {  	s11 =	simm.s32 $0x1400;
	[sflag:s26] =	ssyncadd.s32 $0xFFFFE000  }
0xf4: {  	[spmem:s20] =	stream.indirect.scatter.add.f32 [tilespmem:s12], [sflag:$0x5], $0x80, s11, s15, $0xb8;
	[tilespmem:$0x1E800] =	vst v63  }
0xf5: {  	_ =	swait.ge [sflag:s28], $0x2000  }
0xf6: {  	[sflag:s28] =	ssyncset.done $0x0  }
0xf7: {  	s9 =	simm.s32 $0x200;
	[sflag:s28] =	ssyncadd.s32 $0xFFFFE000  }
0xf8: {  	[tilespmem:s12], [sflag:$0x1] =	stream.indirect.gather [hbm4b:s22+s15], $0x80, s9, s15, $0xb8;
	[tilespmem:$0x1E800] =	vst v63  }
0xf9: {  	_ =	swait.ge [sflag:s29], $0x2000  }
0xfa: {  	[sflag:s29] =	ssyncset.done $0x0  }
0xfb: {  	s10 =	simm.s32 $0x1480;
	[sflag:s29] =	ssyncadd.s32 $0xFFFFE000  }
0xfc: {  	[spmem:s20] =	stream.indirect.scatter.add.f32 [tilespmem:s17], [sflag:$0x6], $0x80, s10, s15, $0xb8;
	[tilespmem:$0x1E800] =	vst v63  }
0xfd: {  	_ =	swait.ge [sflag:s30], $0x2000  }
0xfe: {  	[sflag:s30] =	ssyncset.done $0x0  }
0xff: {  	s11 =	simm.s32 $0x280;
	[sflag:s30] =	ssyncadd.s32 $0xFFFFE000  }
0x100: {  	[tilespmem:s17], [sflag:$0x2] =	stream.indirect.gather [hbm4b:s22+s15], $0x80, s11, s15, $0xb8;
	[tilespmem:$0x1E800] =	vst v63  }
0x101: {  	_ =	swait.ge [sflag:s31], $0x2000  }
0x102: {  	[sflag:s31] =	ssyncset.done $0x0  }
0x103: {  	s9 =	simm.s32 $0x1500;
	[sflag:s31] =	ssyncadd.s32 $0xFFFFE000  }
0x104: {  	[spmem:s20] =	stream.indirect.scatter.add.f32 [tilespmem:s21], [sflag:$0x7], $0x80, s9, s15, $0xb8;
	[tilespmem:$0x1E800] =	vst v63  }
0x105: {  	_ =	swait.ge [sflag:s18], $0x2000  }
0x106: {  	[sflag:s18] =	ssyncset.done $0x0  }
0x107: {  	s10 =	simm.s32 $0x300;
	[sflag:s18] =	ssyncadd.s32 $0xFFFFE000  }
0x108: {  	[tilespmem:s21], [sflag:$0x3] =	stream.indirect.gather [hbm4b:s22+s15], $0x80, s10, s15, $0xb8;
	[tilespmem:$0x1E800] =	vst v63  }
0x109: {  	_ =	swait.ge [sflag:s0], $0x2000  }
0x10a: {  	[sflag:s0] =	ssyncset.done $0x0  }
0x10b: {  	s11 =	simm.s32 $0x1580;
	[sflag:s0] =	ssyncadd.s32 $0xFFFFE000  }
0x10c: {  	[spmem:s20] =	stream.indirect.scatter.add.f32 [tilespmem:s25], [sflag:$0x8], $0x80, s11, s15, $0xb8;
	[tilespmem:$0x1E800] =	vst v63  }
0x10d: {  	_ =	swait.ge [sflag:s2], $0x2000  }
0x10e: {  	[sflag:s2] =	ssyncset.done $0x0  }
0x10f: {  	s8 =	simm.s32 $0x800;
	s9 =	simm.s32 $0x380;
	[sflag:s2] =	ssyncadd.s32 $0xFFFFE000  }
.LBB2_6:
0x110: {  	[tilespmem:s25], [sflag:$0x4] =	stream.indirect.gather [hbm4b:s22+s15], $0x80, s9, s15, $0xb8;
	[tilespmem:$0x1E800] =	vst v63  }
0x111: {  	s9 =	smov.u32 s8  }
0x112: {  	p0 =	sne.s32 s8, $0x4000;
	s8 =	sadd.s32 $0x800, s8;
	_ =	swait.ge [sflag:s26], $0x2000  }
0x113: {  	s9 =	sshra.s32 s9, $0x2;
	[sflag:s26] =	ssyncset.done $0x0  }
0x114: {  	s10 =	sadd.s32 $0x1400, s9;
	[sflag:s26] =	ssyncadd.s32 $0xFFFFE000  }
0x115: {  	[spmem:s20] =	stream.indirect.scatter.add.f32 [tilespmem:s12], [sflag:$0x5], $0x80, s10, s15, $0xb8;
	[tilespmem:$0x1E800] =	vst v63  }
0x116: {  	_ =	swait.ge [sflag:s28], $0x2000  }
0x117: {  	[sflag:s28] =	ssyncset.done $0x0  }
0x118: {  	s10 =	sadd.s32 $0x200, s9;
	[sflag:s28] =	ssyncadd.s32 $0xFFFFE000  }
0x119: {  	[tilespmem:s12], [sflag:$0x1] =	stream.indirect.gather [hbm4b:s22+s15], $0x80, s10, s15, $0xb8;
	[tilespmem:$0x1E800] =	vst v63  }
0x11a: {  	_ =	swait.ge [sflag:s29], $0x2000  }
0x11b: {  	[sflag:s29] =	ssyncset.done $0x0  }
0x11c: {  	s10 =	sadd.s32 $0x1480, s9;
	[sflag:s29] =	ssyncadd.s32 $0xFFFFE000  }
0x11d: {  	[spmem:s20] =	stream.indirect.scatter.add.f32 [tilespmem:s17], [sflag:$0x6], $0x80, s10, s15, $0xb8;
	[tilespmem:$0x1E800] =	vst v63  }
0x11e: {  	_ =	swait.ge [sflag:s30], $0x2000  }
0x11f: {  	[sflag:s30] =	ssyncset.done $0x0  }
0x120: {  	s10 =	sadd.s32 $0x280, s9;
	[sflag:s30] =	ssyncadd.s32 $0xFFFFE000  }
0x121: {  	[tilespmem:s17], [sflag:$0x2] =	stream.indirect.gather [hbm4b:s22+s15], $0x80, s10, s15, $0xb8;
	[tilespmem:$0x1E800] =	vst v63  }
0x122: {  	_ =	swait.ge [sflag:s31], $0x2000  }
0x123: {  	[sflag:s31] =	ssyncset.done $0x0  }
0x124: {  	s10 =	sadd.s32 $0x1500, s9;
	[sflag:s31] =	ssyncadd.s32 $0xFFFFE000  }
0x125: {  	[spmem:s20] =	stream.indirect.scatter.add.f32 [tilespmem:s21], [sflag:$0x7], $0x80, s10, s15, $0xb8;
	[tilespmem:$0x1E800] =	vst v63  }
0x126: {  	_ =	swait.ge [sflag:s18], $0x2000  }
0x127: {  	[sflag:s18] =	ssyncset.done $0x0  }
0x128: {  	s10 =	sadd.s32 $0x300, s9;
	[sflag:s18] =	ssyncadd.s32 $0xFFFFE000  }
0x129: {  	[tilespmem:s21], [sflag:$0x3] =	stream.indirect.gather [hbm4b:s22+s15], $0x80, s10, s15, $0xb8;
	[tilespmem:$0x1E800] =	vst v63  }
0x12a: {  	_ =	swait.ge [sflag:s0], $0x2000  }
0x12b: {  	[sflag:s0] =	ssyncset.done $0x0  }
.Ltmp2:
0x12c: {  	s10 =	sadd.s32 $0x1580, s9;
	[sflag:s0] =	ssyncadd.s32 $0xFFFFE000;
	(pc) =	sbr.rel @p0 .LBB2_6-.Ltmp2, $4  }
0x12d: {  	[spmem:s20] =	stream.indirect.scatter.add.f32 [tilespmem:s25], [sflag:$0x8], $0x80, s10, s15, $0xb8;
	[tilespmem:$0x1E800] =	vst v63  }
0x12e: {  	_ =	swait.ge [sflag:s2], $0x2000  }
0x12f: {  	[sflag:s2] =	ssyncset.done $0x0  }
0x130: {  	s9 =	sadd.s32 $0x380, s9;
	[sflag:s2] =	ssyncadd.s32 $0xFFFFE000  }
0x131: {  	[tilespmem:s25], [sflag:$0x4] =	stream.indirect.gather [hbm4b:s22+s15], $0x80, s9, s15, $0xb8;
	[tilespmem:$0x1E800] =	vst v63  }
0x132: {  	_ =	swait.ge [sflag:s26], $0x2000  }
0x133: {  	[sflag:s26] =	ssyncset.done $0x0  }
0x134: {  	[sflag:s26] =	ssyncadd.s32 $0xFFFFE000  }
0x135: {  	[spmem:s20] =	stream.indirect.scatter.add.f32 [tilespmem:s12], [sflag:$0x5], $0x80, s3, s15, $0xb8;
	[tilespmem:$0x1E800] =	vst v63  }
0x136: {  	_ =	swait.ge [sflag:s28], $0x2000  }
0x137: {  	[sflag:s28] =	ssyncset.done $0x0  }
0x138: {  	[sflag:s28] =	ssyncadd.s32 $0xFFFFE000  }
0x139: {  	_ =	swait.ge [sflag:s29], $0x2000  }
0x13a: {  	[sflag:s29] =	ssyncset.done $0x0  }
0x13b: {  	[sflag:s29] =	ssyncadd.s32 $0xFFFFE000  }
0x13c: {  	[spmem:s20] =	stream.indirect.scatter.add.f32 [tilespmem:s17], [sflag:$0x6], $0x80, s4, s15, $0xb8;
	[tilespmem:$0x1E800] =	vst v63  }
0x13d: {  	_ =	swait.ge [sflag:s30], $0x2000  }
0x13e: {  	[sflag:s30] =	ssyncset.done $0x0  }
0x13f: {  	[sflag:s30] =	ssyncadd.s32 $0xFFFFE000  }
0x140: {  	_ =	swait.ge [sflag:s31], $0x2000  }
0x141: {  	[sflag:s31] =	ssyncset.done $0x0  }
0x142: {  	[sflag:s31] =	ssyncadd.s32 $0xFFFFE000  }
0x143: {  	[spmem:s20] =	stream.indirect.scatter.add.f32 [tilespmem:s21], [sflag:$0x7], $0x80, s5, s15, $0xb8;
	[tilespmem:$0x1E800] =	vst v63  }
0x144: {  	_ =	swait.ge [sflag:s18], $0x2000  }
0x145: {  	[sflag:s18] =	ssyncset.done $0x0  }
0x146: {  	[sflag:s18] =	ssyncadd.s32 $0xFFFFE000  }
0x147: {  	_ =	swait.ge [sflag:s0], $0x2000  }
0x148: {  	[sflag:s0] =	ssyncset.done $0x0  }
0x149: {  	[sflag:s0] =	ssyncadd.s32 $0xFFFFE000  }
0x14a: {  	[spmem:s20] =	stream.indirect.scatter.add.f32 [tilespmem:s25], [sflag:$0x8], $0x80, s6, s15, $0xb8;
	[tilespmem:$0x1E800] =	vst v63  }
0x14b: {  	_ =	swait.ge [sflag:s2], $0x2000  }
0x14c: {  	[sflag:s2] =	ssyncset.done $0x0  }
0x14d: {  	s8 =	simm.s32 $0x0;
	s11 =	rddreg [dreg:$0x8];
	[sflag:s2] =	ssyncadd.s32 $0xFFFFE000  }
0x14e: {  	[tilespmem:s8], [sflag:$0x9] =	stream.linear.gather [hbm4b:s11+s8], $0x1400, $0x38;
	[tilespmem:$0x1E800] =	vst v63  }
0x14f: {  	_ =	swait.ge [sflag:s13], $0x1400  }
0x150: {  	[sflag:s13] =	ssyncset.done $0x0  }
0x151: {  	s10 =	rddreg [dreg:$0x9];
	[sflag:s13] =	ssyncadd.s32 $0xFFFFEC00  }
0x152: {  	[tilespmem:s14], [sflag:$0x9] =	stream.linear.gather [hbm4b:s10+s8], $0x1400, $0x38;
	[tilespmem:$0x1E800] =	vst v63  }
0x153: {  	_ =	swait.ge [sflag:s13], $0x1400  }
0x154: {  	[sflag:s13] =	ssyncset.done $0x0  }
0x155: {  	[sflag:s13] =	ssyncadd.s32 $0xFFFFEC00  }
0x156: {  	[tilespmem:s12], [sflag:$0x1] =	stream.indirect.gather [hbm4b:s22+s15], $0x80, s8, s15, $0xb8;
	[tilespmem:$0x1E800] =	vst v63  }
0x157: {  	_ = 	snop  }
0x158: {  	[tilespmem:s17], [sflag:$0x2] =	stream.indirect.gather [hbm4b:s22+s15], $0x80, s16, s15, $0xb8;
	[tilespmem:$0x1E800] =	vst v63  }
0x159: {  	_ = 	snop  }
0x15a: {  	[tilespmem:s21], [sflag:$0x3] =	stream.indirect.gather [hbm4b:s22+s15], $0x80, s19, s15, $0xb8;
	[tilespmem:$0x1E800] =	vst v63  }
0x15b: {  	_ = 	snop  }
0x15c: {  	[tilespmem:s25], [sflag:$0x4] =	stream.indirect.gather [hbm4b:s22+s15], $0x80, s24, s15, $0xb8;
	[tilespmem:$0x1E800] =	vst v63  }
0x15d: {  	_ =	swait.ge [sflag:s26], $0x2000  }
0x15e: {  	[sflag:s26] =	ssyncset.done $0x0  }
0x15f: {  	s11 =	simm.s32 $0x1400;
	[sflag:s26] =	ssyncadd.s32 $0xFFFFE000  }
0x160: {  	[spmem:s20] =	stream.indirect.scatter.add.f32 [tilespmem:s12], [sflag:$0x5], $0x80, s11, s15, $0xb8;
	[tilespmem:$0x1E800] =	vst v63  }
0x161: {  	_ =	swait.ge [sflag:s28], $0x2000  }
0x162: {  	[sflag:s28] =	ssyncset.done $0x0  }
0x163: {  	s9 =	simm.s32 $0x200;
	[sflag:s28] =	ssyncadd.s32 $0xFFFFE000  }
0x164: {  	[tilespmem:s12], [sflag:$0x1] =	stream.indirect.gather [hbm4b:s22+s15], $0x80, s9, s15, $0xb8;
	[tilespmem:$0x1E800] =	vst v63  }
0x165: {  	_ =	swait.ge [sflag:s29], $0x2000  }
0x166: {  	[sflag:s29] =	ssyncset.done $0x0  }
0x167: {  	s10 =	simm.s32 $0x1480;
	[sflag:s29] =	ssyncadd.s32 $0xFFFFE000  }
0x168: {  	[spmem:s20] =	stream.indirect.scatter.add.f32 [tilespmem:s17], [sflag:$0x6], $0x80, s10, s15, $0xb8;
	[tilespmem:$0x1E800] =	vst v63  }
0x169: {  	_ =	swait.ge [sflag:s30], $0x2000  }
0x16a: {  	[sflag:s30] =	ssyncset.done $0x0  }
0x16b: {  	s11 =	simm.s32 $0x280;
	[sflag:s30] =	ssyncadd.s32 $0xFFFFE000  }
0x16c: {  	[tilespmem:s17], [sflag:$0x2] =	stream.indirect.gather [hbm4b:s22+s15], $0x80, s11, s15, $0xb8;
	[tilespmem:$0x1E800] =	vst v63  }
0x16d: {  	_ =	swait.ge [sflag:s31], $0x2000  }
0x16e: {  	[sflag:s31] =	ssyncset.done $0x0  }
0x16f: {  	s9 =	simm.s32 $0x1500;
	[sflag:s31] =	ssyncadd.s32 $0xFFFFE000  }
0x170: {  	[spmem:s20] =	stream.indirect.scatter.add.f32 [tilespmem:s21], [sflag:$0x7], $0x80, s9, s15, $0xb8;
	[tilespmem:$0x1E800] =	vst v63  }
0x171: {  	_ =	swait.ge [sflag:s18], $0x2000  }
0x172: {  	[sflag:s18] =	ssyncset.done $0x0  }
0x173: {  	s10 =	simm.s32 $0x300;
	[sflag:s18] =	ssyncadd.s32 $0xFFFFE000  }
0x174: {  	[tilespmem:s21], [sflag:$0x3] =	stream.indirect.gather [hbm4b:s22+s15], $0x80, s10, s15, $0xb8;
	[tilespmem:$0x1E800] =	vst v63  }
0x175: {  	_ =	swait.ge [sflag:s0], $0x2000  }
0x176: {  	[sflag:s0] =	ssyncset.done $0x0  }
0x177: {  	s11 =	simm.s32 $0x1580;
	[sflag:s0] =	ssyncadd.s32 $0xFFFFE000  }
0x178: {  	[spmem:s20] =	stream.indirect.scatter.add.f32 [tilespmem:s25], [sflag:$0x8], $0x80, s11, s15, $0xb8;
	[tilespmem:$0x1E800] =	vst v63  }
0x179: {  	_ =	swait.ge [sflag:s2], $0x2000  }
0x17a: {  	[sflag:s2] =	ssyncset.done $0x0  }
0x17b: {  	s8 =	simm.s32 $0x800;
	s9 =	simm.s32 $0x380;
	[sflag:s2] =	ssyncadd.s32 $0xFFFFE000  }
.LBB2_8:
0x17c: {  	[tilespmem:s25], [sflag:$0x4] =	stream.indirect.gather [hbm4b:s22+s15], $0x80, s9, s15, $0xb8;
	[tilespmem:$0x1E800] =	vst v63  }
0x17d: {  	s9 =	smov.u32 s8  }
0x17e: {  	p0 =	sne.s32 s8, $0x4000;
	s8 =	sadd.s32 $0x800, s8;
	_ =	swait.ge [sflag:s26], $0x2000  }
0x17f: {  	s9 =	sshra.s32 s9, $0x2;
	[sflag:s26] =	ssyncset.done $0x0  }
0x180: {  	s10 =	sadd.s32 $0x1400, s9;
	[sflag:s26] =	ssyncadd.s32 $0xFFFFE000  }
0x181: {  	[spmem:s20] =	stream.indirect.scatter.add.f32 [tilespmem:s12], [sflag:$0x5], $0x80, s10, s15, $0xb8;
	[tilespmem:$0x1E800] =	vst v63  }
0x182: {  	_ =	swait.ge [sflag:s28], $0x2000  }
0x183: {  	[sflag:s28] =	ssyncset.done $0x0  }
0x184: {  	s10 =	sadd.s32 $0x200, s9;
	[sflag:s28] =	ssyncadd.s32 $0xFFFFE000  }
0x185: {  	[tilespmem:s12], [sflag:$0x1] =	stream.indirect.gather [hbm4b:s22+s15], $0x80, s10, s15, $0xb8;
	[tilespmem:$0x1E800] =	vst v63  }
0x186: {  	_ =	swait.ge [sflag:s29], $0x2000  }
0x187: {  	[sflag:s29] =	ssyncset.done $0x0  }
0x188: {  	s10 =	sadd.s32 $0x1480, s9;
	[sflag:s29] =	ssyncadd.s32 $0xFFFFE000  }
0x189: {  	[spmem:s20] =	stream.indirect.scatter.add.f32 [tilespmem:s17], [sflag:$0x6], $0x80, s10, s15, $0xb8;
	[tilespmem:$0x1E800] =	vst v63  }
0x18a: {  	_ =	swait.ge [sflag:s30], $0x2000  }
0x18b: {  	[sflag:s30] =	ssyncset.done $0x0  }
0x18c: {  	s10 =	sadd.s32 $0x280, s9;
	[sflag:s30] =	ssyncadd.s32 $0xFFFFE000  }
0x18d: {  	[tilespmem:s17], [sflag:$0x2] =	stream.indirect.gather [hbm4b:s22+s15], $0x80, s10, s15, $0xb8;
	[tilespmem:$0x1E800] =	vst v63  }
0x18e: {  	_ =	swait.ge [sflag:s31], $0x2000  }
0x18f: {  	[sflag:s31] =	ssyncset.done $0x0  }
0x190: {  	s10 =	sadd.s32 $0x1500, s9;
	[sflag:s31] =	ssyncadd.s32 $0xFFFFE000  }
0x191: {  	[spmem:s20] =	stream.indirect.scatter.add.f32 [tilespmem:s21], [sflag:$0x7], $0x80, s10, s15, $0xb8;
	[tilespmem:$0x1E800] =	vst v63  }
0x192: {  	_ =	swait.ge [sflag:s18], $0x2000  }
0x193: {  	[sflag:s18] =	ssyncset.done $0x0  }
0x194: {  	s10 =	sadd.s32 $0x300, s9;
	[sflag:s18] =	ssyncadd.s32 $0xFFFFE000  }
0x195: {  	[tilespmem:s21], [sflag:$0x3] =	stream.indirect.gather [hbm4b:s22+s15], $0x80, s10, s15, $0xb8;
	[tilespmem:$0x1E800] =	vst v63  }
0x196: {  	_ =	swait.ge [sflag:s0], $0x2000  }
0x197: {  	[sflag:s0] =	ssyncset.done $0x0  }
.Ltmp3:
0x198: {  	s10 =	sadd.s32 $0x1580, s9;
	[sflag:s0] =	ssyncadd.s32 $0xFFFFE000;
	(pc) =	sbr.rel @p0 .LBB2_8-.Ltmp3, $4  }
0x199: {  	[spmem:s20] =	stream.indirect.scatter.add.f32 [tilespmem:s25], [sflag:$0x8], $0x80, s10, s15, $0xb8;
	[tilespmem:$0x1E800] =	vst v63  }
0x19a: {  	_ =	swait.ge [sflag:s2], $0x2000  }
0x19b: {  	[sflag:s2] =	ssyncset.done $0x0  }
0x19c: {  	s9 =	sadd.s32 $0x380, s9;
	[sflag:s2] =	ssyncadd.s32 $0xFFFFE000  }
0x19d: {  	[tilespmem:s25], [sflag:$0x4] =	stream.indirect.gather [hbm4b:s22+s15], $0x80, s9, s15, $0xb8;
	[tilespmem:$0x1E800] =	vst v63  }
0x19e: {  	_ =	swait.ge [sflag:s26], $0x2000  }
0x19f: {  	[sflag:s26] =	ssyncset.done $0x0  }
0x1a0: {  	[sflag:s26] =	ssyncadd.s32 $0xFFFFE000  }
0x1a1: {  	[spmem:s20] =	stream.indirect.scatter.add.f32 [tilespmem:s12], [sflag:$0x5], $0x80, s3, s15, $0xb8;
	[tilespmem:$0x1E800] =	vst v63  }
0x1a2: {  	_ =	swait.ge [sflag:s28], $0x2000  }
0x1a3: {  	[sflag:s28] =	ssyncset.done $0x0  }
0x1a4: {  	[sflag:s28] =	ssyncadd.s32 $0xFFFFE000  }
0x1a5: {  	_ =	swait.ge [sflag:s29], $0x2000  }
0x1a6: {  	[sflag:s29] =	ssyncset.done $0x0  }
0x1a7: {  	[sflag:s29] =	ssyncadd.s32 $0xFFFFE000  }
0x1a8: {  	[spmem:s20] =	stream.indirect.scatter.add.f32 [tilespmem:s17], [sflag:$0x6], $0x80, s4, s15, $0xb8;
	[tilespmem:$0x1E800] =	vst v63  }
0x1a9: {  	_ =	swait.ge [sflag:s30], $0x2000  }
0x1aa: {  	[sflag:s30] =	ssyncset.done $0x0  }
0x1ab: {  	[sflag:s30] =	ssyncadd.s32 $0xFFFFE000  }
0x1ac: {  	_ =	swait.ge [sflag:s31], $0x2000  }
0x1ad: {  	[sflag:s31] =	ssyncset.done $0x0  }
0x1ae: {  	[sflag:s31] =	ssyncadd.s32 $0xFFFFE000  }
0x1af: {  	[spmem:s20] =	stream.indirect.scatter.add.f32 [tilespmem:s21], [sflag:$0x7], $0x80, s5, s15, $0xb8;
	[tilespmem:$0x1E800] =	vst v63  }
0x1b0: {  	_ =	swait.ge [sflag:s18], $0x2000  }
0x1b1: {  	[sflag:s18] =	ssyncset.done $0x0  }
0x1b2: {  	[sflag:s18] =	ssyncadd.s32 $0xFFFFE000  }
0x1b3: {  	_ =	swait.ge [sflag:s0], $0x2000  }
0x1b4: {  	[sflag:s0] =	ssyncset.done $0x0  }
0x1b5: {  	[sflag:s0] =	ssyncadd.s32 $0xFFFFE000  }
0x1b6: {  	[spmem:s20] =	stream.indirect.scatter.add.f32 [tilespmem:s25], [sflag:$0x8], $0x80, s6, s15, $0xb8;
	[tilespmem:$0x1E800] =	vst v63  }
0x1b7: {  	_ =	swait.ge [sflag:s2], $0x2000  }
0x1b8: {  	[sflag:s2] =	ssyncset.done $0x0  }
0x1b9: {  	s8 =	simm.s32 $0x0;
	s11 =	rddreg [dreg:$0xa];
	[sflag:s2] =	ssyncadd.s32 $0xFFFFE000  }
0x1ba: {  	[tilespmem:s8], [sflag:$0x9] =	stream.linear.gather [hbm4b:s11+s8], $0x1400, $0x38;
	[tilespmem:$0x1E800] =	vst v63  }
0x1bb: {  	_ =	swait.ge [sflag:s13], $0x1400  }
0x1bc: {  	[sflag:s13] =	ssyncset.done $0x0  }
0x1bd: {  	s10 =	rddreg [dreg:$0xb];
	[sflag:s13] =	ssyncadd.s32 $0xFFFFEC00  }
0x1be: {  	[tilespmem:s14], [sflag:$0x9] =	stream.linear.gather [hbm4b:s10+s8], $0x1400, $0x38;
	[tilespmem:$0x1E800] =	vst v63  }
0x1bf: {  	_ =	swait.ge [sflag:s13], $0x1400  }
0x1c0: {  	[sflag:s13] =	ssyncset.done $0x0  }
0x1c1: {  	[sflag:s13] =	ssyncadd.s32 $0xFFFFEC00  }
0x1c2: {  	[tilespmem:s12], [sflag:$0x1] =	stream.indirect.gather [hbm4b:s22+s15], $0x80, s8, s15, $0xb8;
	[tilespmem:$0x1E800] =	vst v63  }
0x1c3: {  	_ = 	snop  }
0x1c4: {  	[tilespmem:s17], [sflag:$0x2] =	stream.indirect.gather [hbm4b:s22+s15], $0x80, s16, s15, $0xb8;
	[tilespmem:$0x1E800] =	vst v63  }
0x1c5: {  	_ = 	snop  }
0x1c6: {  	[tilespmem:s21], [sflag:$0x3] =	stream.indirect.gather [hbm4b:s22+s15], $0x80, s19, s15, $0xb8;
	[tilespmem:$0x1E800] =	vst v63  }
0x1c7: {  	_ = 	snop  }
0x1c8: {  	[tilespmem:s25], [sflag:$0x4] =	stream.indirect.gather [hbm4b:s22+s15], $0x80, s24, s15, $0xb8;
	[tilespmem:$0x1E800] =	vst v63  }
0x1c9: {  	_ =	swait.ge [sflag:s26], $0x2000  }
0x1ca: {  	[sflag:s26] =	ssyncset.done $0x0  }
0x1cb: {  	s11 =	simm.s32 $0x1400;
	[sflag:s26] =	ssyncadd.s32 $0xFFFFE000  }
0x1cc: {  	[spmem:s20] =	stream.indirect.scatter.add.f32 [tilespmem:s12], [sflag:$0x5], $0x80, s11, s15, $0xb8;
	[tilespmem:$0x1E800] =	vst v63  }
0x1cd: {  	_ =	swait.ge [sflag:s28], $0x2000  }
0x1ce: {  	[sflag:s28] =	ssyncset.done $0x0  }
0x1cf: {  	s9 =	simm.s32 $0x200;
	[sflag:s28] =	ssyncadd.s32 $0xFFFFE000  }
0x1d0: {  	[tilespmem:s12], [sflag:$0x1] =	stream.indirect.gather [hbm4b:s22+s15], $0x80, s9, s15, $0xb8;
	[tilespmem:$0x1E800] =	vst v63  }
0x1d1: {  	_ =	swait.ge [sflag:s29], $0x2000  }
0x1d2: {  	[sflag:s29] =	ssyncset.done $0x0  }
0x1d3: {  	s10 =	simm.s32 $0x1480;
	[sflag:s29] =	ssyncadd.s32 $0xFFFFE000  }
0x1d4: {  	[spmem:s20] =	stream.indirect.scatter.add.f32 [tilespmem:s17], [sflag:$0x6], $0x80, s10, s15, $0xb8;
	[tilespmem:$0x1E800] =	vst v63  }
0x1d5: {  	_ =	swait.ge [sflag:s30], $0x2000  }
0x1d6: {  	[sflag:s30] =	ssyncset.done $0x0  }
0x1d7: {  	s11 =	simm.s32 $0x280;
	[sflag:s30] =	ssyncadd.s32 $0xFFFFE000  }
0x1d8: {  	[tilespmem:s17], [sflag:$0x2] =	stream.indirect.gather [hbm4b:s22+s15], $0x80, s11, s15, $0xb8;
	[tilespmem:$0x1E800] =	vst v63  }
0x1d9: {  	_ =	swait.ge [sflag:s31], $0x2000  }
0x1da: {  	[sflag:s31] =	ssyncset.done $0x0  }
0x1db: {  	s9 =	simm.s32 $0x1500;
	[sflag:s31] =	ssyncadd.s32 $0xFFFFE000  }
0x1dc: {  	[spmem:s20] =	stream.indirect.scatter.add.f32 [tilespmem:s21], [sflag:$0x7], $0x80, s9, s15, $0xb8;
	[tilespmem:$0x1E800] =	vst v63  }
0x1dd: {  	_ =	swait.ge [sflag:s18], $0x2000  }
0x1de: {  	[sflag:s18] =	ssyncset.done $0x0  }
0x1df: {  	s10 =	simm.s32 $0x300;
	[sflag:s18] =	ssyncadd.s32 $0xFFFFE000  }
0x1e0: {  	[tilespmem:s21], [sflag:$0x3] =	stream.indirect.gather [hbm4b:s22+s15], $0x80, s10, s15, $0xb8;
	[tilespmem:$0x1E800] =	vst v63  }
0x1e1: {  	_ =	swait.ge [sflag:s0], $0x2000  }
0x1e2: {  	[sflag:s0] =	ssyncset.done $0x0  }
0x1e3: {  	s11 =	simm.s32 $0x1580;
	[sflag:s0] =	ssyncadd.s32 $0xFFFFE000  }
0x1e4: {  	[spmem:s20] =	stream.indirect.scatter.add.f32 [tilespmem:s25], [sflag:$0x8], $0x80, s11, s15, $0xb8;
	[tilespmem:$0x1E800] =	vst v63  }
0x1e5: {  	_ =	swait.ge [sflag:s2], $0x2000  }
0x1e6: {  	[sflag:s2] =	ssyncset.done $0x0  }
0x1e7: {  	s8 =	simm.s32 $0x800;
	s9 =	simm.s32 $0x380;
	[sflag:s2] =	ssyncadd.s32 $0xFFFFE000  }
.LBB2_10:
0x1e8: {  	[tilespmem:s25], [sflag:$0x4] =	stream.indirect.gather [hbm4b:s22+s15], $0x80, s9, s15, $0xb8;
	[tilespmem:$0x1E800] =	vst v63  }
0x1e9: {  	s9 =	smov.u32 s8  }
0x1ea: {  	p0 =	sne.s32 s8, $0x4000;
	s8 =	sadd.s32 $0x800, s8;
	_ =	swait.ge [sflag:s26], $0x2000  }
0x1eb: {  	s9 =	sshra.s32 s9, $0x2;
	[sflag:s26] =	ssyncset.done $0x0  }
0x1ec: {  	s10 =	sadd.s32 $0x1400, s9;
	[sflag:s26] =	ssyncadd.s32 $0xFFFFE000  }
0x1ed: {  	[spmem:s20] =	stream.indirect.scatter.add.f32 [tilespmem:s12], [sflag:$0x5], $0x80, s10, s15, $0xb8;
	[tilespmem:$0x1E800] =	vst v63  }
0x1ee: {  	_ =	swait.ge [sflag:s28], $0x2000  }
0x1ef: {  	[sflag:s28] =	ssyncset.done $0x0  }
0x1f0: {  	s10 =	sadd.s32 $0x200, s9;
	[sflag:s28] =	ssyncadd.s32 $0xFFFFE000  }
0x1f1: {  	[tilespmem:s12], [sflag:$0x1] =	stream.indirect.gather [hbm4b:s22+s15], $0x80, s10, s15, $0xb8;
	[tilespmem:$0x1E800] =	vst v63  }
0x1f2: {  	_ =	swait.ge [sflag:s29], $0x2000  }
0x1f3: {  	[sflag:s29] =	ssyncset.done $0x0  }
0x1f4: {  	s10 =	sadd.s32 $0x1480, s9;
	[sflag:s29] =	ssyncadd.s32 $0xFFFFE000  }
0x1f5: {  	[spmem:s20] =	stream.indirect.scatter.add.f32 [tilespmem:s17], [sflag:$0x6], $0x80, s10, s15, $0xb8;
	[tilespmem:$0x1E800] =	vst v63  }
0x1f6: {  	_ =	swait.ge [sflag:s30], $0x2000  }
0x1f7: {  	[sflag:s30] =	ssyncset.done $0x0  }
0x1f8: {  	s10 =	sadd.s32 $0x280, s9;
	[sflag:s30] =	ssyncadd.s32 $0xFFFFE000  }
0x1f9: {  	[tilespmem:s17], [sflag:$0x2] =	stream.indirect.gather [hbm4b:s22+s15], $0x80, s10, s15, $0xb8;
	[tilespmem:$0x1E800] =	vst v63  }
0x1fa: {  	_ =	swait.ge [sflag:s31], $0x2000  }
0x1fb: {  	[sflag:s31] =	ssyncset.done $0x0  }
0x1fc: {  	s10 =	sadd.s32 $0x1500, s9;
	[sflag:s31] =	ssyncadd.s32 $0xFFFFE000  }
0x1fd: {  	[spmem:s20] =	stream.indirect.scatter.add.f32 [tilespmem:s21], [sflag:$0x7], $0x80, s10, s15, $0xb8;
	[tilespmem:$0x1E800] =	vst v63  }
0x1fe: {  	_ =	swait.ge [sflag:s18], $0x2000  }
0x1ff: {  	[sflag:s18] =	ssyncset.done $0x0  }
0x200: {  	s10 =	sadd.s32 $0x300, s9;
	[sflag:s18] =	ssyncadd.s32 $0xFFFFE000  }
0x201: {  	[tilespmem:s21], [sflag:$0x3] =	stream.indirect.gather [hbm4b:s22+s15], $0x80, s10, s15, $0xb8;
	[tilespmem:$0x1E800] =	vst v63  }
0x202: {  	_ =	swait.ge [sflag:s0], $0x2000  }
0x203: {  	[sflag:s0] =	ssyncset.done $0x0  }
.Ltmp4:
0x204: {  	s10 =	sadd.s32 $0x1580, s9;
	[sflag:s0] =	ssyncadd.s32 $0xFFFFE000;
	(pc) =	sbr.rel @p0 .LBB2_10-.Ltmp4, $4  }
0x205: {  	[spmem:s20] =	stream.indirect.scatter.add.f32 [tilespmem:s25], [sflag:$0x8], $0x80, s10, s15, $0xb8;
	[tilespmem:$0x1E800] =	vst v63  }
0x206: {  	_ =	swait.ge [sflag:s2], $0x2000  }
0x207: {  	[sflag:s2] =	ssyncset.done $0x0  }
0x208: {  	s9 =	sadd.s32 $0x380, s9;
	[sflag:s2] =	ssyncadd.s32 $0xFFFFE000  }
0x209: {  	[tilespmem:s25], [sflag:$0x4] =	stream.indirect.gather [hbm4b:s22+s15], $0x80, s9, s15, $0xb8;
	[tilespmem:$0x1E800] =	vst v63  }
0x20a: {  	_ =	swait.ge [sflag:s26], $0x2000  }
0x20b: {  	[sflag:s26] =	ssyncset.done $0x0  }
0x20c: {  	[sflag:s26] =	ssyncadd.s32 $0xFFFFE000  }
0x20d: {  	[spmem:s20] =	stream.indirect.scatter.add.f32 [tilespmem:s12], [sflag:$0x5], $0x80, s3, s15, $0xb8;
	[tilespmem:$0x1E800] =	vst v63  }
0x20e: {  	_ =	swait.ge [sflag:s28], $0x2000  }
0x20f: {  	[sflag:s28] =	ssyncset.done $0x0  }
0x210: {  	[sflag:s28] =	ssyncadd.s32 $0xFFFFE000  }
0x211: {  	_ =	swait.ge [sflag:s29], $0x2000  }
0x212: {  	[sflag:s29] =	ssyncset.done $0x0  }
0x213: {  	[sflag:s29] =	ssyncadd.s32 $0xFFFFE000  }
0x214: {  	[spmem:s20] =	stream.indirect.scatter.add.f32 [tilespmem:s17], [sflag:$0x6], $0x80, s4, s15, $0xb8;
	[tilespmem:$0x1E800] =	vst v63  }
0x215: {  	_ =	swait.ge [sflag:s30], $0x2000  }
0x216: {  	[sflag:s30] =	ssyncset.done $0x0  }
0x217: {  	[sflag:s30] =	ssyncadd.s32 $0xFFFFE000  }
0x218: {  	_ =	swait.ge [sflag:s31], $0x2000  }
0x219: {  	[sflag:s31] =	ssyncset.done $0x0  }
0x21a: {  	[sflag:s31] =	ssyncadd.s32 $0xFFFFE000  }
0x21b: {  	[spmem:s20] =	stream.indirect.scatter.add.f32 [tilespmem:s21], [sflag:$0x7], $0x80, s5, s15, $0xb8;
	[tilespmem:$0x1E800] =	vst v63  }
0x21c: {  	_ =	swait.ge [sflag:s18], $0x2000  }
0x21d: {  	[sflag:s18] =	ssyncset.done $0x0  }
0x21e: {  	[sflag:s18] =	ssyncadd.s32 $0xFFFFE000  }
0x21f: {  	_ =	swait.ge [sflag:s0], $0x2000  }
0x220: {  	[sflag:s0] =	ssyncset.done $0x0  }
0x221: {  	[sflag:s0] =	ssyncadd.s32 $0xFFFFE000  }
0x222: {  	[spmem:s20] =	stream.indirect.scatter.add.f32 [tilespmem:s25], [sflag:$0x8], $0x80, s6, s15, $0xb8;
	[tilespmem:$0x1E800] =	vst v63  }
0x223: {  	_ =	swait.ge [sflag:s2], $0x2000  }
0x224: {  	[sflag:s2] =	ssyncset.done $0x0  }
0x225: {  	[sflag:s2] =	ssyncadd.s32 $0xFFFFE000  }
0x226: {  	[bflag:$0x0] =	sbarrier.arrive $0xFFFF  }
0x227: {  	[tilespmem:s12], [sflag:$0x9] =	stream.linear.gather [spmem:s23], $0x2000, $0x38;
	[tilespmem:$0x1E800] =	vst v63  }
0x228: {  	_ =	swait.ge [sflag:s13], $0x2000  }
0x229: {  	[sflag:s13] =	ssyncset.done $0x0  }
0x22a: {  	s8 =	rddreg [dreg:$0xc];
	[sflag:s13] =	ssyncadd.s32 $0xFFFFE000  }
0x22b: {  	[hbm4b:s8+s1] =	stream.linear.scatter [tilespmem:s12], [sflag:$0x9], $0x2000, $0x38;
	[tilespmem:$0x1E800] =	vst v63  }
0x22c: {  	_ =	swait.ge [sflag:s13], $0x2000  }
0x22d: {  	[sflag:s13] =	ssyncset.done $0x0  }
0x22e: {  	s11 =	rddreg [dreg:$0x17];
	[sflag:s13] =	ssyncadd.s32 $0xFFFFE000  }
0x22f: {  	[tilespmem:s12], [sflag:$0x9] =	stream.linear.gather [spmem:s11], $0x2000, $0x38;
	[tilespmem:$0x1E800] =	vst v63  }
0x230: {  	_ =	swait.ge [sflag:s13], $0x2000  }
0x231: {  	[sflag:s13] =	ssyncset.done $0x0  }
0x232: {  	s9 =	rddreg [dreg:$0xd];
	[sflag:s13] =	ssyncadd.s32 $0xFFFFE000  }
0x233: {  	[hbm4b:s9+s1] =	stream.linear.scatter [tilespmem:s12], [sflag:$0x9], $0x2000, $0x38;
	[tilespmem:$0x1E800] =	vst v63  }
0x234: {  	_ =	swait.ge [sflag:s13], $0x2000  }
0x235: {  	[sflag:s13] =	ssyncset.done $0x0  }
0x236: {  	s10 =	rddreg [dreg:$0x18];
	[sflag:s13] =	ssyncadd.s32 $0xFFFFE000  }
0x237: {  	[tilespmem:s12], [sflag:$0x9] =	stream.linear.gather [spmem:s10], $0x2000, $0x38;
	[tilespmem:$0x1E800] =	vst v63  }
0x238: {  	_ =	swait.ge [sflag:s13], $0x2000  }
0x239: {  	[sflag:s13] =	ssyncset.done $0x0  }
0x23a: {  	s11 =	rddreg [dreg:$0xe];
	[sflag:s13] =	ssyncadd.s32 $0xFFFFE000  }
0x23b: {  	[hbm4b:s11+s1] =	stream.linear.scatter [tilespmem:s12], [sflag:$0x9], $0x2000, $0x38;
	[tilespmem:$0x1E800] =	vst v63  }
0x23c: {  	_ =	swait.ge [sflag:s13], $0x2000  }
0x23d: {  	[sflag:s13] =	ssyncset.done $0x0  }
0x23e: {  	s9 =	rddreg [dreg:$0x19];
	[sflag:s13] =	ssyncadd.s32 $0xFFFFE000  }
0x23f: {  	[tilespmem:s12], [sflag:$0x9] =	stream.linear.gather [spmem:s9], $0x2000, $0x38;
	[tilespmem:$0x1E800] =	vst v63  }
0x240: {  	_ =	swait.ge [sflag:s13], $0x2000  }
0x241: {  	[sflag:s13] =	ssyncset.done $0x0  }
0x242: {  	s10 =	rddreg [dreg:$0xf];
	[sflag:s13] =	ssyncadd.s32 $0xFFFFE000  }
0x243: {  	[hbm4b:s10+s1] =	stream.linear.scatter [tilespmem:s12], [sflag:$0x9], $0x2000, $0x38;
	[tilespmem:$0x1E800] =	vst v63  }
0x244: {  	_ =	swait.ge [sflag:s13], $0x2000  }
0x245: {  	[sflag:s13] =	ssyncset.done $0x0  }
0x246: {  	s11 =	rddreg [dreg:$0x1a];
	[sflag:s13] =	ssyncadd.s32 $0xFFFFE000  }
0x247: {  	[tilespmem:s12], [sflag:$0x9] =	stream.linear.gather [spmem:s11], $0x2000, $0x38;
	[tilespmem:$0x1E800] =	vst v63  }
0x248: {  	_ =	swait.ge [sflag:s13], $0x2000  }
0x249: {  	[sflag:s13] =	ssyncset.done $0x0  }
0x24a: {  	s9 =	rddreg [dreg:$0x10];
	[sflag:s13] =	ssyncadd.s32 $0xFFFFE000  }
0x24b: {  	[hbm4b:s9+s1] =	stream.linear.scatter [tilespmem:s12], [sflag:$0x9], $0x2000, $0x38;
	[tilespmem:$0x1E800] =	vst v63  }
0x24c: {  	_ =	swait.ge [sflag:s13], $0x2000  }
0x24d: {  	[sflag:s13] =	ssyncset.done $0x0  }
0x24e: {  	s10 =	rddreg [dreg:$0x1b];
	[sflag:s13] =	ssyncadd.s32 $0xFFFFE000  }
0x24f: {  	[tilespmem:s12], [sflag:$0x9] =	stream.linear.gather [spmem:s10], $0x2000, $0x38;
	[tilespmem:$0x1E800] =	vst v63  }
0x250: {  	_ =	swait.ge [sflag:s13], $0x2000  }
0x251: {  	[sflag:s13] =	ssyncset.done $0x0  }
0x252: {  	s11 =	rddreg [dreg:$0x11];
	[sflag:s13] =	ssyncadd.s32 $0xFFFFE000  }
0x253: {  	[hbm4b:s11+s1] =	stream.linear.scatter [tilespmem:s12], [sflag:$0x9], $0x2000, $0x38;
	[tilespmem:$0x1E800] =	vst v63  }
0x254: {  	_ =	swait.ge [sflag:s13], $0x2000  }
0x255: {  	[sflag:s13] =	ssyncset.done $0x0  }
0x256: {  	s9 =	rddreg [dreg:$0x1c];
	[sflag:s13] =	ssyncadd.s32 $0xFFFFE000  }
0x257: {  	[tilespmem:s12], [sflag:$0x9] =	stream.linear.gather [spmem:s9], $0x2000, $0x38;
	[tilespmem:$0x1E800] =	vst v63  }
0x258: {  	_ =	swait.ge [sflag:s13], $0x2000  }
0x259: {  	[sflag:s13] =	ssyncset.done $0x0  }
0x25a: {  	s10 =	rddreg [dreg:$0x12];
	[sflag:s13] =	ssyncadd.s32 $0xFFFFE000  }
0x25b: {  	[hbm4b:s10+s1] =	stream.linear.scatter [tilespmem:s12], [sflag:$0x9], $0x2000, $0x38;
	[tilespmem:$0x1E800] =	vst v63  }
0x25c: {  	_ =	swait.ge [sflag:s13], $0x2000  }
0x25d: {  	[sflag:s13] =	ssyncset.done $0x0  }
0x25e: {  	s11 =	rddreg [dreg:$0x1d];
	[sflag:s13] =	ssyncadd.s32 $0xFFFFE000  }
0x25f: {  	[tilespmem:s12], [sflag:$0x9] =	stream.linear.gather [spmem:s11], $0x2000, $0x38;
	[tilespmem:$0x1E800] =	vst v63  }
0x260: {  	_ =	swait.ge [sflag:s13], $0x2000  }
0x261: {  	[sflag:s13] =	ssyncset.done $0x0  }
0x262: {  	s9 =	rddreg [dreg:$0x13];
	[sflag:s13] =	ssyncadd.s32 $0xFFFFE000  }
0x263: {  	[hbm4b:s9+s1] =	stream.linear.scatter [tilespmem:s12], [sflag:$0x9], $0x2000, $0x38;
	[tilespmem:$0x1E800] =	vst v63  }
0x264: {  	_ =	swait.ge [sflag:s13], $0x2000  }
0x265: {  	[sflag:s13] =	ssyncset.done $0x0  }
0x266: {  	s10 =	rddreg [dreg:$0x1e];
	[sflag:s13] =	ssyncadd.s32 $0xFFFFE000  }
0x267: {  	[tilespmem:s12], [sflag:$0x9] =	stream.linear.gather [spmem:s10], $0x2000, $0x38;
	[tilespmem:$0x1E800] =	vst v63  }
0x268: {  	_ =	swait.ge [sflag:s13], $0x2000  }
0x269: {  	[sflag:s13] =	ssyncset.done $0x0  }
0x26a: {  	s11 =	rddreg [dreg:$0x14];
	[sflag:s13] =	ssyncadd.s32 $0xFFFFE000  }
0x26b: {  	[hbm4b:s11+s1] =	stream.linear.scatter [tilespmem:s12], [sflag:$0x9], $0x2000, $0x38;
	[tilespmem:$0x1E800] =	vst v63  }
0x26c: {  	_ =	swait.ge [sflag:s13], $0x2000  }
0x26d: {  	[sflag:s13] =	ssyncset.done $0x0  }
0x26e: {  	s9 =	rddreg [dreg:$0x1f];
	[sflag:s13] =	ssyncadd.s32 $0xFFFFE000  }
0x26f: {  	[tilespmem:s12], [sflag:$0x9] =	stream.linear.gather [spmem:s9], $0x2000, $0x38;
	[tilespmem:$0x1E800] =	vst v63  }
0x270: {  	_ =	swait.ge [sflag:s13], $0x2000  }
0x271: {  	[sflag:s13] =	ssyncset.done $0x0  }
0x272: {  	s10 =	rddreg [dreg:$0x15];
	[sflag:s13] =	ssyncadd.s32 $0xFFFFE000  }
0x273: {  	[hbm4b:s10+s1] =	stream.linear.scatter [tilespmem:s12], [sflag:$0x9], $0x2000, $0x38;
	[tilespmem:$0x1E800] =	vst v63  }
0x274: {  	_ =	swait.ge [sflag:s13], $0x2000  }
0x275: {  	s7 =	sadd.s32 $0x1, s7;
	s11 =	rddreg [dreg:$0x16]  }
0x276: {  	p0 =	sne.s32 s7, s11  }
.Ltmp5:
0x277: {  	_ = 	snop;
	(pc) =	sbr.rel @p0 .LBB2_1-.Ltmp5, $3  }
0x278: {  	_ =	sdelay $0x1  }
0x279: {  	[sflag:s13] =	ssyncset.done $0x0  }
0x27a: {  	[sflag:s13] =	ssyncadd.s32 $0xFFFFE000  }
0x27b: {  	_ =	sfence.sel $0x180000  }
0x27c: {  	[bflag:$0x0] =	sbarrier.arrive $0xFFFF  }
0x27d: {  	_ =	strace $0x9000004A  }
0x27e: {  	s0 =	stileid.u32;
	[bflag:$0x2] =	sbarrier.arrive $0xFFFF  }
0x27f: {  	p0 =	sne.s32 s0, $0x0;
	s0 =	rddreg [dreg:$0x3]  }
0x280: {  	s0 =	sadd.s32 @!p0 $0x100000, s0  }
0x281: {  	[sflag:s0] =	ssyncadd.tile.s32 @!p0 $0x1;
	_ =	shalt  }
.Lfunc_end2:
_tile_overlayer_lowered:
.L_overlay_start_2:
0x282: {  	(tag) =	ssettag $0x2  }
0x283: {  	s0 =	rddreg [dreg:$0x0];
	s2 =	stileid.u32  }
0x284: {  	s1 =	rddreg [dreg:$0x1];
	p0 =	sne.s32 s2, $0x0  }
0x285: {  	s3 =	rddreg [dreg:$0x2];
	[bflag:$0x3] =	sbarrier.arrive $0xFFFF;
	s2 =	simm.s32 @!p0 $0x1C09  }
0x286: {  	[timem:s3], [sflag:s2] =	dma.local @!p0 [hbm:s0], s1  }
0x287: {  	s0 =	simm.s32 @!p0 $0x9  }
0x288: {  	_ =	swait.ge @!p0 [sflag:s0], s1  }
0x289: {  	s1 =	ssub.s32 @!p0 $0x0, s1;
	[sflag:s0] =	ssyncset.done @!p0 $0x0  }
0x28a: {  	[sflag:s0] =	ssyncadd.s32 @!p0 s1  }
0x28b: {  	[bflag:$0x3] =	sbarrier.arrive $0xFFFF  }
0x28c: {  	_ =	shalt  }

</sc_bundles>
